<compile_context>
chip_gen: v7x
topology: tpu7x:2x2x1
jax: 0.10.2.dev20260603
libtpu: 0.0.44.dev20260713+nightly
codegen_flags: <defaults>
</compile_context>

<pallas_src>
import functools

import jax
import jax.numpy as jnp
from jax import lax
from jax.experimental import pallas as pl
from jax.experimental.pallas import tpu as pltpu
from jax.experimental.pallas import tpu_sc as plsc

N_USERS = 30000
N_ITEMS = 20000
N = N_USERS + N_ITEMS
D = 64
Q = 16
NUM_LAYERS = 3
E = 800000

NC = 2
NS = 16

NP = 51200
RPT = NP // NS
NSUB = 8
SUB = RPT // NSUB

CHUNK = 128
NCHUNK = 396
EPT = CHUNK * NCHUNK
EP = EPT * NS
NBUF = 6

_MAGIC = 0x5F3759DF


def _gcn_body(ep_hbm, emb_hbm,
              x_hbm, z_hbm,
              dis_v, ed_v,
              dst0, dst1, dst2, dst3, dst4, dst5,
              s20, s21, s22, s23, s24, s25,
              rows0, rows1, rows2, rows3, rows4, rows5,
              ones_v, zbuf, zz_v, av,
              acc_sh,
              sem0, sem1, sem2, sem3, sem4, sem5):
    c = lax.axis_index("c")
    s = lax.axis_index("s")
    zeros16 = jnp.zeros((16,), jnp.float32)
    ones16 = jnp.ones((16,), jnp.float32)
    r0 = s * RPT
    b0 = s * NCHUNK
    ROWS = (rows0, rows1, rows2, rows3, rows4, rows5)
    DSTS = (dst0, dst1, dst2, dst3, dst4, dst5)
    S2S = (s20, s21, s22, s23, s24, s25)
    SEMS = (sem0, sem1, sem2, sem3, sem4, sem5)

    def _z2(i, _):
        zbuf[i, pl.ds(0, 16)] = zeros16
        return 0
    lax.fori_loop(0, SUB, _z2, 0)

    def _z3(i, _):
        ones_v[i, pl.ds(0, 16)] = ones16
        return 0
    lax.fori_loop(0, CHUNK, _z3, 0)

    def _zero_acc(jc, _):
        pltpu.sync_copy(zbuf, acc_sh.at[pl.ds(r0 + jc * SUB, SUB)])
        return 0
    lax.fori_loop(0, NSUB, _zero_acc, 0)
    plsc.subcore_barrier()

    def _deg4(i, _):
        for b in range(4):
            k = 4 * i + b
            dstv, sem = DSTS[b], SEMS[b]

            @pl.when(k >= 4)
            def _dwait(dstv=dstv, sem=sem):
                pltpu.make_async_copy(
                    ones_v, acc_sh.at[dstv], sem).wait()

            blk = (b0 + k) * (2 * CHUNK) + CHUNK
            pltpu.sync_copy(ep_hbm.at[pl.ds(blk, CHUNK)], dstv)
            pltpu.async_copy(ones_v, acc_sh.at[dstv], sem, add=True)
        return 0
    lax.fori_loop(0, NCHUNK // 4, _deg4, 0)
    for b in range(4):
        pltpu.make_async_copy(ones_v, acc_sh.at[DSTS[b]], SEMS[b]).wait()
    plsc.subcore_barrier()

    half16 = jnp.full((16,), 0.5, jnp.float32)
    magic16 = jnp.full((16,), _MAGIC, jnp.int32)
    iota16 = lax.iota(jnp.int32, 16)
    zeroi16 = jnp.zeros((16,), jnp.int32)
    def _disj(jc, _):
        rb = r0 + jc * SUB
        pltpu.sync_copy(acc_sh.at[pl.ds(rb, SUB)], av)
        def _g(g, _):
            ridx = lax.broadcast_in_dim(g * 16, (16,), ()) + iota16
            d = plsc.load_gather(av, [ridx, zeroi16])
            bits = plsc.bitcast(d, jnp.int32)
            bits = magic16 - lax.shift_right_logical(bits, 1)
            y = plsc.bitcast(bits, jnp.float32)
            for _n in range(3):
                y = y * (1.5 - 0.5 * d * y * y)
            dis_v[pl.ds(jc * SUB + g * 16, 16)] = jnp.where(
                d > half16, y, zeros16)
            return 0
        lax.fori_loop(0, SUB // 16, _g, 0)
        return 0
    lax.fori_loop(0, NSUB, _disj, 0)

    def _layer(l, __):
        lgt0 = l > 0
        def _pass(p, __p):
            qoff = (2 * c + p) * NP
            q16 = lax.broadcast_in_dim(qoff, (16,), ())

            def _prep(k, bi):
                rows, dstv, s2v, sem = ROWS[bi], DSTS[bi], S2S[bi], SEMS[bi]
                blk = (b0 + k) * (2 * CHUNK)
                pltpu.sync_copy(ep_hbm.at[pl.ds(blk, 2 * CHUNK)], ed_v)
                for j in range(CHUNK // 16):
                    sl = pl.ds(j * 16, 16)
                    s2v[sl] = ed_v[sl] + q16
                    dstv[sl] = ed_v[pl.ds(CHUNK + j * 16, 16)]
                pltpu.async_copy(z_hbm.at[s2v], rows, sem)

            @pl.when(lgt0)
            def _edge_phase():
                def _zero(jc, _):
                    pltpu.sync_copy(zbuf, acc_sh.at[pl.ds(r0 + jc * SUB, SUB)])
                    return 0
                lax.fori_loop(0, NSUB, _zero, 0)
                plsc.subcore_barrier()

                _prep(0, 0)
                _prep(1, 1)

                def _six(i, _):
                    for b in range(NBUF):
                        k = 6 * i + b
                        bn = (b + 2) % NBUF
                        rows, dstv, s2v, sem = (
                            ROWS[b], DSTS[b], S2S[b], SEMS[b])
                        rn, dn, semn = ROWS[bn], DSTS[bn], SEMS[bn]

                        @pl.when(k >= 4)
                        def _wait_s(rn=rn, dn=dn, semn=semn):
                            pltpu.make_async_copy(
                                rn, acc_sh.at[dn], semn).wait()

                        @pl.when(k <= NCHUNK - 3)
                        def _next(k=k, bn=bn):
                            _prep(k + 2, bn)

                        pltpu.make_async_copy(
                            z_hbm.at[s2v], rows, sem).wait()
                        pltpu.async_copy(
                            rows, acc_sh.at[dstv], sem, add=True)
                    return 0
                lax.fori_loop(0, NCHUNK // NBUF, _six, 0)
                for m in range(NCHUNK - 4, NCHUNK):
                    b = m % NBUF
                    pltpu.make_async_copy(
                        ROWS[b], acc_sh.at[DSTS[b]], SEMS[b]).wait()
                plsc.subcore_barrier()

            m16 = jnp.where(
                lax.broadcast_in_dim(lgt0, (16,), ()), ones16, zeros16)

            def _epi(jc, _):
                rb = r0 + jc * SUB
                gb = qoff + rb

                @pl.when(lgt0)
                def _from_acc():
                    pltpu.sync_copy(acc_sh.at[pl.ds(rb, SUB)], av)

                @pl.when(jnp.logical_not(lgt0))
                def _from_emb():
                    pltpu.sync_copy(emb_hbm.at[pl.ds(gb, SUB)], av)

                def _row(rr, _):
                    ridx = lax.broadcast_in_dim(jc * SUB + rr, (16,), ())
                    dv = plsc.load_gather(dis_v, [ridx])
                    scale = dv * m16 + (ones16 - m16)
                    sl = pl.ds(0, 16)
                    x = av[rr, sl] * scale
                    av[rr, sl] = x
                    zz_v[rr, sl] = x * dv
                    return 0
                lax.fori_loop(0, SUB, _row, 0)
                pltpu.sync_copy(av, x_hbm.at[pl.ds(l * 4 * NP + gb, SUB)])
                @pl.when(l < NUM_LAYERS)
                def _zw():
                    pltpu.sync_copy(zz_v, z_hbm.at[pl.ds(gb, SUB)])
                return 0
            lax.fori_loop(0, NSUB, _epi, 0)
            plsc.subcore_barrier()
            return 0
        lax.fori_loop(0, 2, _pass, 0)
        return 0

    lax.fori_loop(0, NUM_LAYERS + 1, _layer, 0)


def _mean_body(a_ref, b_ref, c_ref, d_ref, o_ref):
    o_ref[...] = 0.25 * (a_ref[...] + b_ref[...] + c_ref[...] + d_ref[...])


@functools.partial(jax.jit, static_argnums=())
def _gcn(ep, emb_cat):
    mesh = plsc.VectorSubcoreMesh(
        core_axis_name="c", subcore_axis_name="s",
        num_cores=NC, num_subcores=NS)
    f = pl.kernel(
        _gcn_body,
        out_type=[
            pltpu.HBM(((NUM_LAYERS + 1) * 4 * NP, Q), jnp.float32),
            pltpu.HBM((4 * NP, Q), jnp.float32),
        ],
        mesh=mesh,
        compiler_params=pltpu.CompilerParams(
            needs_layout_passes=False, use_tc_tiling_on_sc=False),
        scratch_types=(
            [pltpu.VMEM((RPT,), jnp.float32),
             pltpu.VMEM((2 * CHUNK,), jnp.int32)]
            + [pltpu.VMEM((CHUNK,), jnp.int32) for _ in range(NBUF)]
            + [pltpu.VMEM((CHUNK,), jnp.int32) for _ in range(NBUF)]
            + [pltpu.VMEM((CHUNK, Q), jnp.float32) for _ in range(NBUF)]
            + [pltpu.VMEM((CHUNK, Q), jnp.float32),
               pltpu.VMEM((SUB, Q), jnp.float32),
               pltpu.VMEM((SUB, Q), jnp.float32),
               pltpu.VMEM((SUB, Q), jnp.float32),
               pltpu.VMEM_SHARED((NP, Q), jnp.float32)]
            + [pltpu.SemaphoreType.DMA for _ in range(NBUF)]
        ),
    )
    x_all, _z = f(ep, emb_cat)

    ROWS = 4 * NP * Q // 128
    BR = 256
    xf = x_all.reshape((NUM_LAYERS + 1) * ROWS, 128)
    spec_l = lambda l: pl.BlockSpec(
        (BR, 128), lambda i, l=l: (l * (ROWS // BR) + i, 0))
    mean_flat = pl.pallas_call(
        _mean_body,
        grid=(ROWS // BR,),
        in_specs=[spec_l(0), spec_l(1), spec_l(2), spec_l(3)],
        out_specs=pl.BlockSpec((BR, 128), lambda i: (i, 0)),
        out_shape=jax.ShapeDtypeStruct((ROWS, 128), jnp.float32),
    )(xf, xf, xf, xf)
    return mean_flat.reshape(4 * NP, Q)


def kernel(edge_index, edge_attrs, embedding):
    del edge_attrs
    src = edge_index[0].astype(jnp.int32)
    dst = edge_index[1].astype(jnp.int32)
    pad = jnp.full((EP - E,), N, jnp.int32)
    src_pad = jnp.concatenate([src, pad]).reshape(-1, CHUNK)
    dst_pad = jnp.concatenate([dst, pad]).reshape(-1, CHUNK)
    ep = jnp.stack([src_pad, dst_pad], axis=1).reshape(-1)
    emb_pad = jnp.zeros((NP, D), jnp.float32).at[:N].set(embedding)
    emb_cat = jnp.concatenate(
        [emb_pad[:, i * Q:(i + 1) * Q] for i in range(4)], axis=0)
    m = _gcn(ep, emb_cat)
    return jnp.concatenate(
        [m[i * NP:i * NP + N] for i in range(4)], axis=1)

# --- scband reference (transcript-rebuilt; emitter-appended) ---
"""Pipeline reference for scband-rec-sys-gnn-28484223107433 (READ-ONLY COPY).

The authoritative reference and input builder live on the scoring server;
editing this copy changes nothing except your own understanding.
"""

import jax, jax.numpy as jnp
import numpy as np

N_USERS = 30000
N_ITEMS = 20000
N = N_USERS + N_ITEMS
E = 800000
D = 64
NUM_LAYERS = 3


def setup_inputs(seed: int = 0) -> dict:
    key = jax.random.key(seed)
    k1, k2, k3 = jax.random.split(key, 3)
    edge_index = jax.random.randint(k1, (2, E), 0, N)
    edge_attrs = jax.random.uniform(k2, (E,), dtype=jnp.float32)
    # Learned parameter: nn.Embedding(num_users + num_items, latent_dim).weight
    embedding = jax.random.normal(k3, (N, D), dtype=jnp.float32) * 0.1
    return {"edge_index": edge_index, "edge_attrs": edge_attrs, "embedding": embedding}


def _lightgcn_conv(x, edge_index):
    # LightGCNConv.forward: symmetric-normalized propagate with aggr='add'
    src = edge_index[0]
    dst = edge_index[1]
    n = x.shape[0]
    deg = jnp.zeros((n,), dtype=x.dtype).at[dst].add(1.0)
    deg_inv_sqrt = jnp.where(deg > 0, 1.0 / jnp.sqrt(jnp.maximum(deg, 1.0)), 0.0)
    norm = deg_inv_sqrt[src] * deg_inv_sqrt[dst]
    msgs = x[src] * norm[:, None]  # message: norm.view(-1,1) * x_j
    out = jnp.zeros_like(x).at[dst].add(msgs)  # scatter-add aggregate
    return out


def reference(edge_index, edge_attrs, embedding):
    # RecSysGNN forward with model='LightGCN': layer-0 embeddings, propagate
    # through num_layers LightGCNConv layers (edge_attrs unused by LightGCNConv),
    # final embedding = mean over all layer outputs (standard LightGCN readout).
    emb0 = embedding
    embs = [emb0]
    emb = emb0
    for _ in range(NUM_LAYERS):
        emb = _lightgcn_conv(emb, edge_index)
        embs.append(emb)
    out = jnp.mean(jnp.stack(embs, axis=0), axis=0)
    return out

if __name__ == "__main__":
    import jax
    _d = setup_inputs()
    print(jax.jit(kernel)(*tuple(_d.values())))

</pallas_src>

<mosaic_0001>
#map = affine_map<(d0, d1) -> (0)>
#map1 = affine_map<(d0, d1) -> (0, 0)>
module attributes {stable_mosaic.version = 14 : i64} {
  func.func @_gcn_body(%arg0: i32, %arg1: i32, %arg2: memref<1622016xi32, #tpu.memory_space<hbm>>, %arg3: memref<204800x16xf32, #tpu.memory_space<hbm>>, %arg4: memref<819200x16xf32, #tpu.memory_space<hbm>>, %arg5: memref<204800x16xf32, #tpu.memory_space<hbm>>, %arg6: memref<3200xf32, #tpu.memory_space<vmem>>, %arg7: memref<256xi32, #tpu.memory_space<vmem>>, %arg8: memref<128xi32, #tpu.memory_space<vmem>>, %arg9: memref<128xi32, #tpu.memory_space<vmem>>, %arg10: memref<128xi32, #tpu.memory_space<vmem>>, %arg11: memref<128xi32, #tpu.memory_space<vmem>>, %arg12: memref<128xi32, #tpu.memory_space<vmem>>, %arg13: memref<128xi32, #tpu.memory_space<vmem>>, %arg14: memref<128xi32, #tpu.memory_space<vmem>>, %arg15: memref<128xi32, #tpu.memory_space<vmem>>, %arg16: memref<128xi32, #tpu.memory_space<vmem>>, %arg17: memref<128xi32, #tpu.memory_space<vmem>>, %arg18: memref<128xi32, #tpu.memory_space<vmem>>, %arg19: memref<128xi32, #tpu.memory_space<vmem>>, %arg20: memref<128x16xf32, #tpu.memory_space<vmem>>, %arg21: memref<128x16xf32, #tpu.memory_space<vmem>>, %arg22: memref<128x16xf32, #tpu.memory_space<vmem>>, %arg23: memref<128x16xf32, #tpu.memory_space<vmem>>, %arg24: memref<128x16xf32, #tpu.memory_space<vmem>>, %arg25: memref<128x16xf32, #tpu.memory_space<vmem>>, %arg26: memref<128x16xf32, #tpu.memory_space<vmem>>, %arg27: memref<400x16xf32, #tpu.memory_space<vmem>>, %arg28: memref<400x16xf32, #tpu.memory_space<vmem>>, %arg29: memref<400x16xf32, #tpu.memory_space<vmem>>, %arg30: memref<51200x16xf32, #tpu.memory_space<vmem_shared>>, %arg31: memref<!tpu.dma_semaphore, #tpu.memory_space<semaphore_mem>>, %arg32: memref<!tpu.dma_semaphore, #tpu.memory_space<semaphore_mem>>, %arg33: memref<!tpu.dma_semaphore, #tpu.memory_space<semaphore_mem>>, %arg34: memref<!tpu.dma_semaphore, #tpu.memory_space<semaphore_mem>>, %arg35: memref<!tpu.dma_semaphore, #tpu.memory_space<semaphore_mem>>, %arg36: memref<!tpu.dma_semaphore, #tpu.memory_space<semaphore_mem>>) attributes {dimension_semantics = [#tpu.dimension_semantics<core_parallel>, #tpu.dimension_semantics<subcore_parallel>], iteration_bounds = array<i64: 2, 16>, scalar_prefetch = 0 : i64, scratch_operands = 31 : i64, tpu.core_type = #tpu.core_type<sc_vector_subcore>, window_params = [{transform_indices = #map}, {transform_indices = #map1}, {transform_indices = #map1}, {transform_indices = #map1}]} {
    %broadcast_in_dim3A = arith.constant 0.000000e+00 : f32
    %broadcast_in_dim3A_0 = vector.broadcast %broadcast_in_dim3A : f32 to vector<16xf32>
    %broadcast_in_dim3A_1 = arith.constant 1.000000e+00 : f32
    %broadcast_in_dim3A_2 = vector.broadcast %broadcast_in_dim3A_1 : f32 to vector<16xf32>
    %mul3A = arith.constant 3200 : i32
    %mul3A_3 = arith.muli %arg1, %mul3A : i32
    %mul3A_4 = arith.constant 396 : i32
    %mul3A_5 = arith.muli %arg1, %mul3A_4 : i32
    %scan3A = arith.constant 0 : i32
    %scan3A_6 = arith.constant 0 : i32
    %scan3A_7 = arith.constant 400 : i32
    %scan3A_8 = arith.addi %scan3A_6, %scan3A_7 : i32
    %scan3A_9 = arith.constant 1 : i32
    %scan3A_10 = scf.for %scan3A_65 = %scan3A_6 to %scan3A_8 step %scan3A_9 iter_args(%scan3A_66 = %scan3A) -> (i32)  : i32 {
      %swap3A = arith.index_cast %scan3A_65 : i32 to index
      %swap3A_67 = arith.constant 0 : index
      %swap3A_68 = tpu.vector_load %arg27[%swap3A, %swap3A_67] {strides = array<i32>} : memref<400x16xf32, #tpu.memory_space<vmem>>, vector<16xf32>,
      tpu.vector_store %arg27[%swap3A, %swap3A_67], %broadcast_in_dim3A_0 {strides = array<i32>} : memref<400x16xf32, #tpu.memory_space<vmem>>, vector<16xf32>,
      %scan3A_69 = arith.constant 0 : i32
      scf.yield %scan3A_69 : i32
    }
    %scan3A_11 = arith.constant 400 : i32
    %scan3A_12 = arith.constant 0 : i32
    %scan3A_13 = arith.constant 0 : i32
    %scan3A_14 = arith.constant 128 : i32
    %scan3A_15 = arith.addi %scan3A_13, %scan3A_14 : i32
    %scan3A_16 = arith.constant 1 : i32
    %scan3A_17 = scf.for %scan3A_65 = %scan3A_13 to %scan3A_15 step %scan3A_16 iter_args(%scan3A_66 = %scan3A_12) -> (i32)  : i32 {
      %swap3A = arith.index_cast %scan3A_65 : i32 to index
      %swap3A_67 = arith.constant 0 : index
      %swap3A_68 = tpu.vector_load %arg26[%swap3A, %swap3A_67] {strides = array<i32>} : memref<128x16xf32, #tpu.memory_space<vmem>>, vector<16xf32>,
      tpu.vector_store %arg26[%swap3A, %swap3A_67], %broadcast_in_dim3A_2 {strides = array<i32>} : memref<128x16xf32, #tpu.memory_space<vmem>>, vector<16xf32>,
      %scan3A_69 = arith.constant 0 : i32
      scf.yield %scan3A_69 : i32
    }
    %scan3A_18 = arith.constant 128 : i32
    %scan3A_19 = arith.constant 0 : i32
    %scan3A_20 = arith.constant 0 : i32
    %scan3A_21 = arith.constant 8 : i32
    %scan3A_22 = arith.addi %scan3A_20, %scan3A_21 : i32
    %scan3A_23 = arith.constant 1 : i32
    %scan3A_24 = scf.for %scan3A_65 = %scan3A_20 to %scan3A_22 step %scan3A_23 iter_args(%scan3A_66 = %scan3A_19) -> (i32)  : i32 {
      %mul3A_67 = arith.constant 400 : i32
      %mul3A_68 = arith.muli %scan3A_65, %mul3A_67 : i32
      %add3A = arith.addi %mul3A_3, %mul3A_68 : i32
      "tpu.region"() ({
        %run_scoped3A = tpu.sem_alloc : memref<!tpu.dma_semaphore, #tpu.memory_space<semaphore_mem>>
        %dma_start3A = arith.constant 0 : i32
        %dma_start3A_70 = tpu.memref_slice %arg30[%add3A, %dma_start3A] : memref<51200x16xf32, #tpu.memory_space<vmem_shared>> -> memref<400x16xf32, #tpu.memory_space<vmem_shared>>
        %dma_start3A_71 = arith.constant 0 : i32
        %dma_start3A_72 = tpu.memref_slice %arg30[%add3A, %dma_start3A_71] : memref<51200x16xf32, #tpu.memory_space<vmem_shared>> -> memref<400x16xf32, #tpu.memory_space<vmem_shared>>
        tpu.enqueue_dma source(%arg27 : memref<400x16xf32, #tpu.memory_space<vmem>>) target(%dma_start3A_72 : memref<400x16xf32, #tpu.memory_space<vmem_shared>>) target_semaphore(%run_scoped3A : memref<!tpu.dma_semaphore, #tpu.memory_space<semaphore_mem>>)
        %dma_wait3A_73 = arith.constant 0 : i32
        %dma_wait3A_74 = tpu.memref_slice %arg30[%add3A, %dma_wait3A_73] : memref<51200x16xf32, #tpu.memory_space<vmem_shared>> -> memref<400x16xf32, #tpu.memory_space<vmem_shared>>
        %dma_wait3A_75 = arith.constant 0 : i32
        %dma_wait3A_76 = tpu.memref_slice %arg30[%add3A, %dma_wait3A_75] : memref<51200x16xf32, #tpu.memory_space<vmem_shared>> -> memref<400x16xf32, #tpu.memory_space<vmem_shared>>
        tpu.wait_dma2 semaphore(%run_scoped3A : memref<!tpu.dma_semaphore, #tpu.memory_space<semaphore_mem>>) src(%arg27 : memref<400x16xf32, #tpu.memory_space<vmem>>) dst(%dma_wait3A_76 : memref<400x16xf32, #tpu.memory_space<vmem_shared>>)
        tpu.yield
      }) : () -> ()
      %scan3A_69 = arith.constant 0 : i32
      scf.yield %scan3A_69 : i32
    }
    %scan3A_25 = arith.constant 8 : i32
    %barrier3A = arith.constant 0 : index
    tpu.barrier barrier_id(%barrier3A)
    %scan3A_26 = arith.constant 0 : i32
    %scan3A_27 = arith.constant 0 : i32
    %scan3A_28 = arith.constant 99 : i32
    %scan3A_29 = arith.addi %scan3A_27, %scan3A_28 : i32
    %scan3A_30 = arith.constant 1 : i32
    %scan3A_31 = scf.for %scan3A_65 = %scan3A_27 to %scan3A_29 step %scan3A_30 iter_args(%scan3A_66 = %scan3A_26) -> (i32)  : i32 {
      %mul3A_67 = arith.constant 4 : i32
      %mul3A_68 = arith.muli %mul3A_67, %scan3A_65 : i32
      %add3A = arith.constant 0 : i32
      %add3A_69 = arith.addi %mul3A_68, %add3A : i32
      %ge3A = arith.constant 4 : i32
      %ge3A_70 = arith.cmpi sge, %add3A_69, %ge3A : i32
      %convert_element_type3A = arith.extui %ge3A_70 : i1 to i32
      %cond3A = arith.constant 0 : i32
      %cond3A_71 = arith.cmpi ne, %convert_element_type3A, %cond3A : i32
      scf.if %cond3A_71 {
        %dma_wait3A_131 = arith.constant 0 : i32
        %dma_wait3A_132 = arith.constant 0 : i32
        %dma_wait3A_133 = tpu.memref_slice %arg30[%dma_wait3A_131, %dma_wait3A_132] : memref<51200x16xf32, #tpu.memory_space<vmem_shared>> -> memref<51200x16xf32, #tpu.memory_space<vmem_shared>>
        tpu.wait_indirect_dma semaphore(%arg31 : memref<!tpu.dma_semaphore, #tpu.memory_space<semaphore_mem>>) src(%arg26 : memref<128x16xf32, #tpu.memory_space<vmem>>) dst(%dma_wait3A_133 : memref<51200x16xf32, #tpu.memory_space<vmem_shared>>)
      } else {
      }
      %add3A_72 = arith.addi %mul3A_5, %add3A_69 : i32
      %mul3A_73 = arith.constant 256 : i32
      %mul3A_74 = arith.muli %add3A_72, %mul3A_73 : i32
      %add3A_75 = arith.constant 128 : i32
      %add3A_76 = arith.addi %mul3A_74, %add3A_75 : i32
      "tpu.region"() ({
        %run_scoped3A = tpu.sem_alloc : memref<!tpu.dma_semaphore, #tpu.memory_space<semaphore_mem>>
        %dma_start3A_131 = tpu.memref_slice %arg2[%add3A_76] : memref<1622016xi32, #tpu.memory_space<hbm>> -> memref<128xi32, #tpu.memory_space<hbm>>
        %dma_start3A_132 = tpu.memref_slice %arg2[%add3A_76] : memref<1622016xi32, #tpu.memory_space<hbm>> -> memref<128xi32, #tpu.memory_space<hbm>>
        tpu.enqueue_dma source(%dma_start3A_132 : memref<128xi32, #tpu.memory_space<hbm>>) target(%arg8 : memref<128xi32, #tpu.memory_space<vmem>>) target_semaphore(%run_scoped3A : memref<!tpu.dma_semaphore, #tpu.memory_space<semaphore_mem>>)
        %dma_wait3A_133 = tpu.memref_slice %arg2[%add3A_76] : memref<1622016xi32, #tpu.memory_space<hbm>> -> memref<128xi32, #tpu.memory_space<hbm>>
        %dma_wait3A_134 = tpu.memref_slice %arg2[%add3A_76] : memref<1622016xi32, #tpu.memory_space<hbm>> -> memref<128xi32, #tpu.memory_space<hbm>>
        tpu.wait_dma2 semaphore(%run_scoped3A : memref<!tpu.dma_semaphore, #tpu.memory_space<semaphore_mem>>) src(%dma_wait3A_134 : memref<128xi32, #tpu.memory_space<hbm>>) dst(%arg8 : memref<128xi32, #tpu.memory_space<vmem>>)
        tpu.yield
      }) : () -> ()
      %dma_start3A = arith.constant 0 : i32
      %dma_start3A_77 = arith.constant 0 : i32
      %dma_start3A_78 = tpu.memref_slice %arg30[%dma_start3A, %dma_start3A_77] : memref<51200x16xf32, #tpu.memory_space<vmem_shared>> -> memref<51200x16xf32, #tpu.memory_space<vmem_shared>>
      tpu.enqueue_indirect_dma source(%arg26 : memref<128x16xf32, #tpu.memory_space<vmem>>) target(%dma_start3A_78 : memref<51200x16xf32, #tpu.memory_space<vmem_shared>>) offsets(%arg8 : memref<128xi32, #tpu.memory_space<vmem>>) semaphore(%arg31 : memref<!tpu.dma_semaphore, #tpu.memory_space<semaphore_mem>>) {add = true}
      %mul3A_79 = arith.constant 4 : i32
      %mul3A_80 = arith.muli %mul3A_79, %scan3A_65 : i32
      %add3A_81 = arith.constant 1 : i32
      %add3A_82 = arith.addi %mul3A_80, %add3A_81 : i32
      %ge3A_83 = arith.constant 4 : i32
      %ge3A_84 = arith.cmpi sge, %add3A_82, %ge3A_83 : i32
      %convert_element_type3A_85 = arith.extui %ge3A_84 : i1 to i32
      %cond3A_86 = arith.constant 0 : i32
      %cond3A_87 = arith.cmpi ne, %convert_element_type3A_85, %cond3A_86 : i32
      scf.if %cond3A_87 {
        %dma_wait3A_131 = arith.constant 0 : i32
        %dma_wait3A_132 = arith.constant 0 : i32
        %dma_wait3A_133 = tpu.memref_slice %arg30[%dma_wait3A_131, %dma_wait3A_132] : memref<51200x16xf32, #tpu.memory_space<vmem_shared>> -> memref<51200x16xf32, #tpu.memory_space<vmem_shared>>
        tpu.wait_indirect_dma semaphore(%arg32 : memref<!tpu.dma_semaphore, #tpu.memory_space<semaphore_mem>>) src(%arg26 : memref<128x16xf32, #tpu.memory_space<vmem>>) dst(%dma_wait3A_133 : memref<51200x16xf32, #tpu.memory_space<vmem_shared>>)
      } else {
      }
      %add3A_88 = arith.addi %mul3A_5, %add3A_82 : i32
      %mul3A_89 = arith.constant 256 : i32
      %mul3A_90 = arith.muli %add3A_88, %mul3A_89 : i32
      %add3A_91 = arith.constant 128 : i32
      %add3A_92 = arith.addi %mul3A_90, %add3A_91 : i32
      "tpu.region"() ({
        %run_scoped3A = tpu.sem_alloc : memref<!tpu.dma_semaphore, #tpu.memory_space<semaphore_mem>>
        %dma_start3A_131 = tpu.memref_slice %arg2[%add3A_92] : memref<1622016xi32, #tpu.memory_space<hbm>> -> memref<128xi32, #tpu.memory_space<hbm>>
        %dma_start3A_132 = tpu.memref_slice %arg2[%add3A_92] : memref<1622016xi32, #tpu.memory_space<hbm>> -> memref<128xi32, #tpu.memory_space<hbm>>
        tpu.enqueue_dma source(%dma_start3A_132 : memref<128xi32, #tpu.memory_space<hbm>>) target(%arg9 : memref<128xi32, #tpu.memory_space<vmem>>) target_semaphore(%run_scoped3A : memref<!tpu.dma_semaphore, #tpu.memory_space<semaphore_mem>>)
        %dma_wait3A_133 = tpu.memref_slice %arg2[%add3A_92] : memref<1622016xi32, #tpu.memory_space<hbm>> -> memref<128xi32, #tpu.memory_space<hbm>>
        %dma_wait3A_134 = tpu.memref_slice %arg2[%add3A_92] : memref<1622016xi32, #tpu.memory_space<hbm>> -> memref<128xi32, #tpu.memory_space<hbm>>
        tpu.wait_dma2 semaphore(%run_scoped3A : memref<!tpu.dma_semaphore, #tpu.memory_space<semaphore_mem>>) src(%dma_wait3A_134 : memref<128xi32, #tpu.memory_space<hbm>>) dst(%arg9 : memref<128xi32, #tpu.memory_space<vmem>>)
        tpu.yield
      }) : () -> ()
      %dma_start3A_93 = arith.constant 0 : i32
      %dma_start3A_94 = arith.constant 0 : i32
      %dma_start3A_95 = tpu.memref_slice %arg30[%dma_start3A_93, %dma_start3A_94] : memref<51200x16xf32, #tpu.memory_space<vmem_shared>> -> memref<51200x16xf32, #tpu.memory_space<vmem_shared>>
      tpu.enqueue_indirect_dma source(%arg26 : memref<128x16xf32, #tpu.memory_space<vmem>>) target(%dma_start3A_95 : memref<51200x16xf32, #tpu.memory_space<vmem_shared>>) offsets(%arg9 : memref<128xi32, #tpu.memory_space<vmem>>) semaphore(%arg32 : memref<!tpu.dma_semaphore, #tpu.memory_space<semaphore_mem>>) {add = true}
      %mul3A_96 = arith.constant 4 : i32
      %mul3A_97 = arith.muli %mul3A_96, %scan3A_65 : i32
      %add3A_98 = arith.constant 2 : i32
      %add3A_99 = arith.addi %mul3A_97, %add3A_98 : i32
      %ge3A_100 = arith.constant 4 : i32
      %ge3A_101 = arith.cmpi sge, %add3A_99, %ge3A_100 : i32
      %convert_element_type3A_102 = arith.extui %ge3A_101 : i1 to i32
      %cond3A_103 = arith.constant 0 : i32
      %cond3A_104 = arith.cmpi ne, %convert_element_type3A_102, %cond3A_103 : i32
      scf.if %cond3A_104 {
        %dma_wait3A_131 = arith.constant 0 : i32
        %dma_wait3A_132 = arith.constant 0 : i32
        %dma_wait3A_133 = tpu.memref_slice %arg30[%dma_wait3A_131, %dma_wait3A_132] : memref<51200x16xf32, #tpu.memory_space<vmem_shared>> -> memref<51200x16xf32, #tpu.memory_space<vmem_shared>>
        tpu.wait_indirect_dma semaphore(%arg33 : memref<!tpu.dma_semaphore, #tpu.memory_space<semaphore_mem>>) src(%arg26 : memref<128x16xf32, #tpu.memory_space<vmem>>) dst(%dma_wait3A_133 : memref<51200x16xf32, #tpu.memory_space<vmem_shared>>)
      } else {
      }
      %add3A_105 = arith.addi %mul3A_5, %add3A_99 : i32
      %mul3A_106 = arith.constant 256 : i32
      %mul3A_107 = arith.muli %add3A_105, %mul3A_106 : i32
      %add3A_108 = arith.constant 128 : i32
      %add3A_109 = arith.addi %mul3A_107, %add3A_108 : i32
      "tpu.region"() ({
        %run_scoped3A = tpu.sem_alloc : memref<!tpu.dma_semaphore, #tpu.memory_space<semaphore_mem>>
        %dma_start3A_131 = tpu.memref_slice %arg2[%add3A_109] : memref<1622016xi32, #tpu.memory_space<hbm>> -> memref<128xi32, #tpu.memory_space<hbm>>
        %dma_start3A_132 = tpu.memref_slice %arg2[%add3A_109] : memref<1622016xi32, #tpu.memory_space<hbm>> -> memref<128xi32, #tpu.memory_space<hbm>>
        tpu.enqueue_dma source(%dma_start3A_132 : memref<128xi32, #tpu.memory_space<hbm>>) target(%arg10 : memref<128xi32, #tpu.memory_space<vmem>>) target_semaphore(%run_scoped3A : memref<!tpu.dma_semaphore, #tpu.memory_space<semaphore_mem>>)
        %dma_wait3A_133 = tpu.memref_slice %arg2[%add3A_109] : memref<1622016xi32, #tpu.memory_space<hbm>> -> memref<128xi32, #tpu.memory_space<hbm>>
        %dma_wait3A_134 = tpu.memref_slice %arg2[%add3A_109] : memref<1622016xi32, #tpu.memory_space<hbm>> -> memref<128xi32, #tpu.memory_space<hbm>>
        tpu.wait_dma2 semaphore(%run_scoped3A : memref<!tpu.dma_semaphore, #tpu.memory_space<semaphore_mem>>) src(%dma_wait3A_134 : memref<128xi32, #tpu.memory_space<hbm>>) dst(%arg10 : memref<128xi32, #tpu.memory_space<vmem>>)
        tpu.yield
      }) : () -> ()
      %dma_start3A_110 = arith.constant 0 : i32
      %dma_start3A_111 = arith.constant 0 : i32
      %dma_start3A_112 = tpu.memref_slice %arg30[%dma_start3A_110, %dma_start3A_111] : memref<51200x16xf32, #tpu.memory_space<vmem_shared>> -> memref<51200x16xf32, #tpu.memory_space<vmem_shared>>
      tpu.enqueue_indirect_dma source(%arg26 : memref<128x16xf32, #tpu.memory_space<vmem>>) target(%dma_start3A_112 : memref<51200x16xf32, #tpu.memory_space<vmem_shared>>) offsets(%arg10 : memref<128xi32, #tpu.memory_space<vmem>>) semaphore(%arg33 : memref<!tpu.dma_semaphore, #tpu.memory_space<semaphore_mem>>) {add = true}
      %mul3A_113 = arith.constant 4 : i32
      %mul3A_114 = arith.muli %mul3A_113, %scan3A_65 : i32
      %add3A_115 = arith.constant 3 : i32
      %add3A_116 = arith.addi %mul3A_114, %add3A_115 : i32
      %ge3A_117 = arith.constant 4 : i32
      %ge3A_118 = arith.cmpi sge, %add3A_116, %ge3A_117 : i32
      %convert_element_type3A_119 = arith.extui %ge3A_118 : i1 to i32
      %cond3A_120 = arith.constant 0 : i32
      %cond3A_121 = arith.cmpi ne, %convert_element_type3A_119, %cond3A_120 : i32
      scf.if %cond3A_121 {
        %dma_wait3A_131 = arith.constant 0 : i32
        %dma_wait3A_132 = arith.constant 0 : i32
        %dma_wait3A_133 = tpu.memref_slice %arg30[%dma_wait3A_131, %dma_wait3A_132] : memref<51200x16xf32, #tpu.memory_space<vmem_shared>> -> memref<51200x16xf32, #tpu.memory_space<vmem_shared>>
        tpu.wait_indirect_dma semaphore(%arg34 : memref<!tpu.dma_semaphore, #tpu.memory_space<semaphore_mem>>) src(%arg26 : memref<128x16xf32, #tpu.memory_space<vmem>>) dst(%dma_wait3A_133 : memref<51200x16xf32, #tpu.memory_space<vmem_shared>>)
      } else {
      }
      %add3A_122 = arith.addi %mul3A_5, %add3A_116 : i32
      %mul3A_123 = arith.constant 256 : i32
      %mul3A_124 = arith.muli %add3A_122, %mul3A_123 : i32
      %add3A_125 = arith.constant 128 : i32
      %add3A_126 = arith.addi %mul3A_124, %add3A_125 : i32
      "tpu.region"() ({
        %run_scoped3A = tpu.sem_alloc : memref<!tpu.dma_semaphore, #tpu.memory_space<semaphore_mem>>
        %dma_start3A_131 = tpu.memref_slice %arg2[%add3A_126] : memref<1622016xi32, #tpu.memory_space<hbm>> -> memref<128xi32, #tpu.memory_space<hbm>>
        %dma_start3A_132 = tpu.memref_slice %arg2[%add3A_126] : memref<1622016xi32, #tpu.memory_space<hbm>> -> memref<128xi32, #tpu.memory_space<hbm>>
        tpu.enqueue_dma source(%dma_start3A_132 : memref<128xi32, #tpu.memory_space<hbm>>) target(%arg11 : memref<128xi32, #tpu.memory_space<vmem>>) target_semaphore(%run_scoped3A : memref<!tpu.dma_semaphore, #tpu.memory_space<semaphore_mem>>)
        %dma_wait3A_133 = tpu.memref_slice %arg2[%add3A_126] : memref<1622016xi32, #tpu.memory_space<hbm>> -> memref<128xi32, #tpu.memory_space<hbm>>
        %dma_wait3A_134 = tpu.memref_slice %arg2[%add3A_126] : memref<1622016xi32, #tpu.memory_space<hbm>> -> memref<128xi32, #tpu.memory_space<hbm>>
        tpu.wait_dma2 semaphore(%run_scoped3A : memref<!tpu.dma_semaphore, #tpu.memory_space<semaphore_mem>>) src(%dma_wait3A_134 : memref<128xi32, #tpu.memory_space<hbm>>) dst(%arg11 : memref<128xi32, #tpu.memory_space<vmem>>)
        tpu.yield
      }) : () -> ()
      %dma_start3A_127 = arith.constant 0 : i32
      %dma_start3A_128 = arith.constant 0 : i32
      %dma_start3A_129 = tpu.memref_slice %arg30[%dma_start3A_127, %dma_start3A_128] : memref<51200x16xf32, #tpu.memory_space<vmem_shared>> -> memref<51200x16xf32, #tpu.memory_space<vmem_shared>>
      tpu.enqueue_indirect_dma source(%arg26 : memref<128x16xf32, #tpu.memory_space<vmem>>) target(%dma_start3A_129 : memref<51200x16xf32, #tpu.memory_space<vmem_shared>>) offsets(%arg11 : memref<128xi32, #tpu.memory_space<vmem>>) semaphore(%arg34 : memref<!tpu.dma_semaphore, #tpu.memory_space<semaphore_mem>>) {add = true}
      %scan3A_130 = arith.constant 0 : i32
      scf.yield %scan3A_130 : i32
    }
    %scan3A_32 = arith.constant 99 : i32
    %dma_wait3A = arith.constant 0 : i32
    %dma_wait3A_33 = arith.constant 0 : i32
    %dma_wait3A_34 = tpu.memref_slice %arg30[%dma_wait3A, %dma_wait3A_33] : memref<51200x16xf32, #tpu.memory_space<vmem_shared>> -> memref<51200x16xf32, #tpu.memory_space<vmem_shared>>
    tpu.wait_indirect_dma semaphore(%arg31 : memref<!tpu.dma_semaphore, #tpu.memory_space<semaphore_mem>>) src(%arg26 : memref<128x16xf32, #tpu.memory_space<vmem>>) dst(%dma_wait3A_34 : memref<51200x16xf32, #tpu.memory_space<vmem_shared>>)
    %dma_wait3A_35 = arith.constant 0 : i32
    %dma_wait3A_36 = arith.constant 0 : i32
    %dma_wait3A_37 = tpu.memref_slice %arg30[%dma_wait3A_35, %dma_wait3A_36] : memref<51200x16xf32, #tpu.memory_space<vmem_shared>> -> memref<51200x16xf32, #tpu.memory_space<vmem_shared>>
    tpu.wait_indirect_dma semaphore(%arg32 : memref<!tpu.dma_semaphore, #tpu.memory_space<semaphore_mem>>) src(%arg26 : memref<128x16xf32, #tpu.memory_space<vmem>>) dst(%dma_wait3A_37 : memref<51200x16xf32, #tpu.memory_space<vmem_shared>>)
    %dma_wait3A_38 = arith.constant 0 : i32
    %dma_wait3A_39 = arith.constant 0 : i32
    %dma_wait3A_40 = tpu.memref_slice %arg30[%dma_wait3A_38, %dma_wait3A_39] : memref<51200x16xf32, #tpu.memory_space<vmem_shared>> -> memref<51200x16xf32, #tpu.memory_space<vmem_shared>>
    tpu.wait_indirect_dma semaphore(%arg33 : memref<!tpu.dma_semaphore, #tpu.memory_space<semaphore_mem>>) src(%arg26 : memref<128x16xf32, #tpu.memory_space<vmem>>) dst(%dma_wait3A_40 : memref<51200x16xf32, #tpu.memory_space<vmem_shared>>)
    %dma_wait3A_41 = arith.constant 0 : i32
    %dma_wait3A_42 = arith.constant 0 : i32
    %dma_wait3A_43 = tpu.memref_slice %arg30[%dma_wait3A_41, %dma_wait3A_42] : memref<51200x16xf32, #tpu.memory_space<vmem_shared>> -> memref<51200x16xf32, #tpu.memory_space<vmem_shared>>
    tpu.wait_indirect_dma semaphore(%arg34 : memref<!tpu.dma_semaphore, #tpu.memory_space<semaphore_mem>>) src(%arg26 : memref<128x16xf32, #tpu.memory_space<vmem>>) dst(%dma_wait3A_43 : memref<51200x16xf32, #tpu.memory_space<vmem_shared>>)
    %barrier3A_44 = arith.constant 0 : index
    tpu.barrier barrier_id(%barrier3A_44)
    %broadcast_in_dim3A_45 = arith.constant 5.000000e-01 : f32
    %broadcast_in_dim3A_46 = vector.broadcast %broadcast_in_dim3A_45 : f32 to vector<16xf32>
    %broadcast_in_dim3A_47 = arith.constant 1597463007 : i32
    %broadcast_in_dim3A_48 = vector.broadcast %broadcast_in_dim3A_47 : i32 to vector<16xi32>
    %iota3A = tpu.iota {dimensions = array<i32: 0>} : vector<16xi32>
    %broadcast_in_dim3A_49 = arith.constant 0 : i32
    %broadcast_in_dim3A_50 = vector.broadcast %broadcast_in_dim3A_49 : i32 to vector<16xi32>
    %scan3A_51 = arith.constant 0 : i32
    %scan3A_52 = arith.constant 0 : i32
    %scan3A_53 = arith.constant 8 : i32
    %scan3A_54 = arith.addi %scan3A_52, %scan3A_53 : i32
    %scan3A_55 = arith.constant 1 : i32
    %scan3A_56 = scf.for %scan3A_65 = %scan3A_52 to %scan3A_54 step %scan3A_55 iter_args(%scan3A_66 = %scan3A_51) -> (i32)  : i32 {
      %mul3A_67 = arith.constant 400 : i32
      %mul3A_68 = arith.muli %scan3A_65, %mul3A_67 : i32
      %add3A = arith.addi %mul3A_3, %mul3A_68 : i32
      "tpu.region"() ({
        %run_scoped3A = tpu.sem_alloc : memref<!tpu.dma_semaphore, #tpu.memory_space<semaphore_mem>>
        %dma_start3A = arith.constant 0 : i32
        %dma_start3A_77 = tpu.memref_slice %arg30[%add3A, %dma_start3A] : memref<51200x16xf32, #tpu.memory_space<vmem_shared>> -> memref<400x16xf32, #tpu.memory_space<vmem_shared>>
        %dma_start3A_78 = arith.constant 0 : i32
        %dma_start3A_79 = tpu.memref_slice %arg30[%add3A, %dma_start3A_78] : memref<51200x16xf32, #tpu.memory_space<vmem_shared>> -> memref<400x16xf32, #tpu.memory_space<vmem_shared>>
        tpu.enqueue_dma source(%dma_start3A_79 : memref<400x16xf32, #tpu.memory_space<vmem_shared>>) target(%arg29 : memref<400x16xf32, #tpu.memory_space<vmem>>) target_semaphore(%run_scoped3A : memref<!tpu.dma_semaphore, #tpu.memory_space<semaphore_mem>>)
        %dma_wait3A_80 = arith.constant 0 : i32
        %dma_wait3A_81 = tpu.memref_slice %arg30[%add3A, %dma_wait3A_80] : memref<51200x16xf32, #tpu.memory_space<vmem_shared>> -> memref<400x16xf32, #tpu.memory_space<vmem_shared>>
        %dma_wait3A_82 = arith.constant 0 : i32
        %dma_wait3A_83 = tpu.memref_slice %arg30[%add3A, %dma_wait3A_82] : memref<51200x16xf32, #tpu.memory_space<vmem_shared>> -> memref<400x16xf32, #tpu.memory_space<vmem_shared>>
        tpu.wait_dma2 semaphore(%run_scoped3A : memref<!tpu.dma_semaphore, #tpu.memory_space<semaphore_mem>>) src(%dma_wait3A_83 : memref<400x16xf32, #tpu.memory_space<vmem_shared>>) dst(%arg29 : memref<400x16xf32, #tpu.memory_space<vmem>>)
        tpu.yield
      }) : () -> ()
      %scan3A_69 = arith.constant 0 : i32
      %scan3A_70 = arith.constant 0 : i32
      %scan3A_71 = arith.constant 25 : i32
      %scan3A_72 = arith.addi %scan3A_70, %scan3A_71 : i32
      %scan3A_73 = arith.constant 1 : i32
      %scan3A_74 = scf.for %scan3A_77 = %scan3A_70 to %scan3A_72 step %scan3A_73 iter_args(%scan3A_78 = %scan3A_69) -> (i32)  : i32 {
        %mul3A_79 = arith.constant 16 : i32
        %mul3A_80 = arith.muli %scan3A_77, %mul3A_79 : i32
        %broadcast_in_dim3A_81 = vector.broadcast %mul3A_80 : i32 to vector<16xi32>
        %add3A_82 = arith.addi %broadcast_in_dim3A_81, %iota3A : vector<16xi32>
        %gather3A = tpu.vector_load_idx %arg29[%add3A_82, %broadcast_in_dim3A_50] : memref<400x16xf32, #tpu.memory_space<vmem>>[vector<16xi32>, vector<16xi32>], vector<16xf32>,
        %bitcast3A = vector.bitcast %gather3A : vector<16xf32> to vector<16xi32>
        %shift_right_logical3A = arith.constant 1 : i32
        %shift_right_logical3A_83 = vector.broadcast %shift_right_logical3A : i32 to vector<16xi32>
        %shift_right_logical3A_84 = arith.shrui %bitcast3A, %shift_right_logical3A_83 : vector<16xi32>
        %sub3A = arith.subi %broadcast_in_dim3A_48, %shift_right_logical3A_84 : vector<16xi32>
        %bitcast3A_85 = vector.bitcast %sub3A : vector<16xi32> to vector<16xf32>
        %mul3A_86 = arith.constant 5.000000e-01 : f32
        %mul3A_87 = vector.broadcast %mul3A_86 : f32 to vector<16xf32>
        %mul3A_88 = arith.mulf %mul3A_87, %gather3A : vector<16xf32>
        %mul3A_89 = arith.mulf %mul3A_88, %bitcast3A_85 : vector<16xf32>
        %mul3A_90 = arith.mulf %mul3A_89, %bitcast3A_85 : vector<16xf32>
        %sub3A_91 = arith.constant 1.500000e+00 : f32
        %sub3A_92 = vector.broadcast %sub3A_91 : f32 to vector<16xf32>
        %sub3A_93 = arith.subf %sub3A_92, %mul3A_90 : vector<16xf32>
        %mul3A_94 = arith.mulf %bitcast3A_85, %sub3A_93 : vector<16xf32>
        %mul3A_95 = arith.constant 5.000000e-01 : f32
        %mul3A_96 = vector.broadcast %mul3A_95 : f32 to vector<16xf32>
        %mul3A_97 = arith.mulf %mul3A_96, %gather3A : vector<16xf32>
        %mul3A_98 = arith.mulf %mul3A_97, %mul3A_94 : vector<16xf32>
        %mul3A_99 = arith.mulf %mul3A_98, %mul3A_94 : vector<16xf32>
        %sub3A_100 = arith.constant 1.500000e+00 : f32
        %sub3A_101 = vector.broadcast %sub3A_100 : f32 to vector<16xf32>
        %sub3A_102 = arith.subf %sub3A_101, %mul3A_99 : vector<16xf32>
        %mul3A_103 = arith.mulf %mul3A_94, %sub3A_102 : vector<16xf32>
        %mul3A_104 = arith.constant 5.000000e-01 : f32
        %mul3A_105 = vector.broadcast %mul3A_104 : f32 to vector<16xf32>
        %mul3A_106 = arith.mulf %mul3A_105, %gather3A : vector<16xf32>
        %mul3A_107 = arith.mulf %mul3A_106, %mul3A_103 : vector<16xf32>
        %mul3A_108 = arith.mulf %mul3A_107, %mul3A_103 : vector<16xf32>
        %sub3A_109 = arith.constant 1.500000e+00 : f32
        %sub3A_110 = vector.broadcast %sub3A_109 : f32 to vector<16xf32>
        %sub3A_111 = arith.subf %sub3A_110, %mul3A_108 : vector<16xf32>
        %mul3A_112 = arith.mulf %mul3A_103, %sub3A_111 : vector<16xf32>
        %gt3A = arith.cmpf ogt, %gather3A, %broadcast_in_dim3A_46 : vector<16xf32>
        %select_n3A = arith.select %gt3A, %mul3A_112, %broadcast_in_dim3A_0 : vector<16xi1>, vector<16xf32>
        %mul3A_113 = arith.constant 400 : i32
        %mul3A_114 = arith.muli %scan3A_65, %mul3A_113 : i32
        %mul3A_115 = arith.constant 16 : i32
        %mul3A_116 = arith.muli %scan3A_77, %mul3A_115 : i32
        %add3A_117 = arith.addi %mul3A_114, %mul3A_116 : i32
        %swap3A = arith.index_cast %add3A_117 : i32 to index
        %swap3A_118 = tpu.vector_load %arg6[%swap3A] {strides = array<i32>} : memref<3200xf32, #tpu.memory_space<vmem>>, vector<16xf32>,
        tpu.vector_store %arg6[%swap3A], %select_n3A {strides = array<i32>} : memref<3200xf32, #tpu.memory_space<vmem>>, vector<16xf32>,
        %scan3A_119 = arith.constant 0 : i32
        scf.yield %scan3A_119 : i32
      }
      %scan3A_75 = arith.constant 25 : i32
      %scan3A_76 = arith.constant 0 : i32
      scf.yield %scan3A_76 : i32
    }
    %scan3A_57 = arith.constant 8 : i32
    %scan3A_58 = arith.constant 0 : i32
    %scan3A_59 = arith.constant 0 : i32
    %scan3A_60 = arith.constant 4 : i32
    %scan3A_61 = arith.addi %scan3A_59, %scan3A_60 : i32
    %scan3A_62 = arith.constant 1 : i32
    %scan3A_63 = scf.for %scan3A_65 = %scan3A_59 to %scan3A_61 step %scan3A_62 iter_args(%scan3A_66 = %scan3A_58) -> (i32)  : i32 {
      %gt3A = arith.constant 0 : i32
      %gt3A_67 = arith.cmpi sgt, %scan3A_65, %gt3A : i32
      %scan3A_68 = arith.constant 0 : i32
      %scan3A_69 = arith.constant 0 : i32
      %scan3A_70 = arith.constant 2 : i32
      %scan3A_71 = arith.addi %scan3A_69, %scan3A_70 : i32
      %scan3A_72 = arith.constant 1 : i32
      %scan3A_73 = scf.for %scan3A_76 = %scan3A_69 to %scan3A_71 step %scan3A_72 iter_args(%scan3A_77 = %scan3A_68) -> (i32)  : i32 {
        %mul3A_78 = arith.constant 2 : i32
        %mul3A_79 = arith.muli %mul3A_78, %arg0 : i32
        %add3A = arith.addi %mul3A_79, %scan3A_76 : i32
        %mul3A_80 = arith.constant 51200 : i32
        %mul3A_81 = arith.muli %add3A, %mul3A_80 : i32
        %broadcast_in_dim3A_82 = vector.broadcast %mul3A_81 : i32 to vector<16xi32>
        %convert_element_type3A = arith.extui %gt3A_67 : i1 to i32
        %cond3A = arith.constant 0 : i32
        %cond3A_83 = arith.cmpi ne, %convert_element_type3A, %cond3A : i32
        scf.if %cond3A_83 {
          %scan3A_94 = arith.constant 0 : i32
          %scan3A_95 = arith.constant 0 : i32
          %scan3A_96 = arith.constant 8 : i32
          %scan3A_97 = arith.addi %scan3A_95, %scan3A_96 : i32
          %scan3A_98 = arith.constant 1 : i32
          %scan3A_99 = scf.for %scan3A_277 = %scan3A_95 to %scan3A_97 step %scan3A_98 iter_args(%scan3A_278 = %scan3A_94) -> (i32)  : i32 {
            %mul3A_279 = arith.constant 400 : i32
            %mul3A_280 = arith.muli %scan3A_277, %mul3A_279 : i32
            %add3A_281 = arith.addi %mul3A_3, %mul3A_280 : i32
            "tpu.region"() ({
              %run_scoped3A = tpu.sem_alloc : memref<!tpu.dma_semaphore, #tpu.memory_space<semaphore_mem>>
              %dma_start3A_283 = arith.constant 0 : i32
              %dma_start3A_284 = tpu.memref_slice %arg30[%add3A_281, %dma_start3A_283] : memref<51200x16xf32, #tpu.memory_space<vmem_shared>> -> memref<400x16xf32, #tpu.memory_space<vmem_shared>>
              %dma_start3A_285 = arith.constant 0 : i32
              %dma_start3A_286 = tpu.memref_slice %arg30[%add3A_281, %dma_start3A_285] : memref<51200x16xf32, #tpu.memory_space<vmem_shared>> -> memref<400x16xf32, #tpu.memory_space<vmem_shared>>
              tpu.enqueue_dma source(%arg27 : memref<400x16xf32, #tpu.memory_space<vmem>>) target(%dma_start3A_286 : memref<400x16xf32, #tpu.memory_space<vmem_shared>>) target_semaphore(%run_scoped3A : memref<!tpu.dma_semaphore, #tpu.memory_space<semaphore_mem>>)
              %dma_wait3A_287 = arith.constant 0 : i32
              %dma_wait3A_288 = tpu.memref_slice %arg30[%add3A_281, %dma_wait3A_287] : memref<51200x16xf32, #tpu.memory_space<vmem_shared>> -> memref<400x16xf32, #tpu.memory_space<vmem_shared>>
              %dma_wait3A_289 = arith.constant 0 : i32
              %dma_wait3A_290 = tpu.memref_slice %arg30[%add3A_281, %dma_wait3A_289] : memref<51200x16xf32, #tpu.memory_space<vmem_shared>> -> memref<400x16xf32, #tpu.memory_space<vmem_shared>>
              tpu.wait_dma2 semaphore(%run_scoped3A : memref<!tpu.dma_semaphore, #tpu.memory_space<semaphore_mem>>) src(%arg27 : memref<400x16xf32, #tpu.memory_space<vmem>>) dst(%dma_wait3A_290 : memref<400x16xf32, #tpu.memory_space<vmem_shared>>)
              tpu.yield
            }) : () -> ()
            %scan3A_282 = arith.constant 0 : i32
            scf.yield %scan3A_282 : i32
          }
          %scan3A_100 = arith.constant 8 : i32
          %barrier3A_101 = arith.constant 0 : index
          tpu.barrier barrier_id(%barrier3A_101)
          %add3A_102 = arith.constant 0 : i32
          %add3A_103 = arith.addi %mul3A_5, %add3A_102 : i32
          %mul3A_104 = arith.constant 256 : i32
          %mul3A_105 = arith.muli %add3A_103, %mul3A_104 : i32
          "tpu.region"() ({
            %run_scoped3A = tpu.sem_alloc : memref<!tpu.dma_semaphore, #tpu.memory_space<semaphore_mem>>
            %dma_start3A_277 = tpu.memref_slice %arg2[%mul3A_105] : memref<1622016xi32, #tpu.memory_space<hbm>> -> memref<256xi32, #tpu.memory_space<hbm>>
            %dma_start3A_278 = tpu.memref_slice %arg2[%mul3A_105] : memref<1622016xi32, #tpu.memory_space<hbm>> -> memref<256xi32, #tpu.memory_space<hbm>>
            tpu.enqueue_dma source(%dma_start3A_278 : memref<256xi32, #tpu.memory_space<hbm>>) target(%arg7 : memref<256xi32, #tpu.memory_space<vmem>>) target_semaphore(%run_scoped3A : memref<!tpu.dma_semaphore, #tpu.memory_space<semaphore_mem>>)
            %dma_wait3A_279 = tpu.memref_slice %arg2[%mul3A_105] : memref<1622016xi32, #tpu.memory_space<hbm>> -> memref<256xi32, #tpu.memory_space<hbm>>
            %dma_wait3A_280 = tpu.memref_slice %arg2[%mul3A_105] : memref<1622016xi32, #tpu.memory_space<hbm>> -> memref<256xi32, #tpu.memory_space<hbm>>
            tpu.wait_dma2 semaphore(%run_scoped3A : memref<!tpu.dma_semaphore, #tpu.memory_space<semaphore_mem>>) src(%dma_wait3A_280 : memref<256xi32, #tpu.memory_space<hbm>>) dst(%arg7 : memref<256xi32, #tpu.memory_space<vmem>>)
            tpu.yield
          }) : () -> ()
          %get3A = arith.constant 0 : index
          %get3A_106 = tpu.vector_load %arg7[%get3A] {strides = array<i32>} : memref<256xi32, #tpu.memory_space<vmem>>, vector<16xi32>,
          %add3A_107 = arith.addi %get3A_106, %broadcast_in_dim3A_82 : vector<16xi32>
          %swap3A = arith.constant 0 : index
          %swap3A_108 = tpu.vector_load %arg14[%swap3A] {strides = array<i32>} : memref<128xi32, #tpu.memory_space<vmem>>, vector<16xi32>,
          tpu.vector_store %arg14[%swap3A], %add3A_107 {strides = array<i32>} : memref<128xi32, #tpu.memory_space<vmem>>, vector<16xi32>,
          %get3A_109 = arith.constant 128 : index
          %get3A_110 = tpu.vector_load %arg7[%get3A_109] {strides = array<i32>} : memref<256xi32, #tpu.memory_space<vmem>>, vector<16xi32>,
          %swap3A_111 = arith.constant 0 : index
          %swap3A_112 = tpu.vector_load %arg8[%swap3A_111] {strides = array<i32>} : memref<128xi32, #tpu.memory_space<vmem>>, vector<16xi32>,
          tpu.vector_store %arg8[%swap3A_111], %get3A_110 {strides = array<i32>} : memref<128xi32, #tpu.memory_space<vmem>>, vector<16xi32>,
          %get3A_113 = arith.constant 16 : index
          %get3A_114 = tpu.vector_load %arg7[%get3A_113] {strides = array<i32>} : memref<256xi32, #tpu.memory_space<vmem>>, vector<16xi32>,
          %add3A_115 = arith.addi %get3A_114, %broadcast_in_dim3A_82 : vector<16xi32>
          %swap3A_116 = arith.constant 16 : index
          %swap3A_117 = tpu.vector_load %arg14[%swap3A_116] {strides = array<i32>} : memref<128xi32, #tpu.memory_space<vmem>>, vector<16xi32>,
          tpu.vector_store %arg14[%swap3A_116], %add3A_115 {strides = array<i32>} : memref<128xi32, #tpu.memory_space<vmem>>, vector<16xi32>,
          %get3A_118 = arith.constant 144 : index
          %get3A_119 = tpu.vector_load %arg7[%get3A_118] {strides = array<i32>} : memref<256xi32, #tpu.memory_space<vmem>>, vector<16xi32>,
          %swap3A_120 = arith.constant 16 : index
          %swap3A_121 = tpu.vector_load %arg8[%swap3A_120] {strides = array<i32>} : memref<128xi32, #tpu.memory_space<vmem>>, vector<16xi32>,
          tpu.vector_store %arg8[%swap3A_120], %get3A_119 {strides = array<i32>} : memref<128xi32, #tpu.memory_space<vmem>>, vector<16xi32>,
          %get3A_122 = arith.constant 32 : index
          %get3A_123 = tpu.vector_load %arg7[%get3A_122] {strides = array<i32>} : memref<256xi32, #tpu.memory_space<vmem>>, vector<16xi32>,
          %add3A_124 = arith.addi %get3A_123, %broadcast_in_dim3A_82 : vector<16xi32>
          %swap3A_125 = arith.constant 32 : index
          %swap3A_126 = tpu.vector_load %arg14[%swap3A_125] {strides = array<i32>} : memref<128xi32, #tpu.memory_space<vmem>>, vector<16xi32>,
          tpu.vector_store %arg14[%swap3A_125], %add3A_124 {strides = array<i32>} : memref<128xi32, #tpu.memory_space<vmem>>, vector<16xi32>,
          %get3A_127 = arith.constant 160 : index
          %get3A_128 = tpu.vector_load %arg7[%get3A_127] {strides = array<i32>} : memref<256xi32, #tpu.memory_space<vmem>>, vector<16xi32>,
          %swap3A_129 = arith.constant 32 : index
          %swap3A_130 = tpu.vector_load %arg8[%swap3A_129] {strides = array<i32>} : memref<128xi32, #tpu.memory_space<vmem>>, vector<16xi32>,
          tpu.vector_store %arg8[%swap3A_129], %get3A_128 {strides = array<i32>} : memref<128xi32, #tpu.memory_space<vmem>>, vector<16xi32>,
          %get3A_131 = arith.constant 48 : index
          %get3A_132 = tpu.vector_load %arg7[%get3A_131] {strides = array<i32>} : memref<256xi32, #tpu.memory_space<vmem>>, vector<16xi32>,
          %add3A_133 = arith.addi %get3A_132, %broadcast_in_dim3A_82 : vector<16xi32>
          %swap3A_134 = arith.constant 48 : index
          %swap3A_135 = tpu.vector_load %arg14[%swap3A_134] {strides = array<i32>} : memref<128xi32, #tpu.memory_space<vmem>>, vector<16xi32>,
          tpu.vector_store %arg14[%swap3A_134], %add3A_133 {strides = array<i32>} : memref<128xi32, #tpu.memory_space<vmem>>, vector<16xi32>,
          %get3A_136 = arith.constant 176 : index
          %get3A_137 = tpu.vector_load %arg7[%get3A_136] {strides = array<i32>} : memref<256xi32, #tpu.memory_space<vmem>>, vector<16xi32>,
          %swap3A_138 = arith.constant 48 : index
          %swap3A_139 = tpu.vector_load %arg8[%swap3A_138] {strides = array<i32>} : memref<128xi32, #tpu.memory_space<vmem>>, vector<16xi32>,
          tpu.vector_store %arg8[%swap3A_138], %get3A_137 {strides = array<i32>} : memref<128xi32, #tpu.memory_space<vmem>>, vector<16xi32>,
          %get3A_140 = arith.constant 64 : index
          %get3A_141 = tpu.vector_load %arg7[%get3A_140] {strides = array<i32>} : memref<256xi32, #tpu.memory_space<vmem>>, vector<16xi32>,
          %add3A_142 = arith.addi %get3A_141, %broadcast_in_dim3A_82 : vector<16xi32>
          %swap3A_143 = arith.constant 64 : index
          %swap3A_144 = tpu.vector_load %arg14[%swap3A_143] {strides = array<i32>} : memref<128xi32, #tpu.memory_space<vmem>>, vector<16xi32>,
          tpu.vector_store %arg14[%swap3A_143], %add3A_142 {strides = array<i32>} : memref<128xi32, #tpu.memory_space<vmem>>, vector<16xi32>,
          %get3A_145 = arith.constant 192 : index
          %get3A_146 = tpu.vector_load %arg7[%get3A_145] {strides = array<i32>} : memref<256xi32, #tpu.memory_space<vmem>>, vector<16xi32>,
          %swap3A_147 = arith.constant 64 : index
          %swap3A_148 = tpu.vector_load %arg8[%swap3A_147] {strides = array<i32>} : memref<128xi32, #tpu.memory_space<vmem>>, vector<16xi32>,
          tpu.vector_store %arg8[%swap3A_147], %get3A_146 {strides = array<i32>} : memref<128xi32, #tpu.memory_space<vmem>>, vector<16xi32>,
          %get3A_149 = arith.constant 80 : index
          %get3A_150 = tpu.vector_load %arg7[%get3A_149] {strides = array<i32>} : memref<256xi32, #tpu.memory_space<vmem>>, vector<16xi32>,
          %add3A_151 = arith.addi %get3A_150, %broadcast_in_dim3A_82 : vector<16xi32>
          %swap3A_152 = arith.constant 80 : index
          %swap3A_153 = tpu.vector_load %arg14[%swap3A_152] {strides = array<i32>} : memref<128xi32, #tpu.memory_space<vmem>>, vector<16xi32>,
          tpu.vector_store %arg14[%swap3A_152], %add3A_151 {strides = array<i32>} : memref<128xi32, #tpu.memory_space<vmem>>, vector<16xi32>,
          %get3A_154 = arith.constant 208 : index
          %get3A_155 = tpu.vector_load %arg7[%get3A_154] {strides = array<i32>} : memref<256xi32, #tpu.memory_space<vmem>>, vector<16xi32>,
          %swap3A_156 = arith.constant 80 : index
          %swap3A_157 = tpu.vector_load %arg8[%swap3A_156] {strides = array<i32>} : memref<128xi32, #tpu.memory_space<vmem>>, vector<16xi32>,
          tpu.vector_store %arg8[%swap3A_156], %get3A_155 {strides = array<i32>} : memref<128xi32, #tpu.memory_space<vmem>>, vector<16xi32>,
          %get3A_158 = arith.constant 96 : index
          %get3A_159 = tpu.vector_load %arg7[%get3A_158] {strides = array<i32>} : memref<256xi32, #tpu.memory_space<vmem>>, vector<16xi32>,
          %add3A_160 = arith.addi %get3A_159, %broadcast_in_dim3A_82 : vector<16xi32>
          %swap3A_161 = arith.constant 96 : index
          %swap3A_162 = tpu.vector_load %arg14[%swap3A_161] {strides = array<i32>} : memref<128xi32, #tpu.memory_space<vmem>>, vector<16xi32>,
          tpu.vector_store %arg14[%swap3A_161], %add3A_160 {strides = array<i32>} : memref<128xi32, #tpu.memory_space<vmem>>, vector<16xi32>,
          %get3A_163 = arith.constant 224 : index
          %get3A_164 = tpu.vector_load %arg7[%get3A_163] {strides = array<i32>} : memref<256xi32, #tpu.memory_space<vmem>>, vector<16xi32>,
          %swap3A_165 = arith.constant 96 : index
          %swap3A_166 = tpu.vector_load %arg8[%swap3A_165] {strides = array<i32>} : memref<128xi32, #tpu.memory_space<vmem>>, vector<16xi32>,
          tpu.vector_store %arg8[%swap3A_165], %get3A_164 {strides = array<i32>} : memref<128xi32, #tpu.memory_space<vmem>>, vector<16xi32>,
          %get3A_167 = arith.constant 112 : index
          %get3A_168 = tpu.vector_load %arg7[%get3A_167] {strides = array<i32>} : memref<256xi32, #tpu.memory_space<vmem>>, vector<16xi32>,
          %add3A_169 = arith.addi %get3A_168, %broadcast_in_dim3A_82 : vector<16xi32>
          %swap3A_170 = arith.constant 112 : index
          %swap3A_171 = tpu.vector_load %arg14[%swap3A_170] {strides = array<i32>} : memref<128xi32, #tpu.memory_space<vmem>>, vector<16xi32>,
          tpu.vector_store %arg14[%swap3A_170], %add3A_169 {strides = array<i32>} : memref<128xi32, #tpu.memory_space<vmem>>, vector<16xi32>,
          %get3A_172 = arith.constant 240 : index
          %get3A_173 = tpu.vector_load %arg7[%get3A_172] {strides = array<i32>} : memref<256xi32, #tpu.memory_space<vmem>>, vector<16xi32>,
          %swap3A_174 = arith.constant 112 : index
          %swap3A_175 = tpu.vector_load %arg8[%swap3A_174] {strides = array<i32>} : memref<128xi32, #tpu.memory_space<vmem>>, vector<16xi32>,
          tpu.vector_store %arg8[%swap3A_174], %get3A_173 {strides = array<i32>} : memref<128xi32, #tpu.memory_space<vmem>>, vector<16xi32>,
          %dma_start3A = arith.constant 0 : i32
          %dma_start3A_176 = arith.constant 0 : i32
          %dma_start3A_177 = tpu.memref_slice %arg5[%dma_start3A, %dma_start3A_176] : memref<204800x16xf32, #tpu.memory_space<hbm>> -> memref<204800x16xf32, #tpu.memory_space<hbm>>
          tpu.enqueue_indirect_dma source(%dma_start3A_177 : memref<204800x16xf32, #tpu.memory_space<hbm>>) target(%arg20 : memref<128x16xf32, #tpu.memory_space<vmem>>) offsets(%arg14 : memref<128xi32, #tpu.memory_space<vmem>>) semaphore(%arg31 : memref<!tpu.dma_semaphore, #tpu.memory_space<semaphore_mem>>)
          %add3A_178 = arith.constant 1 : i32
          %add3A_179 = arith.addi %mul3A_5, %add3A_178 : i32
          %mul3A_180 = arith.constant 256 : i32
          %mul3A_181 = arith.muli %add3A_179, %mul3A_180 : i32
          "tpu.region"() ({
            %run_scoped3A = tpu.sem_alloc : memref<!tpu.dma_semaphore, #tpu.memory_space<semaphore_mem>>
            %dma_start3A_277 = tpu.memref_slice %arg2[%mul3A_181] : memref<1622016xi32, #tpu.memory_space<hbm>> -> memref<256xi32, #tpu.memory_space<hbm>>
            %dma_start3A_278 = tpu.memref_slice %arg2[%mul3A_181] : memref<1622016xi32, #tpu.memory_space<hbm>> -> memref<256xi32, #tpu.memory_space<hbm>>
            tpu.enqueue_dma source(%dma_start3A_278 : memref<256xi32, #tpu.memory_space<hbm>>) target(%arg7 : memref<256xi32, #tpu.memory_space<vmem>>) target_semaphore(%run_scoped3A : memref<!tpu.dma_semaphore, #tpu.memory_space<semaphore_mem>>)
            %dma_wait3A_279 = tpu.memref_slice %arg2[%mul3A_181] : memref<1622016xi32, #tpu.memory_space<hbm>> -> memref<256xi32, #tpu.memory_space<hbm>>
            %dma_wait3A_280 = tpu.memref_slice %arg2[%mul3A_181] : memref<1622016xi32, #tpu.memory_space<hbm>> -> memref<256xi32, #tpu.memory_space<hbm>>
            tpu.wait_dma2 semaphore(%run_scoped3A : memref<!tpu.dma_semaphore, #tpu.memory_space<semaphore_mem>>) src(%dma_wait3A_280 : memref<256xi32, #tpu.memory_space<hbm>>) dst(%arg7 : memref<256xi32, #tpu.memory_space<vmem>>)
            tpu.yield
          }) : () -> ()
          %get3A_182 = arith.constant 0 : index
          %get3A_183 = tpu.vector_load %arg7[%get3A_182] {strides = array<i32>} : memref<256xi32, #tpu.memory_space<vmem>>, vector<16xi32>,
          %add3A_184 = arith.addi %get3A_183, %broadcast_in_dim3A_82 : vector<16xi32>
          %swap3A_185 = arith.constant 0 : index
          %swap3A_186 = tpu.vector_load %arg15[%swap3A_185] {strides = array<i32>} : memref<128xi32, #tpu.memory_space<vmem>>, vector<16xi32>,
          tpu.vector_store %arg15[%swap3A_185], %add3A_184 {strides = array<i32>} : memref<128xi32, #tpu.memory_space<vmem>>, vector<16xi32>,
          %get3A_187 = arith.constant 128 : index
          %get3A_188 = tpu.vector_load %arg7[%get3A_187] {strides = array<i32>} : memref<256xi32, #tpu.memory_space<vmem>>, vector<16xi32>,
          %swap3A_189 = arith.constant 0 : index
          %swap3A_190 = tpu.vector_load %arg9[%swap3A_189] {strides = array<i32>} : memref<128xi32, #tpu.memory_space<vmem>>, vector<16xi32>,
          tpu.vector_store %arg9[%swap3A_189], %get3A_188 {strides = array<i32>} : memref<128xi32, #tpu.memory_space<vmem>>, vector<16xi32>,
          %get3A_191 = arith.constant 16 : index
          %get3A_192 = tpu.vector_load %arg7[%get3A_191] {strides = array<i32>} : memref<256xi32, #tpu.memory_space<vmem>>, vector<16xi32>,
          %add3A_193 = arith.addi %get3A_192, %broadcast_in_dim3A_82 : vector<16xi32>
          %swap3A_194 = arith.constant 16 : index
          %swap3A_195 = tpu.vector_load %arg15[%swap3A_194] {strides = array<i32>} : memref<128xi32, #tpu.memory_space<vmem>>, vector<16xi32>,
          tpu.vector_store %arg15[%swap3A_194], %add3A_193 {strides = array<i32>} : memref<128xi32, #tpu.memory_space<vmem>>, vector<16xi32>,
          %get3A_196 = arith.constant 144 : index
          %get3A_197 = tpu.vector_load %arg7[%get3A_196] {strides = array<i32>} : memref<256xi32, #tpu.memory_space<vmem>>, vector<16xi32>,
          %swap3A_198 = arith.constant 16 : index
          %swap3A_199 = tpu.vector_load %arg9[%swap3A_198] {strides = array<i32>} : memref<128xi32, #tpu.memory_space<vmem>>, vector<16xi32>,
          tpu.vector_store %arg9[%swap3A_198], %get3A_197 {strides = array<i32>} : memref<128xi32, #tpu.memory_space<vmem>>, vector<16xi32>,
          %get3A_200 = arith.constant 32 : index
          %get3A_201 = tpu.vector_load %arg7[%get3A_200] {strides = array<i32>} : memref<256xi32, #tpu.memory_space<vmem>>, vector<16xi32>,
          %add3A_202 = arith.addi %get3A_201, %broadcast_in_dim3A_82 : vector<16xi32>
          %swap3A_203 = arith.constant 32 : index
          %swap3A_204 = tpu.vector_load %arg15[%swap3A_203] {strides = array<i32>} : memref<128xi32, #tpu.memory_space<vmem>>, vector<16xi32>,
          tpu.vector_store %arg15[%swap3A_203], %add3A_202 {strides = array<i32>} : memref<128xi32, #tpu.memory_space<vmem>>, vector<16xi32>,
          %get3A_205 = arith.constant 160 : index
          %get3A_206 = tpu.vector_load %arg7[%get3A_205] {strides = array<i32>} : memref<256xi32, #tpu.memory_space<vmem>>, vector<16xi32>,
          %swap3A_207 = arith.constant 32 : index
          %swap3A_208 = tpu.vector_load %arg9[%swap3A_207] {strides = array<i32>} : memref<128xi32, #tpu.memory_space<vmem>>, vector<16xi32>,
          tpu.vector_store %arg9[%swap3A_207], %get3A_206 {strides = array<i32>} : memref<128xi32, #tpu.memory_space<vmem>>, vector<16xi32>,
          %get3A_209 = arith.constant 48 : index
          %get3A_210 = tpu.vector_load %arg7[%get3A_209] {strides = array<i32>} : memref<256xi32, #tpu.memory_space<vmem>>, vector<16xi32>,
          %add3A_211 = arith.addi %get3A_210, %broadcast_in_dim3A_82 : vector<16xi32>
          %swap3A_212 = arith.constant 48 : index
          %swap3A_213 = tpu.vector_load %arg15[%swap3A_212] {strides = array<i32>} : memref<128xi32, #tpu.memory_space<vmem>>, vector<16xi32>,
          tpu.vector_store %arg15[%swap3A_212], %add3A_211 {strides = array<i32>} : memref<128xi32, #tpu.memory_space<vmem>>, vector<16xi32>,
          %get3A_214 = arith.constant 176 : index
          %get3A_215 = tpu.vector_load %arg7[%get3A_214] {strides = array<i32>} : memref<256xi32, #tpu.memory_space<vmem>>, vector<16xi32>,
          %swap3A_216 = arith.constant 48 : index
          %swap3A_217 = tpu.vector_load %arg9[%swap3A_216] {strides = array<i32>} : memref<128xi32, #tpu.memory_space<vmem>>, vector<16xi32>,
          tpu.vector_store %arg9[%swap3A_216], %get3A_215 {strides = array<i32>} : memref<128xi32, #tpu.memory_space<vmem>>, vector<16xi32>,
          %get3A_218 = arith.constant 64 : index
          %get3A_219 = tpu.vector_load %arg7[%get3A_218] {strides = array<i32>} : memref<256xi32, #tpu.memory_space<vmem>>, vector<16xi32>,
          %add3A_220 = arith.addi %get3A_219, %broadcast_in_dim3A_82 : vector<16xi32>
          %swap3A_221 = arith.constant 64 : index
          %swap3A_222 = tpu.vector_load %arg15[%swap3A_221] {strides = array<i32>} : memref<128xi32, #tpu.memory_space<vmem>>, vector<16xi32>,
          tpu.vector_store %arg15[%swap3A_221], %add3A_220 {strides = array<i32>} : memref<128xi32, #tpu.memory_space<vmem>>, vector<16xi32>,
          %get3A_223 = arith.constant 192 : index
          %get3A_224 = tpu.vector_load %arg7[%get3A_223] {strides = array<i32>} : memref<256xi32, #tpu.memory_space<vmem>>, vector<16xi32>,
          %swap3A_225 = arith.constant 64 : index
          %swap3A_226 = tpu.vector_load %arg9[%swap3A_225] {strides = array<i32>} : memref<128xi32, #tpu.memory_space<vmem>>, vector<16xi32>,
          tpu.vector_store %arg9[%swap3A_225], %get3A_224 {strides = array<i32>} : memref<128xi32, #tpu.memory_space<vmem>>, vector<16xi32>,
          %get3A_227 = arith.constant 80 : index
          %get3A_228 = tpu.vector_load %arg7[%get3A_227] {strides = array<i32>} : memref<256xi32, #tpu.memory_space<vmem>>, vector<16xi32>,
          %add3A_229 = arith.addi %get3A_228, %broadcast_in_dim3A_82 : vector<16xi32>
          %swap3A_230 = arith.constant 80 : index
          %swap3A_231 = tpu.vector_load %arg15[%swap3A_230] {strides = array<i32>} : memref<128xi32, #tpu.memory_space<vmem>>, vector<16xi32>,
          tpu.vector_store %arg15[%swap3A_230], %add3A_229 {strides = array<i32>} : memref<128xi32, #tpu.memory_space<vmem>>, vector<16xi32>,
          %get3A_232 = arith.constant 208 : index
          %get3A_233 = tpu.vector_load %arg7[%get3A_232] {strides = array<i32>} : memref<256xi32, #tpu.memory_space<vmem>>, vector<16xi32>,
          %swap3A_234 = arith.constant 80 : index
          %swap3A_235 = tpu.vector_load %arg9[%swap3A_234] {strides = array<i32>} : memref<128xi32, #tpu.memory_space<vmem>>, vector<16xi32>,
          tpu.vector_store %arg9[%swap3A_234], %get3A_233 {strides = array<i32>} : memref<128xi32, #tpu.memory_space<vmem>>, vector<16xi32>,
          %get3A_236 = arith.constant 96 : index
          %get3A_237 = tpu.vector_load %arg7[%get3A_236] {strides = array<i32>} : memref<256xi32, #tpu.memory_space<vmem>>, vector<16xi32>,
          %add3A_238 = arith.addi %get3A_237, %broadcast_in_dim3A_82 : vector<16xi32>
          %swap3A_239 = arith.constant 96 : index
          %swap3A_240 = tpu.vector_load %arg15[%swap3A_239] {strides = array<i32>} : memref<128xi32, #tpu.memory_space<vmem>>, vector<16xi32>,
          tpu.vector_store %arg15[%swap3A_239], %add3A_238 {strides = array<i32>} : memref<128xi32, #tpu.memory_space<vmem>>, vector<16xi32>,
          %get3A_241 = arith.constant 224 : index
          %get3A_242 = tpu.vector_load %arg7[%get3A_241] {strides = array<i32>} : memref<256xi32, #tpu.memory_space<vmem>>, vector<16xi32>,
          %swap3A_243 = arith.constant 96 : index
          %swap3A_244 = tpu.vector_load %arg9[%swap3A_243] {strides = array<i32>} : memref<128xi32, #tpu.memory_space<vmem>>, vector<16xi32>,
          tpu.vector_store %arg9[%swap3A_243], %get3A_242 {strides = array<i32>} : memref<128xi32, #tpu.memory_space<vmem>>, vector<16xi32>,
          %get3A_245 = arith.constant 112 : index
          %get3A_246 = tpu.vector_load %arg7[%get3A_245] {strides = array<i32>} : memref<256xi32, #tpu.memory_space<vmem>>, vector<16xi32>,
          %add3A_247 = arith.addi %get3A_246, %broadcast_in_dim3A_82 : vector<16xi32>
          %swap3A_248 = arith.constant 112 : index
          %swap3A_249 = tpu.vector_load %arg15[%swap3A_248] {strides = array<i32>} : memref<128xi32, #tpu.memory_space<vmem>>, vector<16xi32>,
          tpu.vector_store %arg15[%swap3A_248], %add3A_247 {strides = array<i32>} : memref<128xi32, #tpu.memory_space<vmem>>, vector<16xi32>,
          %get3A_250 = arith.constant 240 : index
          %get3A_251 = tpu.vector_load %arg7[%get3A_250] {strides = array<i32>} : memref<256xi32, #tpu.memory_space<vmem>>, vector<16xi32>,
          %swap3A_252 = arith.constant 112 : index
          %swap3A_253 = tpu.vector_load %arg9[%swap3A_252] {strides = array<i32>} : memref<128xi32, #tpu.memory_space<vmem>>, vector<16xi32>,
          tpu.vector_store %arg9[%swap3A_252], %get3A_251 {strides = array<i32>} : memref<128xi32, #tpu.memory_space<vmem>>, vector<16xi32>,
          %dma_start3A_254 = arith.constant 0 : i32
          %dma_start3A_255 = arith.constant 0 : i32
          %dma_start3A_256 = tpu.memref_slice %arg5[%dma_start3A_254, %dma_start3A_255] : memref<204800x16xf32, #tpu.memory_space<hbm>> -> memref<204800x16xf32, #tpu.memory_space<hbm>>
          tpu.enqueue_indirect_dma source(%dma_start3A_256 : memref<204800x16xf32, #tpu.memory_space<hbm>>) target(%arg21 : memref<128x16xf32, #tpu.memory_space<vmem>>) offsets(%arg15 : memref<128xi32, #tpu.memory_space<vmem>>) semaphore(%arg32 : memref<!tpu.dma_semaphore, #tpu.memory_space<semaphore_mem>>)
          %scan3A_257 = arith.constant 0 : i32
          %scan3A_258 = arith.constant 0 : i32
          %scan3A_259 = arith.constant 66 : i32
          %scan3A_260 = arith.addi %scan3A_258, %scan3A_259 : i32
          %scan3A_261 = arith.constant 1 : i32
          %scan3A_262 = scf.for %scan3A_277 = %scan3A_258 to %scan3A_260 step %scan3A_261 iter_args(%scan3A_278 = %scan3A_257) -> (i32)  : i32 {
            %mul3A_279 = arith.constant 6 : i32
            %mul3A_280 = arith.muli %mul3A_279, %scan3A_277 : i32
            %add3A_281 = arith.constant 0 : i32
            %add3A_282 = arith.addi %mul3A_280, %add3A_281 : i32
            %ge3A = arith.constant 4 : i32
            %ge3A_283 = arith.cmpi sge, %add3A_282, %ge3A : i32
            %convert_element_type3A_284 = arith.extui %ge3A_283 : i1 to i32
            %cond3A_285 = arith.constant 0 : i32
            %cond3A_286 = arith.cmpi ne, %convert_element_type3A_284, %cond3A_285 : i32
            scf.if %cond3A_286 {
              %dma_wait3A_398 = arith.constant 0 : i32
              %dma_wait3A_399 = arith.constant 0 : i32
              %dma_wait3A_400 = tpu.memref_slice %arg30[%dma_wait3A_398, %dma_wait3A_399] : memref<51200x16xf32, #tpu.memory_space<vmem_shared>> -> memref<51200x16xf32, #tpu.memory_space<vmem_shared>>
              tpu.wait_indirect_dma semaphore(%arg33 : memref<!tpu.dma_semaphore, #tpu.memory_space<semaphore_mem>>) src(%arg22 : memref<128x16xf32, #tpu.memory_space<vmem>>) dst(%dma_wait3A_400 : memref<51200x16xf32, #tpu.memory_space<vmem_shared>>)
            } else {
            }
            %le3A = arith.constant 393 : i32
            %le3A_287 = arith.cmpi sle, %add3A_282, %le3A : i32
            %convert_element_type3A_288 = arith.extui %le3A_287 : i1 to i32
            %cond3A_289 = arith.constant 0 : i32
            %cond3A_290 = arith.cmpi ne, %convert_element_type3A_288, %cond3A_289 : i32
            scf.if %cond3A_290 {
              %add3A_398 = arith.constant 2 : i32
              %add3A_399 = arith.addi %add3A_282, %add3A_398 : i32
              %add3A_400 = arith.addi %mul3A_5, %add3A_399 : i32
              %mul3A_401 = arith.constant 256 : i32
              %mul3A_402 = arith.muli %add3A_400, %mul3A_401 : i32
              "tpu.region"() ({
                %run_scoped3A = tpu.sem_alloc : memref<!tpu.dma_semaphore, #tpu.memory_space<semaphore_mem>>
                %dma_start3A_478 = tpu.memref_slice %arg2[%mul3A_402] : memref<1622016xi32, #tpu.memory_space<hbm>> -> memref<256xi32, #tpu.memory_space<hbm>>
                %dma_start3A_479 = tpu.memref_slice %arg2[%mul3A_402] : memref<1622016xi32, #tpu.memory_space<hbm>> -> memref<256xi32, #tpu.memory_space<hbm>>
                tpu.enqueue_dma source(%dma_start3A_479 : memref<256xi32, #tpu.memory_space<hbm>>) target(%arg7 : memref<256xi32, #tpu.memory_space<vmem>>) target_semaphore(%run_scoped3A : memref<!tpu.dma_semaphore, #tpu.memory_space<semaphore_mem>>)
                %dma_wait3A_480 = tpu.memref_slice %arg2[%mul3A_402] : memref<1622016xi32, #tpu.memory_space<hbm>> -> memref<256xi32, #tpu.memory_space<hbm>>
                %dma_wait3A_481 = tpu.memref_slice %arg2[%mul3A_402] : memref<1622016xi32, #tpu.memory_space<hbm>> -> memref<256xi32, #tpu.memory_space<hbm>>
                tpu.wait_dma2 semaphore(%run_scoped3A : memref<!tpu.dma_semaphore, #tpu.memory_space<semaphore_mem>>) src(%dma_wait3A_481 : memref<256xi32, #tpu.memory_space<hbm>>) dst(%arg7 : memref<256xi32, #tpu.memory_space<vmem>>)
                tpu.yield
              }) : () -> ()
              %get3A_403 = arith.constant 0 : index
              %get3A_404 = tpu.vector_load %arg7[%get3A_403] {strides = array<i32>} : memref<256xi32, #tpu.memory_space<vmem>>, vector<16xi32>,
              %add3A_405 = arith.addi %get3A_404, %broadcast_in_dim3A_82 : vector<16xi32>
              %swap3A_406 = arith.constant 0 : index
              %swap3A_407 = tpu.vector_load %arg16[%swap3A_406] {strides = array<i32>} : memref<128xi32, #tpu.memory_space<vmem>>, vector<16xi32>,
              tpu.vector_store %arg16[%swap3A_406], %add3A_405 {strides = array<i32>} : memref<128xi32, #tpu.memory_space<vmem>>, vector<16xi32>,
              %get3A_408 = arith.constant 128 : index
              %get3A_409 = tpu.vector_load %arg7[%get3A_408] {strides = array<i32>} : memref<256xi32, #tpu.memory_space<vmem>>, vector<16xi32>,
              %swap3A_410 = arith.constant 0 : index
              %swap3A_411 = tpu.vector_load %arg10[%swap3A_410] {strides = array<i32>} : memref<128xi32, #tpu.memory_space<vmem>>, vector<16xi32>,
              tpu.vector_store %arg10[%swap3A_410], %get3A_409 {strides = array<i32>} : memref<128xi32, #tpu.memory_space<vmem>>, vector<16xi32>,
              %get3A_412 = arith.constant 16 : index
              %get3A_413 = tpu.vector_load %arg7[%get3A_412] {strides = array<i32>} : memref<256xi32, #tpu.memory_space<vmem>>, vector<16xi32>,
              %add3A_414 = arith.addi %get3A_413, %broadcast_in_dim3A_82 : vector<16xi32>
              %swap3A_415 = arith.constant 16 : index
              %swap3A_416 = tpu.vector_load %arg16[%swap3A_415] {strides = array<i32>} : memref<128xi32, #tpu.memory_space<vmem>>, vector<16xi32>,
              tpu.vector_store %arg16[%swap3A_415], %add3A_414 {strides = array<i32>} : memref<128xi32, #tpu.memory_space<vmem>>, vector<16xi32>,
              %get3A_417 = arith.constant 144 : index
              %get3A_418 = tpu.vector_load %arg7[%get3A_417] {strides = array<i32>} : memref<256xi32, #tpu.memory_space<vmem>>, vector<16xi32>,
              %swap3A_419 = arith.constant 16 : index
              %swap3A_420 = tpu.vector_load %arg10[%swap3A_419] {strides = array<i32>} : memref<128xi32, #tpu.memory_space<vmem>>, vector<16xi32>,
              tpu.vector_store %arg10[%swap3A_419], %get3A_418 {strides = array<i32>} : memref<128xi32, #tpu.memory_space<vmem>>, vector<16xi32>,
              %get3A_421 = arith.constant 32 : index
              %get3A_422 = tpu.vector_load %arg7[%get3A_421] {strides = array<i32>} : memref<256xi32, #tpu.memory_space<vmem>>, vector<16xi32>,
              %add3A_423 = arith.addi %get3A_422, %broadcast_in_dim3A_82 : vector<16xi32>
              %swap3A_424 = arith.constant 32 : index
              %swap3A_425 = tpu.vector_load %arg16[%swap3A_424] {strides = array<i32>} : memref<128xi32, #tpu.memory_space<vmem>>, vector<16xi32>,
              tpu.vector_store %arg16[%swap3A_424], %add3A_423 {strides = array<i32>} : memref<128xi32, #tpu.memory_space<vmem>>, vector<16xi32>,
              %get3A_426 = arith.constant 160 : index
              %get3A_427 = tpu.vector_load %arg7[%get3A_426] {strides = array<i32>} : memref<256xi32, #tpu.memory_space<vmem>>, vector<16xi32>,
              %swap3A_428 = arith.constant 32 : index
              %swap3A_429 = tpu.vector_load %arg10[%swap3A_428] {strides = array<i32>} : memref<128xi32, #tpu.memory_space<vmem>>, vector<16xi32>,
              tpu.vector_store %arg10[%swap3A_428], %get3A_427 {strides = array<i32>} : memref<128xi32, #tpu.memory_space<vmem>>, vector<16xi32>,
              %get3A_430 = arith.constant 48 : index
              %get3A_431 = tpu.vector_load %arg7[%get3A_430] {strides = array<i32>} : memref<256xi32, #tpu.memory_space<vmem>>, vector<16xi32>,
              %add3A_432 = arith.addi %get3A_431, %broadcast_in_dim3A_82 : vector<16xi32>
              %swap3A_433 = arith.constant 48 : index
              %swap3A_434 = tpu.vector_load %arg16[%swap3A_433] {strides = array<i32>} : memref<128xi32, #tpu.memory_space<vmem>>, vector<16xi32>,
              tpu.vector_store %arg16[%swap3A_433], %add3A_432 {strides = array<i32>} : memref<128xi32, #tpu.memory_space<vmem>>, vector<16xi32>,
              %get3A_435 = arith.constant 176 : index
              %get3A_436 = tpu.vector_load %arg7[%get3A_435] {strides = array<i32>} : memref<256xi32, #tpu.memory_space<vmem>>, vector<16xi32>,
              %swap3A_437 = arith.constant 48 : index
              %swap3A_438 = tpu.vector_load %arg10[%swap3A_437] {strides = array<i32>} : memref<128xi32, #tpu.memory_space<vmem>>, vector<16xi32>,
              tpu.vector_store %arg10[%swap3A_437], %get3A_436 {strides = array<i32>} : memref<128xi32, #tpu.memory_space<vmem>>, vector<16xi32>,
              %get3A_439 = arith.constant 64 : index
              %get3A_440 = tpu.vector_load %arg7[%get3A_439] {strides = array<i32>} : memref<256xi32, #tpu.memory_space<vmem>>, vector<16xi32>,
              %add3A_441 = arith.addi %get3A_440, %broadcast_in_dim3A_82 : vector<16xi32>
              %swap3A_442 = arith.constant 64 : index
              %swap3A_443 = tpu.vector_load %arg16[%swap3A_442] {strides = array<i32>} : memref<128xi32, #tpu.memory_space<vmem>>, vector<16xi32>,
              tpu.vector_store %arg16[%swap3A_442], %add3A_441 {strides = array<i32>} : memref<128xi32, #tpu.memory_space<vmem>>, vector<16xi32>,
              %get3A_444 = arith.constant 192 : index
              %get3A_445 = tpu.vector_load %arg7[%get3A_444] {strides = array<i32>} : memref<256xi32, #tpu.memory_space<vmem>>, vector<16xi32>,
              %swap3A_446 = arith.constant 64 : index
              %swap3A_447 = tpu.vector_load %arg10[%swap3A_446] {strides = array<i32>} : memref<128xi32, #tpu.memory_space<vmem>>, vector<16xi32>,
              tpu.vector_store %arg10[%swap3A_446], %get3A_445 {strides = array<i32>} : memref<128xi32, #tpu.memory_space<vmem>>, vector<16xi32>,
              %get3A_448 = arith.constant 80 : index
              %get3A_449 = tpu.vector_load %arg7[%get3A_448] {strides = array<i32>} : memref<256xi32, #tpu.memory_space<vmem>>, vector<16xi32>,
              %add3A_450 = arith.addi %get3A_449, %broadcast_in_dim3A_82 : vector<16xi32>
              %swap3A_451 = arith.constant 80 : index
              %swap3A_452 = tpu.vector_load %arg16[%swap3A_451] {strides = array<i32>} : memref<128xi32, #tpu.memory_space<vmem>>, vector<16xi32>,
              tpu.vector_store %arg16[%swap3A_451], %add3A_450 {strides = array<i32>} : memref<128xi32, #tpu.memory_space<vmem>>, vector<16xi32>,
              %get3A_453 = arith.constant 208 : index
              %get3A_454 = tpu.vector_load %arg7[%get3A_453] {strides = array<i32>} : memref<256xi32, #tpu.memory_space<vmem>>, vector<16xi32>,
              %swap3A_455 = arith.constant 80 : index
              %swap3A_456 = tpu.vector_load %arg10[%swap3A_455] {strides = array<i32>} : memref<128xi32, #tpu.memory_space<vmem>>, vector<16xi32>,
              tpu.vector_store %arg10[%swap3A_455], %get3A_454 {strides = array<i32>} : memref<128xi32, #tpu.memory_space<vmem>>, vector<16xi32>,
              %get3A_457 = arith.constant 96 : index
              %get3A_458 = tpu.vector_load %arg7[%get3A_457] {strides = array<i32>} : memref<256xi32, #tpu.memory_space<vmem>>, vector<16xi32>,
              %add3A_459 = arith.addi %get3A_458, %broadcast_in_dim3A_82 : vector<16xi32>
              %swap3A_460 = arith.constant 96 : index
              %swap3A_461 = tpu.vector_load %arg16[%swap3A_460] {strides = array<i32>} : memref<128xi32, #tpu.memory_space<vmem>>, vector<16xi32>,
              tpu.vector_store %arg16[%swap3A_460], %add3A_459 {strides = array<i32>} : memref<128xi32, #tpu.memory_space<vmem>>, vector<16xi32>,
              %get3A_462 = arith.constant 224 : index
              %get3A_463 = tpu.vector_load %arg7[%get3A_462] {strides = array<i32>} : memref<256xi32, #tpu.memory_space<vmem>>, vector<16xi32>,
              %swap3A_464 = arith.constant 96 : index
              %swap3A_465 = tpu.vector_load %arg10[%swap3A_464] {strides = array<i32>} : memref<128xi32, #tpu.memory_space<vmem>>, vector<16xi32>,
              tpu.vector_store %arg10[%swap3A_464], %get3A_463 {strides = array<i32>} : memref<128xi32, #tpu.memory_space<vmem>>, vector<16xi32>,
              %get3A_466 = arith.constant 112 : index
              %get3A_467 = tpu.vector_load %arg7[%get3A_466] {strides = array<i32>} : memref<256xi32, #tpu.memory_space<vmem>>, vector<16xi32>,
              %add3A_468 = arith.addi %get3A_467, %broadcast_in_dim3A_82 : vector<16xi32>
              %swap3A_469 = arith.constant 112 : index
              %swap3A_470 = tpu.vector_load %arg16[%swap3A_469] {strides = array<i32>} : memref<128xi32, #tpu.memory_space<vmem>>, vector<16xi32>,
              tpu.vector_store %arg16[%swap3A_469], %add3A_468 {strides = array<i32>} : memref<128xi32, #tpu.memory_space<vmem>>, vector<16xi32>,
              %get3A_471 = arith.constant 240 : index
              %get3A_472 = tpu.vector_load %arg7[%get3A_471] {strides = array<i32>} : memref<256xi32, #tpu.memory_space<vmem>>, vector<16xi32>,
              %swap3A_473 = arith.constant 112 : index
              %swap3A_474 = tpu.vector_load %arg10[%swap3A_473] {strides = array<i32>} : memref<128xi32, #tpu.memory_space<vmem>>, vector<16xi32>,
              tpu.vector_store %arg10[%swap3A_473], %get3A_472 {strides = array<i32>} : memref<128xi32, #tpu.memory_space<vmem>>, vector<16xi32>,
              %dma_start3A_475 = arith.constant 0 : i32
              %dma_start3A_476 = arith.constant 0 : i32
              %dma_start3A_477 = tpu.memref_slice %arg5[%dma_start3A_475, %dma_start3A_476] : memref<204800x16xf32, #tpu.memory_space<hbm>> -> memref<204800x16xf32, #tpu.memory_space<hbm>>
              tpu.enqueue_indirect_dma source(%dma_start3A_477 : memref<204800x16xf32, #tpu.memory_space<hbm>>) target(%arg22 : memref<128x16xf32, #tpu.memory_space<vmem>>) offsets(%arg16 : memref<128xi32, #tpu.memory_space<vmem>>) semaphore(%arg33 : memref<!tpu.dma_semaphore, #tpu.memory_space<semaphore_mem>>)
            } else {
            }
            %dma_wait3A_291 = arith.constant 0 : i32
            %dma_wait3A_292 = arith.constant 0 : i32
            %dma_wait3A_293 = tpu.memref_slice %arg5[%dma_wait3A_291, %dma_wait3A_292] : memref<204800x16xf32, #tpu.memory_space<hbm>> -> memref<204800x16xf32, #tpu.memory_space<hbm>>
            tpu.wait_indirect_dma semaphore(%arg31 : memref<!tpu.dma_semaphore, #tpu.memory_space<semaphore_mem>>) src(%dma_wait3A_293 : memref<204800x16xf32, #tpu.memory_space<hbm>>) dst(%arg20 : memref<128x16xf32, #tpu.memory_space<vmem>>)
            %dma_start3A_294 = arith.constant 0 : i32
            %dma_start3A_295 = arith.constant 0 : i32
            %dma_start3A_296 = tpu.memref_slice %arg30[%dma_start3A_294, %dma_start3A_295] : memref<51200x16xf32, #tpu.memory_space<vmem_shared>> -> memref<51200x16xf32, #tpu.memory_space<vmem_shared>>
            tpu.enqueue_indirect_dma source(%arg20 : memref<128x16xf32, #tpu.memory_space<vmem>>) target(%dma_start3A_296 : memref<51200x16xf32, #tpu.memory_space<vmem_shared>>) offsets(%arg8 : memref<128xi32, #tpu.memory_space<vmem>>) semaphore(%arg31 : memref<!tpu.dma_semaphore, #tpu.memory_space<semaphore_mem>>) {add = true}
            %mul3A_297 = arith.constant 6 : i32
            %mul3A_298 = arith.muli %mul3A_297, %scan3A_277 : i32
            %add3A_299 = arith.constant 1 : i32
            %add3A_300 = arith.addi %mul3A_298, %add3A_299 : i32
            %ge3A_301 = arith.constant 4 : i32
            %ge3A_302 = arith.cmpi sge, %add3A_300, %ge3A_301 : i32
            %convert_element_type3A_303 = arith.extui %ge3A_302 : i1 to i32
            %cond3A_304 = arith.constant 0 : i32
            %cond3A_305 = arith.cmpi ne, %convert_element_type3A_303, %cond3A_304 : i32
            scf.if %cond3A_305 {
              %dma_wait3A_398 = arith.constant 0 : i32
              %dma_wait3A_399 = arith.constant 0 : i32
              %dma_wait3A_400 = tpu.memref_slice %arg30[%dma_wait3A_398, %dma_wait3A_399] : memref<51200x16xf32, #tpu.memory_space<vmem_shared>> -> memref<51200x16xf32, #tpu.memory_space<vmem_shared>>
              tpu.wait_indirect_dma semaphore(%arg34 : memref<!tpu.dma_semaphore, #tpu.memory_space<semaphore_mem>>) src(%arg23 : memref<128x16xf32, #tpu.memory_space<vmem>>) dst(%dma_wait3A_400 : memref<51200x16xf32, #tpu.memory_space<vmem_shared>>)
            } else {
            }
            %le3A_306 = arith.constant 393 : i32
            %le3A_307 = arith.cmpi sle, %add3A_300, %le3A_306 : i32
            %convert_element_type3A_308 = arith.extui %le3A_307 : i1 to i32
            %cond3A_309 = arith.constant 0 : i32
            %cond3A_310 = arith.cmpi ne, %convert_element_type3A_308, %cond3A_309 : i32
            scf.if %cond3A_310 {
              %add3A_398 = arith.constant 2 : i32
              %add3A_399 = arith.addi %add3A_300, %add3A_398 : i32
              %add3A_400 = arith.addi %mul3A_5, %add3A_399 : i32
              %mul3A_401 = arith.constant 256 : i32
              %mul3A_402 = arith.muli %add3A_400, %mul3A_401 : i32
              "tpu.region"() ({
                %run_scoped3A = tpu.sem_alloc : memref<!tpu.dma_semaphore, #tpu.memory_space<semaphore_mem>>
                %dma_start3A_478 = tpu.memref_slice %arg2[%mul3A_402] : memref<1622016xi32, #tpu.memory_space<hbm>> -> memref<256xi32, #tpu.memory_space<hbm>>
                %dma_start3A_479 = tpu.memref_slice %arg2[%mul3A_402] : memref<1622016xi32, #tpu.memory_space<hbm>> -> memref<256xi32, #tpu.memory_space<hbm>>
                tpu.enqueue_dma source(%dma_start3A_479 : memref<256xi32, #tpu.memory_space<hbm>>) target(%arg7 : memref<256xi32, #tpu.memory_space<vmem>>) target_semaphore(%run_scoped3A : memref<!tpu.dma_semaphore, #tpu.memory_space<semaphore_mem>>)
                %dma_wait3A_480 = tpu.memref_slice %arg2[%mul3A_402] : memref<1622016xi32, #tpu.memory_space<hbm>> -> memref<256xi32, #tpu.memory_space<hbm>>
                %dma_wait3A_481 = tpu.memref_slice %arg2[%mul3A_402] : memref<1622016xi32, #tpu.memory_space<hbm>> -> memref<256xi32, #tpu.memory_space<hbm>>
                tpu.wait_dma2 semaphore(%run_scoped3A : memref<!tpu.dma_semaphore, #tpu.memory_space<semaphore_mem>>) src(%dma_wait3A_481 : memref<256xi32, #tpu.memory_space<hbm>>) dst(%arg7 : memref<256xi32, #tpu.memory_space<vmem>>)
                tpu.yield
              }) : () -> ()
              %get3A_403 = arith.constant 0 : index
              %get3A_404 = tpu.vector_load %arg7[%get3A_403] {strides = array<i32>} : memref<256xi32, #tpu.memory_space<vmem>>, vector<16xi32>,
              %add3A_405 = arith.addi %get3A_404, %broadcast_in_dim3A_82 : vector<16xi32>
              %swap3A_406 = arith.constant 0 : index
              %swap3A_407 = tpu.vector_load %arg17[%swap3A_406] {strides = array<i32>} : memref<128xi32, #tpu.memory_space<vmem>>, vector<16xi32>,
              tpu.vector_store %arg17[%swap3A_406], %add3A_405 {strides = array<i32>} : memref<128xi32, #tpu.memory_space<vmem>>, vector<16xi32>,
              %get3A_408 = arith.constant 128 : index
              %get3A_409 = tpu.vector_load %arg7[%get3A_408] {strides = array<i32>} : memref<256xi32, #tpu.memory_space<vmem>>, vector<16xi32>,
              %swap3A_410 = arith.constant 0 : index
              %swap3A_411 = tpu.vector_load %arg11[%swap3A_410] {strides = array<i32>} : memref<128xi32, #tpu.memory_space<vmem>>, vector<16xi32>,
              tpu.vector_store %arg11[%swap3A_410], %get3A_409 {strides = array<i32>} : memref<128xi32, #tpu.memory_space<vmem>>, vector<16xi32>,
              %get3A_412 = arith.constant 16 : index
              %get3A_413 = tpu.vector_load %arg7[%get3A_412] {strides = array<i32>} : memref<256xi32, #tpu.memory_space<vmem>>, vector<16xi32>,
              %add3A_414 = arith.addi %get3A_413, %broadcast_in_dim3A_82 : vector<16xi32>
              %swap3A_415 = arith.constant 16 : index
              %swap3A_416 = tpu.vector_load %arg17[%swap3A_415] {strides = array<i32>} : memref<128xi32, #tpu.memory_space<vmem>>, vector<16xi32>,
              tpu.vector_store %arg17[%swap3A_415], %add3A_414 {strides = array<i32>} : memref<128xi32, #tpu.memory_space<vmem>>, vector<16xi32>,
              %get3A_417 = arith.constant 144 : index
              %get3A_418 = tpu.vector_load %arg7[%get3A_417] {strides = array<i32>} : memref<256xi32, #tpu.memory_space<vmem>>, vector<16xi32>,
              %swap3A_419 = arith.constant 16 : index
              %swap3A_420 = tpu.vector_load %arg11[%swap3A_419] {strides = array<i32>} : memref<128xi32, #tpu.memory_space<vmem>>, vector<16xi32>,
              tpu.vector_store %arg11[%swap3A_419], %get3A_418 {strides = array<i32>} : memref<128xi32, #tpu.memory_space<vmem>>, vector<16xi32>,
              %get3A_421 = arith.constant 32 : index
              %get3A_422 = tpu.vector_load %arg7[%get3A_421] {strides = array<i32>} : memref<256xi32, #tpu.memory_space<vmem>>, vector<16xi32>,
              %add3A_423 = arith.addi %get3A_422, %broadcast_in_dim3A_82 : vector<16xi32>
              %swap3A_424 = arith.constant 32 : index
              %swap3A_425 = tpu.vector_load %arg17[%swap3A_424] {strides = array<i32>} : memref<128xi32, #tpu.memory_space<vmem>>, vector<16xi32>,
              tpu.vector_store %arg17[%swap3A_424], %add3A_423 {strides = array<i32>} : memref<128xi32, #tpu.memory_space<vmem>>, vector<16xi32>,
              %get3A_426 = arith.constant 160 : index
              %get3A_427 = tpu.vector_load %arg7[%get3A_426] {strides = array<i32>} : memref<256xi32, #tpu.memory_space<vmem>>, vector<16xi32>,
              %swap3A_428 = arith.constant 32 : index
              %swap3A_429 = tpu.vector_load %arg11[%swap3A_428] {strides = array<i32>} : memref<128xi32, #tpu.memory_space<vmem>>, vector<16xi32>,
              tpu.vector_store %arg11[%swap3A_428], %get3A_427 {strides = array<i32>} : memref<128xi32, #tpu.memory_space<vmem>>, vector<16xi32>,
              %get3A_430 = arith.constant 48 : index
              %get3A_431 = tpu.vector_load %arg7[%get3A_430] {strides = array<i32>} : memref<256xi32, #tpu.memory_space<vmem>>, vector<16xi32>,
              %add3A_432 = arith.addi %get3A_431, %broadcast_in_dim3A_82 : vector<16xi32>
              %swap3A_433 = arith.constant 48 : index
              %swap3A_434 = tpu.vector_load %arg17[%swap3A_433] {strides = array<i32>} : memref<128xi32, #tpu.memory_space<vmem>>, vector<16xi32>,
              tpu.vector_store %arg17[%swap3A_433], %add3A_432 {strides = array<i32>} : memref<128xi32, #tpu.memory_space<vmem>>, vector<16xi32>,
              %get3A_435 = arith.constant 176 : index
              %get3A_436 = tpu.vector_load %arg7[%get3A_435] {strides = array<i32>} : memref<256xi32, #tpu.memory_space<vmem>>, vector<16xi32>,
              %swap3A_437 = arith.constant 48 : index
              %swap3A_438 = tpu.vector_load %arg11[%swap3A_437] {strides = array<i32>} : memref<128xi32, #tpu.memory_space<vmem>>, vector<16xi32>,
              tpu.vector_store %arg11[%swap3A_437], %get3A_436 {strides = array<i32>} : memref<128xi32, #tpu.memory_space<vmem>>, vector<16xi32>,
              %get3A_439 = arith.constant 64 : index
              %get3A_440 = tpu.vector_load %arg7[%get3A_439] {strides = array<i32>} : memref<256xi32, #tpu.memory_space<vmem>>, vector<16xi32>,
              %add3A_441 = arith.addi %get3A_440, %broadcast_in_dim3A_82 : vector<16xi32>
              %swap3A_442 = arith.constant 64 : index
              %swap3A_443 = tpu.vector_load %arg17[%swap3A_442] {strides = array<i32>} : memref<128xi32, #tpu.memory_space<vmem>>, vector<16xi32>,
              tpu.vector_store %arg17[%swap3A_442], %add3A_441 {strides = array<i32>} : memref<128xi32, #tpu.memory_space<vmem>>, vector<16xi32>,
              %get3A_444 = arith.constant 192 : index
              %get3A_445 = tpu.vector_load %arg7[%get3A_444] {strides = array<i32>} : memref<256xi32, #tpu.memory_space<vmem>>, vector<16xi32>,
              %swap3A_446 = arith.constant 64 : index
              %swap3A_447 = tpu.vector_load %arg11[%swap3A_446] {strides = array<i32>} : memref<128xi32, #tpu.memory_space<vmem>>, vector<16xi32>,
              tpu.vector_store %arg11[%swap3A_446], %get3A_445 {strides = array<i32>} : memref<128xi32, #tpu.memory_space<vmem>>, vector<16xi32>,
              %get3A_448 = arith.constant 80 : index
              %get3A_449 = tpu.vector_load %arg7[%get3A_448] {strides = array<i32>} : memref<256xi32, #tpu.memory_space<vmem>>, vector<16xi32>,
              %add3A_450 = arith.addi %get3A_449, %broadcast_in_dim3A_82 : vector<16xi32>
              %swap3A_451 = arith.constant 80 : index
              %swap3A_452 = tpu.vector_load %arg17[%swap3A_451] {strides = array<i32>} : memref<128xi32, #tpu.memory_space<vmem>>, vector<16xi32>,
              tpu.vector_store %arg17[%swap3A_451], %add3A_450 {strides = array<i32>} : memref<128xi32, #tpu.memory_space<vmem>>, vector<16xi32>,
              %get3A_453 = arith.constant 208 : index
              %get3A_454 = tpu.vector_load %arg7[%get3A_453] {strides = array<i32>} : memref<256xi32, #tpu.memory_space<vmem>>, vector<16xi32>,
              %swap3A_455 = arith.constant 80 : index
              %swap3A_456 = tpu.vector_load %arg11[%swap3A_455] {strides = array<i32>} : memref<128xi32, #tpu.memory_space<vmem>>, vector<16xi32>,
              tpu.vector_store %arg11[%swap3A_455], %get3A_454 {strides = array<i32>} : memref<128xi32, #tpu.memory_space<vmem>>, vector<16xi32>,
              %get3A_457 = arith.constant 96 : index
              %get3A_458 = tpu.vector_load %arg7[%get3A_457] {strides = array<i32>} : memref<256xi32, #tpu.memory_space<vmem>>, vector<16xi32>,
              %add3A_459 = arith.addi %get3A_458, %broadcast_in_dim3A_82 : vector<16xi32>
              %swap3A_460 = arith.constant 96 : index
              %swap3A_461 = tpu.vector_load %arg17[%swap3A_460] {strides = array<i32>} : memref<128xi32, #tpu.memory_space<vmem>>, vector<16xi32>,
              tpu.vector_store %arg17[%swap3A_460], %add3A_459 {strides = array<i32>} : memref<128xi32, #tpu.memory_space<vmem>>, vector<16xi32>,
              %get3A_462 = arith.constant 224 : index
              %get3A_463 = tpu.vector_load %arg7[%get3A_462] {strides = array<i32>} : memref<256xi32, #tpu.memory_space<vmem>>, vector<16xi32>,
              %swap3A_464 = arith.constant 96 : index
              %swap3A_465 = tpu.vector_load %arg11[%swap3A_464] {strides = array<i32>} : memref<128xi32, #tpu.memory_space<vmem>>, vector<16xi32>,
              tpu.vector_store %arg11[%swap3A_464], %get3A_463 {strides = array<i32>} : memref<128xi32, #tpu.memory_space<vmem>>, vector<16xi32>,
              %get3A_466 = arith.constant 112 : index
              %get3A_467 = tpu.vector_load %arg7[%get3A_466] {strides = array<i32>} : memref<256xi32, #tpu.memory_space<vmem>>, vector<16xi32>,
              %add3A_468 = arith.addi %get3A_467, %broadcast_in_dim3A_82 : vector<16xi32>
              %swap3A_469 = arith.constant 112 : index
              %swap3A_470 = tpu.vector_load %arg17[%swap3A_469] {strides = array<i32>} : memref<128xi32, #tpu.memory_space<vmem>>, vector<16xi32>,
              tpu.vector_store %arg17[%swap3A_469], %add3A_468 {strides = array<i32>} : memref<128xi32, #tpu.memory_space<vmem>>, vector<16xi32>,
              %get3A_471 = arith.constant 240 : index
              %get3A_472 = tpu.vector_load %arg7[%get3A_471] {strides = array<i32>} : memref<256xi32, #tpu.memory_space<vmem>>, vector<16xi32>,
              %swap3A_473 = arith.constant 112 : index
              %swap3A_474 = tpu.vector_load %arg11[%swap3A_473] {strides = array<i32>} : memref<128xi32, #tpu.memory_space<vmem>>, vector<16xi32>,
              tpu.vector_store %arg11[%swap3A_473], %get3A_472 {strides = array<i32>} : memref<128xi32, #tpu.memory_space<vmem>>, vector<16xi32>,
              %dma_start3A_475 = arith.constant 0 : i32
              %dma_start3A_476 = arith.constant 0 : i32
              %dma_start3A_477 = tpu.memref_slice %arg5[%dma_start3A_475, %dma_start3A_476] : memref<204800x16xf32, #tpu.memory_space<hbm>> -> memref<204800x16xf32, #tpu.memory_space<hbm>>
              tpu.enqueue_indirect_dma source(%dma_start3A_477 : memref<204800x16xf32, #tpu.memory_space<hbm>>) target(%arg23 : memref<128x16xf32, #tpu.memory_space<vmem>>) offsets(%arg17 : memref<128xi32, #tpu.memory_space<vmem>>) semaphore(%arg34 : memref<!tpu.dma_semaphore, #tpu.memory_space<semaphore_mem>>)
            } else {
            }
            %dma_wait3A_311 = arith.constant 0 : i32
            %dma_wait3A_312 = arith.constant 0 : i32
            %dma_wait3A_313 = tpu.memref_slice %arg5[%dma_wait3A_311, %dma_wait3A_312] : memref<204800x16xf32, #tpu.memory_space<hbm>> -> memref<204800x16xf32, #tpu.memory_space<hbm>>
            tpu.wait_indirect_dma semaphore(%arg32 : memref<!tpu.dma_semaphore, #tpu.memory_space<semaphore_mem>>) src(%dma_wait3A_313 : memref<204800x16xf32, #tpu.memory_space<hbm>>) dst(%arg21 : memref<128x16xf32, #tpu.memory_space<vmem>>)
            %dma_start3A_314 = arith.constant 0 : i32
            %dma_start3A_315 = arith.constant 0 : i32
            %dma_start3A_316 = tpu.memref_slice %arg30[%dma_start3A_314, %dma_start3A_315] : memref<51200x16xf32, #tpu.memory_space<vmem_shared>> -> memref<51200x16xf32, #tpu.memory_space<vmem_shared>>
            tpu.enqueue_indirect_dma source(%arg21 : memref<128x16xf32, #tpu.memory_space<vmem>>) target(%dma_start3A_316 : memref<51200x16xf32, #tpu.memory_space<vmem_shared>>) offsets(%arg9 : memref<128xi32, #tpu.memory_space<vmem>>) semaphore(%arg32 : memref<!tpu.dma_semaphore, #tpu.memory_space<semaphore_mem>>) {add = true}
            %mul3A_317 = arith.constant 6 : i32
            %mul3A_318 = arith.muli %mul3A_317, %scan3A_277 : i32
            %add3A_319 = arith.constant 2 : i32
            %add3A_320 = arith.addi %mul3A_318, %add3A_319 : i32
            %ge3A_321 = arith.constant 4 : i32
            %ge3A_322 = arith.cmpi sge, %add3A_320, %ge3A_321 : i32
            %convert_element_type3A_323 = arith.extui %ge3A_322 : i1 to i32
            %cond3A_324 = arith.constant 0 : i32
            %cond3A_325 = arith.cmpi ne, %convert_element_type3A_323, %cond3A_324 : i32
            scf.if %cond3A_325 {
              %dma_wait3A_398 = arith.constant 0 : i32
              %dma_wait3A_399 = arith.constant 0 : i32
              %dma_wait3A_400 = tpu.memref_slice %arg30[%dma_wait3A_398, %dma_wait3A_399] : memref<51200x16xf32, #tpu.memory_space<vmem_shared>> -> memref<51200x16xf32, #tpu.memory_space<vmem_shared>>
              tpu.wait_indirect_dma semaphore(%arg35 : memref<!tpu.dma_semaphore, #tpu.memory_space<semaphore_mem>>) src(%arg24 : memref<128x16xf32, #tpu.memory_space<vmem>>) dst(%dma_wait3A_400 : memref<51200x16xf32, #tpu.memory_space<vmem_shared>>)
            } else {
            }
            %le3A_326 = arith.constant 393 : i32
            %le3A_327 = arith.cmpi sle, %add3A_320, %le3A_326 : i32
            %convert_element_type3A_328 = arith.extui %le3A_327 : i1 to i32
            %cond3A_329 = arith.constant 0 : i32
            %cond3A_330 = arith.cmpi ne, %convert_element_type3A_328, %cond3A_329 : i32
            scf.if %cond3A_330 {
              %add3A_398 = arith.constant 2 : i32
              %add3A_399 = arith.addi %add3A_320, %add3A_398 : i32
              %add3A_400 = arith.addi %mul3A_5, %add3A_399 : i32
              %mul3A_401 = arith.constant 256 : i32
              %mul3A_402 = arith.muli %add3A_400, %mul3A_401 : i32
              "tpu.region"() ({
                %run_scoped3A = tpu.sem_alloc : memref<!tpu.dma_semaphore, #tpu.memory_space<semaphore_mem>>
                %dma_start3A_478 = tpu.memref_slice %arg2[%mul3A_402] : memref<1622016xi32, #tpu.memory_space<hbm>> -> memref<256xi32, #tpu.memory_space<hbm>>
                %dma_start3A_479 = tpu.memref_slice %arg2[%mul3A_402] : memref<1622016xi32, #tpu.memory_space<hbm>> -> memref<256xi32, #tpu.memory_space<hbm>>
                tpu.enqueue_dma source(%dma_start3A_479 : memref<256xi32, #tpu.memory_space<hbm>>) target(%arg7 : memref<256xi32, #tpu.memory_space<vmem>>) target_semaphore(%run_scoped3A : memref<!tpu.dma_semaphore, #tpu.memory_space<semaphore_mem>>)
                %dma_wait3A_480 = tpu.memref_slice %arg2[%mul3A_402] : memref<1622016xi32, #tpu.memory_space<hbm>> -> memref<256xi32, #tpu.memory_space<hbm>>
                %dma_wait3A_481 = tpu.memref_slice %arg2[%mul3A_402] : memref<1622016xi32, #tpu.memory_space<hbm>> -> memref<256xi32, #tpu.memory_space<hbm>>
                tpu.wait_dma2 semaphore(%run_scoped3A : memref<!tpu.dma_semaphore, #tpu.memory_space<semaphore_mem>>) src(%dma_wait3A_481 : memref<256xi32, #tpu.memory_space<hbm>>) dst(%arg7 : memref<256xi32, #tpu.memory_space<vmem>>)
                tpu.yield
              }) : () -> ()
              %get3A_403 = arith.constant 0 : index
              %get3A_404 = tpu.vector_load %arg7[%get3A_403] {strides = array<i32>} : memref<256xi32, #tpu.memory_space<vmem>>, vector<16xi32>,
              %add3A_405 = arith.addi %get3A_404, %broadcast_in_dim3A_82 : vector<16xi32>
              %swap3A_406 = arith.constant 0 : index
              %swap3A_407 = tpu.vector_load %arg18[%swap3A_406] {strides = array<i32>} : memref<128xi32, #tpu.memory_space<vmem>>, vector<16xi32>,
              tpu.vector_store %arg18[%swap3A_406], %add3A_405 {strides = array<i32>} : memref<128xi32, #tpu.memory_space<vmem>>, vector<16xi32>,
              %get3A_408 = arith.constant 128 : index
              %get3A_409 = tpu.vector_load %arg7[%get3A_408] {strides = array<i32>} : memref<256xi32, #tpu.memory_space<vmem>>, vector<16xi32>,
              %swap3A_410 = arith.constant 0 : index
              %swap3A_411 = tpu.vector_load %arg12[%swap3A_410] {strides = array<i32>} : memref<128xi32, #tpu.memory_space<vmem>>, vector<16xi32>,
              tpu.vector_store %arg12[%swap3A_410], %get3A_409 {strides = array<i32>} : memref<128xi32, #tpu.memory_space<vmem>>, vector<16xi32>,
              %get3A_412 = arith.constant 16 : index
              %get3A_413 = tpu.vector_load %arg7[%get3A_412] {strides = array<i32>} : memref<256xi32, #tpu.memory_space<vmem>>, vector<16xi32>,
              %add3A_414 = arith.addi %get3A_413, %broadcast_in_dim3A_82 : vector<16xi32>
              %swap3A_415 = arith.constant 16 : index
              %swap3A_416 = tpu.vector_load %arg18[%swap3A_415] {strides = array<i32>} : memref<128xi32, #tpu.memory_space<vmem>>, vector<16xi32>,
              tpu.vector_store %arg18[%swap3A_415], %add3A_414 {strides = array<i32>} : memref<128xi32, #tpu.memory_space<vmem>>, vector<16xi32>,
              %get3A_417 = arith.constant 144 : index
              %get3A_418 = tpu.vector_load %arg7[%get3A_417] {strides = array<i32>} : memref<256xi32, #tpu.memory_space<vmem>>, vector<16xi32>,
              %swap3A_419 = arith.constant 16 : index
              %swap3A_420 = tpu.vector_load %arg12[%swap3A_419] {strides = array<i32>} : memref<128xi32, #tpu.memory_space<vmem>>, vector<16xi32>,
              tpu.vector_store %arg12[%swap3A_419], %get3A_418 {strides = array<i32>} : memref<128xi32, #tpu.memory_space<vmem>>, vector<16xi32>,
              %get3A_421 = arith.constant 32 : index
              %get3A_422 = tpu.vector_load %arg7[%get3A_421] {strides = array<i32>} : memref<256xi32, #tpu.memory_space<vmem>>, vector<16xi32>,
              %add3A_423 = arith.addi %get3A_422, %broadcast_in_dim3A_82 : vector<16xi32>
              %swap3A_424 = arith.constant 32 : index
              %swap3A_425 = tpu.vector_load %arg18[%swap3A_424] {strides = array<i32>} : memref<128xi32, #tpu.memory_space<vmem>>, vector<16xi32>,
              tpu.vector_store %arg18[%swap3A_424], %add3A_423 {strides = array<i32>} : memref<128xi32, #tpu.memory_space<vmem>>, vector<16xi32>,
              %get3A_426 = arith.constant 160 : index
              %get3A_427 = tpu.vector_load %arg7[%get3A_426] {strides = array<i32>} : memref<256xi32, #tpu.memory_space<vmem>>, vector<16xi32>,
              %swap3A_428 = arith.constant 32 : index
              %swap3A_429 = tpu.vector_load %arg12[%swap3A_428] {strides = array<i32>} : memref<128xi32, #tpu.memory_space<vmem>>, vector<16xi32>,
              tpu.vector_store %arg12[%swap3A_428], %get3A_427 {strides = array<i32>} : memref<128xi32, #tpu.memory_space<vmem>>, vector<16xi32>,
              %get3A_430 = arith.constant 48 : index
              %get3A_431 = tpu.vector_load %arg7[%get3A_430] {strides = array<i32>} : memref<256xi32, #tpu.memory_space<vmem>>, vector<16xi32>,
              %add3A_432 = arith.addi %get3A_431, %broadcast_in_dim3A_82 : vector<16xi32>
              %swap3A_433 = arith.constant 48 : index
              %swap3A_434 = tpu.vector_load %arg18[%swap3A_433] {strides = array<i32>} : memref<128xi32, #tpu.memory_space<vmem>>, vector<16xi32>,
              tpu.vector_store %arg18[%swap3A_433], %add3A_432 {strides = array<i32>} : memref<128xi32, #tpu.memory_space<vmem>>, vector<16xi32>,
              %get3A_435 = arith.constant 176 : index
              %get3A_436 = tpu.vector_load %arg7[%get3A_435] {strides = array<i32>} : memref<256xi32, #tpu.memory_space<vmem>>, vector<16xi32>,
              %swap3A_437 = arith.constant 48 : index
              %swap3A_438 = tpu.vector_load %arg12[%swap3A_437] {strides = array<i32>} : memref<128xi32, #tpu.memory_space<vmem>>, vector<16xi32>,
              tpu.vector_store %arg12[%swap3A_437], %get3A_436 {strides = array<i32>} : memref<128xi32, #tpu.memory_space<vmem>>, vector<16xi32>,
              %get3A_439 = arith.constant 64 : index
              %get3A_440 = tpu.vector_load %arg7[%get3A_439] {strides = array<i32>} : memref<256xi32, #tpu.memory_space<vmem>>, vector<16xi32>,
              %add3A_441 = arith.addi %get3A_440, %broadcast_in_dim3A_82 : vector<16xi32>
              %swap3A_442 = arith.constant 64 : index
              %swap3A_443 = tpu.vector_load %arg18[%swap3A_442] {strides = array<i32>} : memref<128xi32, #tpu.memory_space<vmem>>, vector<16xi32>,
              tpu.vector_store %arg18[%swap3A_442], %add3A_441 {strides = array<i32>} : memref<128xi32, #tpu.memory_space<vmem>>, vector<16xi32>,
              %get3A_444 = arith.constant 192 : index
              %get3A_445 = tpu.vector_load %arg7[%get3A_444] {strides = array<i32>} : memref<256xi32, #tpu.memory_space<vmem>>, vector<16xi32>,
              %swap3A_446 = arith.constant 64 : index
              %swap3A_447 = tpu.vector_load %arg12[%swap3A_446] {strides = array<i32>} : memref<128xi32, #tpu.memory_space<vmem>>, vector<16xi32>,
              tpu.vector_store %arg12[%swap3A_446], %get3A_445 {strides = array<i32>} : memref<128xi32, #tpu.memory_space<vmem>>, vector<16xi32>,
              %get3A_448 = arith.constant 80 : index
              %get3A_449 = tpu.vector_load %arg7[%get3A_448] {strides = array<i32>} : memref<256xi32, #tpu.memory_space<vmem>>, vector<16xi32>,
              %add3A_450 = arith.addi %get3A_449, %broadcast_in_dim3A_82 : vector<16xi32>
              %swap3A_451 = arith.constant 80 : index
              %swap3A_452 = tpu.vector_load %arg18[%swap3A_451] {strides = array<i32>} : memref<128xi32, #tpu.memory_space<vmem>>, vector<16xi32>,
              tpu.vector_store %arg18[%swap3A_451], %add3A_450 {strides = array<i32>} : memref<128xi32, #tpu.memory_space<vmem>>, vector<16xi32>,
              %get3A_453 = arith.constant 208 : index
              %get3A_454 = tpu.vector_load %arg7[%get3A_453] {strides = array<i32>} : memref<256xi32, #tpu.memory_space<vmem>>, vector<16xi32>,
              %swap3A_455 = arith.constant 80 : index
              %swap3A_456 = tpu.vector_load %arg12[%swap3A_455] {strides = array<i32>} : memref<128xi32, #tpu.memory_space<vmem>>, vector<16xi32>,
              tpu.vector_store %arg12[%swap3A_455], %get3A_454 {strides = array<i32>} : memref<128xi32, #tpu.memory_space<vmem>>, vector<16xi32>,
              %get3A_457 = arith.constant 96 : index
              %get3A_458 = tpu.vector_load %arg7[%get3A_457] {strides = array<i32>} : memref<256xi32, #tpu.memory_space<vmem>>, vector<16xi32>,
              %add3A_459 = arith.addi %get3A_458, %broadcast_in_dim3A_82 : vector<16xi32>
              %swap3A_460 = arith.constant 96 : index
              %swap3A_461 = tpu.vector_load %arg18[%swap3A_460] {strides = array<i32>} : memref<128xi32, #tpu.memory_space<vmem>>, vector<16xi32>,
              tpu.vector_store %arg18[%swap3A_460], %add3A_459 {strides = array<i32>} : memref<128xi32, #tpu.memory_space<vmem>>, vector<16xi32>,
              %get3A_462 = arith.constant 224 : index
              %get3A_463 = tpu.vector_load %arg7[%get3A_462] {strides = array<i32>} : memref<256xi32, #tpu.memory_space<vmem>>, vector<16xi32>,
              %swap3A_464 = arith.constant 96 : index
              %swap3A_465 = tpu.vector_load %arg12[%swap3A_464] {strides = array<i32>} : memref<128xi32, #tpu.memory_space<vmem>>, vector<16xi32>,
              tpu.vector_store %arg12[%swap3A_464], %get3A_463 {strides = array<i32>} : memref<128xi32, #tpu.memory_space<vmem>>, vector<16xi32>,
              %get3A_466 = arith.constant 112 : index
              %get3A_467 = tpu.vector_load %arg7[%get3A_466] {strides = array<i32>} : memref<256xi32, #tpu.memory_space<vmem>>, vector<16xi32>,
              %add3A_468 = arith.addi %get3A_467, %broadcast_in_dim3A_82 : vector<16xi32>
              %swap3A_469 = arith.constant 112 : index
              %swap3A_470 = tpu.vector_load %arg18[%swap3A_469] {strides = array<i32>} : memref<128xi32, #tpu.memory_space<vmem>>, vector<16xi32>,
              tpu.vector_store %arg18[%swap3A_469], %add3A_468 {strides = array<i32>} : memref<128xi32, #tpu.memory_space<vmem>>, vector<16xi32>,
              %get3A_471 = arith.constant 240 : index
              %get3A_472 = tpu.vector_load %arg7[%get3A_471] {strides = array<i32>} : memref<256xi32, #tpu.memory_space<vmem>>, vector<16xi32>,
              %swap3A_473 = arith.constant 112 : index
              %swap3A_474 = tpu.vector_load %arg12[%swap3A_473] {strides = array<i32>} : memref<128xi32, #tpu.memory_space<vmem>>, vector<16xi32>,
              tpu.vector_store %arg12[%swap3A_473], %get3A_472 {strides = array<i32>} : memref<128xi32, #tpu.memory_space<vmem>>, vector<16xi32>,
              %dma_start3A_475 = arith.constant 0 : i32
              %dma_start3A_476 = arith.constant 0 : i32
              %dma_start3A_477 = tpu.memref_slice %arg5[%dma_start3A_475, %dma_start3A_476] : memref<204800x16xf32, #tpu.memory_space<hbm>> -> memref<204800x16xf32, #tpu.memory_space<hbm>>
              tpu.enqueue_indirect_dma source(%dma_start3A_477 : memref<204800x16xf32, #tpu.memory_space<hbm>>) target(%arg24 : memref<128x16xf32, #tpu.memory_space<vmem>>) offsets(%arg18 : memref<128xi32, #tpu.memory_space<vmem>>) semaphore(%arg35 : memref<!tpu.dma_semaphore, #tpu.memory_space<semaphore_mem>>)
            } else {
            }
            %dma_wait3A_331 = arith.constant 0 : i32
            %dma_wait3A_332 = arith.constant 0 : i32
            %dma_wait3A_333 = tpu.memref_slice %arg5[%dma_wait3A_331, %dma_wait3A_332] : memref<204800x16xf32, #tpu.memory_space<hbm>> -> memref<204800x16xf32, #tpu.memory_space<hbm>>
            tpu.wait_indirect_dma semaphore(%arg33 : memref<!tpu.dma_semaphore, #tpu.memory_space<semaphore_mem>>) src(%dma_wait3A_333 : memref<204800x16xf32, #tpu.memory_space<hbm>>) dst(%arg22 : memref<128x16xf32, #tpu.memory_space<vmem>>)
            %dma_start3A_334 = arith.constant 0 : i32
            %dma_start3A_335 = arith.constant 0 : i32
            %dma_start3A_336 = tpu.memref_slice %arg30[%dma_start3A_334, %dma_start3A_335] : memref<51200x16xf32, #tpu.memory_space<vmem_shared>> -> memref<51200x16xf32, #tpu.memory_space<vmem_shared>>
            tpu.enqueue_indirect_dma source(%arg22 : memref<128x16xf32, #tpu.memory_space<vmem>>) target(%dma_start3A_336 : memref<51200x16xf32, #tpu.memory_space<vmem_shared>>) offsets(%arg10 : memref<128xi32, #tpu.memory_space<vmem>>) semaphore(%arg33 : memref<!tpu.dma_semaphore, #tpu.memory_space<semaphore_mem>>) {add = true}
            %mul3A_337 = arith.constant 6 : i32
            %mul3A_338 = arith.muli %mul3A_337, %scan3A_277 : i32
            %add3A_339 = arith.constant 3 : i32
            %add3A_340 = arith.addi %mul3A_338, %add3A_339 : i32
            %ge3A_341 = arith.constant 4 : i32
            %ge3A_342 = arith.cmpi sge, %add3A_340, %ge3A_341 : i32
            %convert_element_type3A_343 = arith.extui %ge3A_342 : i1 to i32
            %cond3A_344 = arith.constant 0 : i32
            %cond3A_345 = arith.cmpi ne, %convert_element_type3A_343, %cond3A_344 : i32
            scf.if %cond3A_345 {
              %dma_wait3A_398 = arith.constant 0 : i32
              %dma_wait3A_399 = arith.constant 0 : i32
              %dma_wait3A_400 = tpu.memref_slice %arg30[%dma_wait3A_398, %dma_wait3A_399] : memref<51200x16xf32, #tpu.memory_space<vmem_shared>> -> memref<51200x16xf32, #tpu.memory_space<vmem_shared>>
              tpu.wait_indirect_dma semaphore(%arg36 : memref<!tpu.dma_semaphore, #tpu.memory_space<semaphore_mem>>) src(%arg25 : memref<128x16xf32, #tpu.memory_space<vmem>>) dst(%dma_wait3A_400 : memref<51200x16xf32, #tpu.memory_space<vmem_shared>>)
            } else {
            }
            %le3A_346 = arith.constant 393 : i32
            %le3A_347 = arith.cmpi sle, %add3A_340, %le3A_346 : i32
            %convert_element_type3A_348 = arith.extui %le3A_347 : i1 to i32
            %cond3A_349 = arith.constant 0 : i32
            %cond3A_350 = arith.cmpi ne, %convert_element_type3A_348, %cond3A_349 : i32
            scf.if %cond3A_350 {
              %add3A_398 = arith.constant 2 : i32
              %add3A_399 = arith.addi %add3A_340, %add3A_398 : i32
              %add3A_400 = arith.addi %mul3A_5, %add3A_399 : i32
              %mul3A_401 = arith.constant 256 : i32
              %mul3A_402 = arith.muli %add3A_400, %mul3A_401 : i32
              "tpu.region"() ({
                %run_scoped3A = tpu.sem_alloc : memref<!tpu.dma_semaphore, #tpu.memory_space<semaphore_mem>>
                %dma_start3A_478 = tpu.memref_slice %arg2[%mul3A_402] : memref<1622016xi32, #tpu.memory_space<hbm>> -> memref<256xi32, #tpu.memory_space<hbm>>
                %dma_start3A_479 = tpu.memref_slice %arg2[%mul3A_402] : memref<1622016xi32, #tpu.memory_space<hbm>> -> memref<256xi32, #tpu.memory_space<hbm>>
                tpu.enqueue_dma source(%dma_start3A_479 : memref<256xi32, #tpu.memory_space<hbm>>) target(%arg7 : memref<256xi32, #tpu.memory_space<vmem>>) target_semaphore(%run_scoped3A : memref<!tpu.dma_semaphore, #tpu.memory_space<semaphore_mem>>)
                %dma_wait3A_480 = tpu.memref_slice %arg2[%mul3A_402] : memref<1622016xi32, #tpu.memory_space<hbm>> -> memref<256xi32, #tpu.memory_space<hbm>>
                %dma_wait3A_481 = tpu.memref_slice %arg2[%mul3A_402] : memref<1622016xi32, #tpu.memory_space<hbm>> -> memref<256xi32, #tpu.memory_space<hbm>>
                tpu.wait_dma2 semaphore(%run_scoped3A : memref<!tpu.dma_semaphore, #tpu.memory_space<semaphore_mem>>) src(%dma_wait3A_481 : memref<256xi32, #tpu.memory_space<hbm>>) dst(%arg7 : memref<256xi32, #tpu.memory_space<vmem>>)
                tpu.yield
              }) : () -> ()
              %get3A_403 = arith.constant 0 : index
              %get3A_404 = tpu.vector_load %arg7[%get3A_403] {strides = array<i32>} : memref<256xi32, #tpu.memory_space<vmem>>, vector<16xi32>,
              %add3A_405 = arith.addi %get3A_404, %broadcast_in_dim3A_82 : vector<16xi32>
              %swap3A_406 = arith.constant 0 : index
              %swap3A_407 = tpu.vector_load %arg19[%swap3A_406] {strides = array<i32>} : memref<128xi32, #tpu.memory_space<vmem>>, vector<16xi32>,
              tpu.vector_store %arg19[%swap3A_406], %add3A_405 {strides = array<i32>} : memref<128xi32, #tpu.memory_space<vmem>>, vector<16xi32>,
              %get3A_408 = arith.constant 128 : index
              %get3A_409 = tpu.vector_load %arg7[%get3A_408] {strides = array<i32>} : memref<256xi32, #tpu.memory_space<vmem>>, vector<16xi32>,
              %swap3A_410 = arith.constant 0 : index
              %swap3A_411 = tpu.vector_load %arg13[%swap3A_410] {strides = array<i32>} : memref<128xi32, #tpu.memory_space<vmem>>, vector<16xi32>,
              tpu.vector_store %arg13[%swap3A_410], %get3A_409 {strides = array<i32>} : memref<128xi32, #tpu.memory_space<vmem>>, vector<16xi32>,
              %get3A_412 = arith.constant 16 : index
              %get3A_413 = tpu.vector_load %arg7[%get3A_412] {strides = array<i32>} : memref<256xi32, #tpu.memory_space<vmem>>, vector<16xi32>,
              %add3A_414 = arith.addi %get3A_413, %broadcast_in_dim3A_82 : vector<16xi32>
              %swap3A_415 = arith.constant 16 : index
              %swap3A_416 = tpu.vector_load %arg19[%swap3A_415] {strides = array<i32>} : memref<128xi32, #tpu.memory_space<vmem>>, vector<16xi32>,
              tpu.vector_store %arg19[%swap3A_415], %add3A_414 {strides = array<i32>} : memref<128xi32, #tpu.memory_space<vmem>>, vector<16xi32>,
              %get3A_417 = arith.constant 144 : index
              %get3A_418 = tpu.vector_load %arg7[%get3A_417] {strides = array<i32>} : memref<256xi32, #tpu.memory_space<vmem>>, vector<16xi32>,
              %swap3A_419 = arith.constant 16 : index
              %swap3A_420 = tpu.vector_load %arg13[%swap3A_419] {strides = array<i32>} : memref<128xi32, #tpu.memory_space<vmem>>, vector<16xi32>,
              tpu.vector_store %arg13[%swap3A_419], %get3A_418 {strides = array<i32>} : memref<128xi32, #tpu.memory_space<vmem>>, vector<16xi32>,
              %get3A_421 = arith.constant 32 : index
              %get3A_422 = tpu.vector_load %arg7[%get3A_421] {strides = array<i32>} : memref<256xi32, #tpu.memory_space<vmem>>, vector<16xi32>,
              %add3A_423 = arith.addi %get3A_422, %broadcast_in_dim3A_82 : vector<16xi32>
              %swap3A_424 = arith.constant 32 : index
              %swap3A_425 = tpu.vector_load %arg19[%swap3A_424] {strides = array<i32>} : memref<128xi32, #tpu.memory_space<vmem>>, vector<16xi32>,
              tpu.vector_store %arg19[%swap3A_424], %add3A_423 {strides = array<i32>} : memref<128xi32, #tpu.memory_space<vmem>>, vector<16xi32>,
              %get3A_426 = arith.constant 160 : index
              %get3A_427 = tpu.vector_load %arg7[%get3A_426] {strides = array<i32>} : memref<256xi32, #tpu.memory_space<vmem>>, vector<16xi32>,
              %swap3A_428 = arith.constant 32 : index
              %swap3A_429 = tpu.vector_load %arg13[%swap3A_428] {strides = array<i32>} : memref<128xi32, #tpu.memory_space<vmem>>, vector<16xi32>,
              tpu.vector_store %arg13[%swap3A_428], %get3A_427 {strides = array<i32>} : memref<128xi32, #tpu.memory_space<vmem>>, vector<16xi32>,
              %get3A_430 = arith.constant 48 : index
              %get3A_431 = tpu.vector_load %arg7[%get3A_430] {strides = array<i32>} : memref<256xi32, #tpu.memory_space<vmem>>, vector<16xi32>,
              %add3A_432 = arith.addi %get3A_431, %broadcast_in_dim3A_82 : vector<16xi32>
              %swap3A_433 = arith.constant 48 : index
              %swap3A_434 = tpu.vector_load %arg19[%swap3A_433] {strides = array<i32>} : memref<128xi32, #tpu.memory_space<vmem>>, vector<16xi32>,
              tpu.vector_store %arg19[%swap3A_433], %add3A_432 {strides = array<i32>} : memref<128xi32, #tpu.memory_space<vmem>>, vector<16xi32>,
              %get3A_435 = arith.constant 176 : index
              %get3A_436 = tpu.vector_load %arg7[%get3A_435] {strides = array<i32>} : memref<256xi32, #tpu.memory_space<vmem>>, vector<16xi32>,
              %swap3A_437 = arith.constant 48 : index
              %swap3A_438 = tpu.vector_load %arg13[%swap3A_437] {strides = array<i32>} : memref<128xi32, #tpu.memory_space<vmem>>, vector<16xi32>,
              tpu.vector_store %arg13[%swap3A_437], %get3A_436 {strides = array<i32>} : memref<128xi32, #tpu.memory_space<vmem>>, vector<16xi32>,
              %get3A_439 = arith.constant 64 : index
              %get3A_440 = tpu.vector_load %arg7[%get3A_439] {strides = array<i32>} : memref<256xi32, #tpu.memory_space<vmem>>, vector<16xi32>,
              %add3A_441 = arith.addi %get3A_440, %broadcast_in_dim3A_82 : vector<16xi32>
              %swap3A_442 = arith.constant 64 : index
              %swap3A_443 = tpu.vector_load %arg19[%swap3A_442] {strides = array<i32>} : memref<128xi32, #tpu.memory_space<vmem>>, vector<16xi32>,
              tpu.vector_store %arg19[%swap3A_442], %add3A_441 {strides = array<i32>} : memref<128xi32, #tpu.memory_space<vmem>>, vector<16xi32>,
              %get3A_444 = arith.constant 192 : index
              %get3A_445 = tpu.vector_load %arg7[%get3A_444] {strides = array<i32>} : memref<256xi32, #tpu.memory_space<vmem>>, vector<16xi32>,
              %swap3A_446 = arith.constant 64 : index
              %swap3A_447 = tpu.vector_load %arg13[%swap3A_446] {strides = array<i32>} : memref<128xi32, #tpu.memory_space<vmem>>, vector<16xi32>,
              tpu.vector_store %arg13[%swap3A_446], %get3A_445 {strides = array<i32>} : memref<128xi32, #tpu.memory_space<vmem>>, vector<16xi32>,
              %get3A_448 = arith.constant 80 : index
              %get3A_449 = tpu.vector_load %arg7[%get3A_448] {strides = array<i32>} : memref<256xi32, #tpu.memory_space<vmem>>, vector<16xi32>,
              %add3A_450 = arith.addi %get3A_449, %broadcast_in_dim3A_82 : vector<16xi32>
              %swap3A_451 = arith.constant 80 : index
              %swap3A_452 = tpu.vector_load %arg19[%swap3A_451] {strides = array<i32>} : memref<128xi32, #tpu.memory_space<vmem>>, vector<16xi32>,
              tpu.vector_store %arg19[%swap3A_451], %add3A_450 {strides = array<i32>} : memref<128xi32, #tpu.memory_space<vmem>>, vector<16xi32>,
              %get3A_453 = arith.constant 208 : index
              %get3A_454 = tpu.vector_load %arg7[%get3A_453] {strides = array<i32>} : memref<256xi32, #tpu.memory_space<vmem>>, vector<16xi32>,
              %swap3A_455 = arith.constant 80 : index
              %swap3A_456 = tpu.vector_load %arg13[%swap3A_455] {strides = array<i32>} : memref<128xi32, #tpu.memory_space<vmem>>, vector<16xi32>,
              tpu.vector_store %arg13[%swap3A_455], %get3A_454 {strides = array<i32>} : memref<128xi32, #tpu.memory_space<vmem>>, vector<16xi32>,
              %get3A_457 = arith.constant 96 : index
              %get3A_458 = tpu.vector_load %arg7[%get3A_457] {strides = array<i32>} : memref<256xi32, #tpu.memory_space<vmem>>, vector<16xi32>,
              %add3A_459 = arith.addi %get3A_458, %broadcast_in_dim3A_82 : vector<16xi32>
              %swap3A_460 = arith.constant 96 : index
              %swap3A_461 = tpu.vector_load %arg19[%swap3A_460] {strides = array<i32>} : memref<128xi32, #tpu.memory_space<vmem>>, vector<16xi32>,
              tpu.vector_store %arg19[%swap3A_460], %add3A_459 {strides = array<i32>} : memref<128xi32, #tpu.memory_space<vmem>>, vector<16xi32>,
              %get3A_462 = arith.constant 224 : index
              %get3A_463 = tpu.vector_load %arg7[%get3A_462] {strides = array<i32>} : memref<256xi32, #tpu.memory_space<vmem>>, vector<16xi32>,
              %swap3A_464 = arith.constant 96 : index
              %swap3A_465 = tpu.vector_load %arg13[%swap3A_464] {strides = array<i32>} : memref<128xi32, #tpu.memory_space<vmem>>, vector<16xi32>,
              tpu.vector_store %arg13[%swap3A_464], %get3A_463 {strides = array<i32>} : memref<128xi32, #tpu.memory_space<vmem>>, vector<16xi32>,
              %get3A_466 = arith.constant 112 : index
              %get3A_467 = tpu.vector_load %arg7[%get3A_466] {strides = array<i32>} : memref<256xi32, #tpu.memory_space<vmem>>, vector<16xi32>,
              %add3A_468 = arith.addi %get3A_467, %broadcast_in_dim3A_82 : vector<16xi32>
              %swap3A_469 = arith.constant 112 : index
              %swap3A_470 = tpu.vector_load %arg19[%swap3A_469] {strides = array<i32>} : memref<128xi32, #tpu.memory_space<vmem>>, vector<16xi32>,
              tpu.vector_store %arg19[%swap3A_469], %add3A_468 {strides = array<i32>} : memref<128xi32, #tpu.memory_space<vmem>>, vector<16xi32>,
              %get3A_471 = arith.constant 240 : index
              %get3A_472 = tpu.vector_load %arg7[%get3A_471] {strides = array<i32>} : memref<256xi32, #tpu.memory_space<vmem>>, vector<16xi32>,
              %swap3A_473 = arith.constant 112 : index
              %swap3A_474 = tpu.vector_load %arg13[%swap3A_473] {strides = array<i32>} : memref<128xi32, #tpu.memory_space<vmem>>, vector<16xi32>,
              tpu.vector_store %arg13[%swap3A_473], %get3A_472 {strides = array<i32>} : memref<128xi32, #tpu.memory_space<vmem>>, vector<16xi32>,
              %dma_start3A_475 = arith.constant 0 : i32
              %dma_start3A_476 = arith.constant 0 : i32
              %dma_start3A_477 = tpu.memref_slice %arg5[%dma_start3A_475, %dma_start3A_476] : memref<204800x16xf32, #tpu.memory_space<hbm>> -> memref<204800x16xf32, #tpu.memory_space<hbm>>
              tpu.enqueue_indirect_dma source(%dma_start3A_477 : memref<204800x16xf32, #tpu.memory_space<hbm>>) target(%arg25 : memref<128x16xf32, #tpu.memory_space<vmem>>) offsets(%arg19 : memref<128xi32, #tpu.memory_space<vmem>>) semaphore(%arg36 : memref<!tpu.dma_semaphore, #tpu.memory_space<semaphore_mem>>)
            } else {
            }
            %dma_wait3A_351 = arith.constant 0 : i32
            %dma_wait3A_352 = arith.constant 0 : i32
            %dma_wait3A_353 = tpu.memref_slice %arg5[%dma_wait3A_351, %dma_wait3A_352] : memref<204800x16xf32, #tpu.memory_space<hbm>> -> memref<204800x16xf32, #tpu.memory_space<hbm>>
            tpu.wait_indirect_dma semaphore(%arg34 : memref<!tpu.dma_semaphore, #tpu.memory_space<semaphore_mem>>) src(%dma_wait3A_353 : memref<204800x16xf32, #tpu.memory_space<hbm>>) dst(%arg23 : memref<128x16xf32, #tpu.memory_space<vmem>>)
            %dma_start3A_354 = arith.constant 0 : i32
            %dma_start3A_355 = arith.constant 0 : i32
            %dma_start3A_356 = tpu.memref_slice %arg30[%dma_start3A_354, %dma_start3A_355] : memref<51200x16xf32, #tpu.memory_space<vmem_shared>> -> memref<51200x16xf32, #tpu.memory_space<vmem_shared>>
            tpu.enqueue_indirect_dma source(%arg23 : memref<128x16xf32, #tpu.memory_space<vmem>>) target(%dma_start3A_356 : memref<51200x16xf32, #tpu.memory_space<vmem_shared>>) offsets(%arg11 : memref<128xi32, #tpu.memory_space<vmem>>) semaphore(%arg34 : memref<!tpu.dma_semaphore, #tpu.memory_space<semaphore_mem>>) {add = true}
            %mul3A_357 = arith.constant 6 : i32
            %mul3A_358 = arith.muli %mul3A_357, %scan3A_277 : i32
            %add3A_359 = arith.constant 4 : i32
            %add3A_360 = arith.addi %mul3A_358, %add3A_359 : i32
            %ge3A_361 = arith.constant 4 : i32
            %ge3A_362 = arith.cmpi sge, %add3A_360, %ge3A_361 : i32
            %convert_element_type3A_363 = arith.extui %ge3A_362 : i1 to i32
            %cond3A_364 = arith.constant 0 : i32
            %cond3A_365 = arith.cmpi ne, %convert_element_type3A_363, %cond3A_364 : i32
            scf.if %cond3A_365 {
              %dma_wait3A_398 = arith.constant 0 : i32
              %dma_wait3A_399 = arith.constant 0 : i32
              %dma_wait3A_400 = tpu.memref_slice %arg30[%dma_wait3A_398, %dma_wait3A_399] : memref<51200x16xf32, #tpu.memory_space<vmem_shared>> -> memref<51200x16xf32, #tpu.memory_space<vmem_shared>>
              tpu.wait_indirect_dma semaphore(%arg31 : memref<!tpu.dma_semaphore, #tpu.memory_space<semaphore_mem>>) src(%arg20 : memref<128x16xf32, #tpu.memory_space<vmem>>) dst(%dma_wait3A_400 : memref<51200x16xf32, #tpu.memory_space<vmem_shared>>)
            } else {
            }
            %le3A_366 = arith.constant 393 : i32
            %le3A_367 = arith.cmpi sle, %add3A_360, %le3A_366 : i32
            %convert_element_type3A_368 = arith.extui %le3A_367 : i1 to i32
            %cond3A_369 = arith.constant 0 : i32
            %cond3A_370 = arith.cmpi ne, %convert_element_type3A_368, %cond3A_369 : i32
            scf.if %cond3A_370 {
              %add3A_398 = arith.constant 2 : i32
              %add3A_399 = arith.addi %add3A_360, %add3A_398 : i32
              %add3A_400 = arith.addi %mul3A_5, %add3A_399 : i32
              %mul3A_401 = arith.constant 256 : i32
              %mul3A_402 = arith.muli %add3A_400, %mul3A_401 : i32
              "tpu.region"() ({
                %run_scoped3A = tpu.sem_alloc : memref<!tpu.dma_semaphore, #tpu.memory_space<semaphore_mem>>
                %dma_start3A_478 = tpu.memref_slice %arg2[%mul3A_402] : memref<1622016xi32, #tpu.memory_space<hbm>> -> memref<256xi32, #tpu.memory_space<hbm>>
                %dma_start3A_479 = tpu.memref_slice %arg2[%mul3A_402] : memref<1622016xi32, #tpu.memory_space<hbm>> -> memref<256xi32, #tpu.memory_space<hbm>>
                tpu.enqueue_dma source(%dma_start3A_479 : memref<256xi32, #tpu.memory_space<hbm>>) target(%arg7 : memref<256xi32, #tpu.memory_space<vmem>>) target_semaphore(%run_scoped3A : memref<!tpu.dma_semaphore, #tpu.memory_space<semaphore_mem>>)
                %dma_wait3A_480 = tpu.memref_slice %arg2[%mul3A_402] : memref<1622016xi32, #tpu.memory_space<hbm>> -> memref<256xi32, #tpu.memory_space<hbm>>
                %dma_wait3A_481 = tpu.memref_slice %arg2[%mul3A_402] : memref<1622016xi32, #tpu.memory_space<hbm>> -> memref<256xi32, #tpu.memory_space<hbm>>
                tpu.wait_dma2 semaphore(%run_scoped3A : memref<!tpu.dma_semaphore, #tpu.memory_space<semaphore_mem>>) src(%dma_wait3A_481 : memref<256xi32, #tpu.memory_space<hbm>>) dst(%arg7 : memref<256xi32, #tpu.memory_space<vmem>>)
                tpu.yield
              }) : () -> ()
              %get3A_403 = arith.constant 0 : index
              %get3A_404 = tpu.vector_load %arg7[%get3A_403] {strides = array<i32>} : memref<256xi32, #tpu.memory_space<vmem>>, vector<16xi32>,
              %add3A_405 = arith.addi %get3A_404, %broadcast_in_dim3A_82 : vector<16xi32>
              %swap3A_406 = arith.constant 0 : index
              %swap3A_407 = tpu.vector_load %arg14[%swap3A_406] {strides = array<i32>} : memref<128xi32, #tpu.memory_space<vmem>>, vector<16xi32>,
              tpu.vector_store %arg14[%swap3A_406], %add3A_405 {strides = array<i32>} : memref<128xi32, #tpu.memory_space<vmem>>, vector<16xi32>,
              %get3A_408 = arith.constant 128 : index
              %get3A_409 = tpu.vector_load %arg7[%get3A_408] {strides = array<i32>} : memref<256xi32, #tpu.memory_space<vmem>>, vector<16xi32>,
              %swap3A_410 = arith.constant 0 : index
              %swap3A_411 = tpu.vector_load %arg8[%swap3A_410] {strides = array<i32>} : memref<128xi32, #tpu.memory_space<vmem>>, vector<16xi32>,
              tpu.vector_store %arg8[%swap3A_410], %get3A_409 {strides = array<i32>} : memref<128xi32, #tpu.memory_space<vmem>>, vector<16xi32>,
              %get3A_412 = arith.constant 16 : index
              %get3A_413 = tpu.vector_load %arg7[%get3A_412] {strides = array<i32>} : memref<256xi32, #tpu.memory_space<vmem>>, vector<16xi32>,
              %add3A_414 = arith.addi %get3A_413, %broadcast_in_dim3A_82 : vector<16xi32>
              %swap3A_415 = arith.constant 16 : index
              %swap3A_416 = tpu.vector_load %arg14[%swap3A_415] {strides = array<i32>} : memref<128xi32, #tpu.memory_space<vmem>>, vector<16xi32>,
              tpu.vector_store %arg14[%swap3A_415], %add3A_414 {strides = array<i32>} : memref<128xi32, #tpu.memory_space<vmem>>, vector<16xi32>,
              %get3A_417 = arith.constant 144 : index
              %get3A_418 = tpu.vector_load %arg7[%get3A_417] {strides = array<i32>} : memref<256xi32, #tpu.memory_space<vmem>>, vector<16xi32>,
              %swap3A_419 = arith.constant 16 : index
              %swap3A_420 = tpu.vector_load %arg8[%swap3A_419] {strides = array<i32>} : memref<128xi32, #tpu.memory_space<vmem>>, vector<16xi32>,
              tpu.vector_store %arg8[%swap3A_419], %get3A_418 {strides = array<i32>} : memref<128xi32, #tpu.memory_space<vmem>>, vector<16xi32>,
              %get3A_421 = arith.constant 32 : index
              %get3A_422 = tpu.vector_load %arg7[%get3A_421] {strides = array<i32>} : memref<256xi32, #tpu.memory_space<vmem>>, vector<16xi32>,
              %add3A_423 = arith.addi %get3A_422, %broadcast_in_dim3A_82 : vector<16xi32>
              %swap3A_424 = arith.constant 32 : index
              %swap3A_425 = tpu.vector_load %arg14[%swap3A_424] {strides = array<i32>} : memref<128xi32, #tpu.memory_space<vmem>>, vector<16xi32>,
              tpu.vector_store %arg14[%swap3A_424], %add3A_423 {strides = array<i32>} : memref<128xi32, #tpu.memory_space<vmem>>, vector<16xi32>,
              %get3A_426 = arith.constant 160 : index
              %get3A_427 = tpu.vector_load %arg7[%get3A_426] {strides = array<i32>} : memref<256xi32, #tpu.memory_space<vmem>>, vector<16xi32>,
              %swap3A_428 = arith.constant 32 : index
              %swap3A_429 = tpu.vector_load %arg8[%swap3A_428] {strides = array<i32>} : memref<128xi32, #tpu.memory_space<vmem>>, vector<16xi32>,
              tpu.vector_store %arg8[%swap3A_428], %get3A_427 {strides = array<i32>} : memref<128xi32, #tpu.memory_space<vmem>>, vector<16xi32>,
              %get3A_430 = arith.constant 48 : index
              %get3A_431 = tpu.vector_load %arg7[%get3A_430] {strides = array<i32>} : memref<256xi32, #tpu.memory_space<vmem>>, vector<16xi32>,
              %add3A_432 = arith.addi %get3A_431, %broadcast_in_dim3A_82 : vector<16xi32>
              %swap3A_433 = arith.constant 48 : index
              %swap3A_434 = tpu.vector_load %arg14[%swap3A_433] {strides = array<i32>} : memref<128xi32, #tpu.memory_space<vmem>>, vector<16xi32>,
              tpu.vector_store %arg14[%swap3A_433], %add3A_432 {strides = array<i32>} : memref<128xi32, #tpu.memory_space<vmem>>, vector<16xi32>,
              %get3A_435 = arith.constant 176 : index
              %get3A_436 = tpu.vector_load %arg7[%get3A_435] {strides = array<i32>} : memref<256xi32, #tpu.memory_space<vmem>>, vector<16xi32>,
              %swap3A_437 = arith.constant 48 : index
              %swap3A_438 = tpu.vector_load %arg8[%swap3A_437] {strides = array<i32>} : memref<128xi32, #tpu.memory_space<vmem>>, vector<16xi32>,
              tpu.vector_store %arg8[%swap3A_437], %get3A_436 {strides = array<i32>} : memref<128xi32, #tpu.memory_space<vmem>>, vector<16xi32>,
              %get3A_439 = arith.constant 64 : index
              %get3A_440 = tpu.vector_load %arg7[%get3A_439] {strides = array<i32>} : memref<256xi32, #tpu.memory_space<vmem>>, vector<16xi32>,
              %add3A_441 = arith.addi %get3A_440, %broadcast_in_dim3A_82 : vector<16xi32>
              %swap3A_442 = arith.constant 64 : index
              %swap3A_443 = tpu.vector_load %arg14[%swap3A_442] {strides = array<i32>} : memref<128xi32, #tpu.memory_space<vmem>>, vector<16xi32>,
              tpu.vector_store %arg14[%swap3A_442], %add3A_441 {strides = array<i32>} : memref<128xi32, #tpu.memory_space<vmem>>, vector<16xi32>,
              %get3A_444 = arith.constant 192 : index
              %get3A_445 = tpu.vector_load %arg7[%get3A_444] {strides = array<i32>} : memref<256xi32, #tpu.memory_space<vmem>>, vector<16xi32>,
              %swap3A_446 = arith.constant 64 : index
              %swap3A_447 = tpu.vector_load %arg8[%swap3A_446] {strides = array<i32>} : memref<128xi32, #tpu.memory_space<vmem>>, vector<16xi32>,
              tpu.vector_store %arg8[%swap3A_446], %get3A_445 {strides = array<i32>} : memref<128xi32, #tpu.memory_space<vmem>>, vector<16xi32>,
              %get3A_448 = arith.constant 80 : index
              %get3A_449 = tpu.vector_load %arg7[%get3A_448] {strides = array<i32>} : memref<256xi32, #tpu.memory_space<vmem>>, vector<16xi32>,
              %add3A_450 = arith.addi %get3A_449, %broadcast_in_dim3A_82 : vector<16xi32>
              %swap3A_451 = arith.constant 80 : index
              %swap3A_452 = tpu.vector_load %arg14[%swap3A_451] {strides = array<i32>} : memref<128xi32, #tpu.memory_space<vmem>>, vector<16xi32>,
              tpu.vector_store %arg14[%swap3A_451], %add3A_450 {strides = array<i32>} : memref<128xi32, #tpu.memory_space<vmem>>, vector<16xi32>,
              %get3A_453 = arith.constant 208 : index
              %get3A_454 = tpu.vector_load %arg7[%get3A_453] {strides = array<i32>} : memref<256xi32, #tpu.memory_space<vmem>>, vector<16xi32>,
              %swap3A_455 = arith.constant 80 : index
              %swap3A_456 = tpu.vector_load %arg8[%swap3A_455] {strides = array<i32>} : memref<128xi32, #tpu.memory_space<vmem>>, vector<16xi32>,
              tpu.vector_store %arg8[%swap3A_455], %get3A_454 {strides = array<i32>} : memref<128xi32, #tpu.memory_space<vmem>>, vector<16xi32>,
              %get3A_457 = arith.constant 96 : index
              %get3A_458 = tpu.vector_load %arg7[%get3A_457] {strides = array<i32>} : memref<256xi32, #tpu.memory_space<vmem>>, vector<16xi32>,
              %add3A_459 = arith.addi %get3A_458, %broadcast_in_dim3A_82 : vector<16xi32>
              %swap3A_460 = arith.constant 96 : index
              %swap3A_461 = tpu.vector_load %arg14[%swap3A_460] {strides = array<i32>} : memref<128xi32, #tpu.memory_space<vmem>>, vector<16xi32>,
              tpu.vector_store %arg14[%swap3A_460], %add3A_459 {strides = array<i32>} : memref<128xi32, #tpu.memory_space<vmem>>, vector<16xi32>,
              %get3A_462 = arith.constant 224 : index
              %get3A_463 = tpu.vector_load %arg7[%get3A_462] {strides = array<i32>} : memref<256xi32, #tpu.memory_space<vmem>>, vector<16xi32>,
              %swap3A_464 = arith.constant 96 : index
              %swap3A_465 = tpu.vector_load %arg8[%swap3A_464] {strides = array<i32>} : memref<128xi32, #tpu.memory_space<vmem>>, vector<16xi32>,
              tpu.vector_store %arg8[%swap3A_464], %get3A_463 {strides = array<i32>} : memref<128xi32, #tpu.memory_space<vmem>>, vector<16xi32>,
              %get3A_466 = arith.constant 112 : index
              %get3A_467 = tpu.vector_load %arg7[%get3A_466] {strides = array<i32>} : memref<256xi32, #tpu.memory_space<vmem>>, vector<16xi32>,
              %add3A_468 = arith.addi %get3A_467, %broadcast_in_dim3A_82 : vector<16xi32>
              %swap3A_469 = arith.constant 112 : index
              %swap3A_470 = tpu.vector_load %arg14[%swap3A_469] {strides = array<i32>} : memref<128xi32, #tpu.memory_space<vmem>>, vector<16xi32>,
              tpu.vector_store %arg14[%swap3A_469], %add3A_468 {strides = array<i32>} : memref<128xi32, #tpu.memory_space<vmem>>, vector<16xi32>,
              %get3A_471 = arith.constant 240 : index
              %get3A_472 = tpu.vector_load %arg7[%get3A_471] {strides = array<i32>} : memref<256xi32, #tpu.memory_space<vmem>>, vector<16xi32>,
              %swap3A_473 = arith.constant 112 : index
              %swap3A_474 = tpu.vector_load %arg8[%swap3A_473] {strides = array<i32>} : memref<128xi32, #tpu.memory_space<vmem>>, vector<16xi32>,
              tpu.vector_store %arg8[%swap3A_473], %get3A_472 {strides = array<i32>} : memref<128xi32, #tpu.memory_space<vmem>>, vector<16xi32>,
              %dma_start3A_475 = arith.constant 0 : i32
              %dma_start3A_476 = arith.constant 0 : i32
              %dma_start3A_477 = tpu.memref_slice %arg5[%dma_start3A_475, %dma_start3A_476] : memref<204800x16xf32, #tpu.memory_space<hbm>> -> memref<204800x16xf32, #tpu.memory_space<hbm>>
              tpu.enqueue_indirect_dma source(%dma_start3A_477 : memref<204800x16xf32, #tpu.memory_space<hbm>>) target(%arg20 : memref<128x16xf32, #tpu.memory_space<vmem>>) offsets(%arg14 : memref<128xi32, #tpu.memory_space<vmem>>) semaphore(%arg31 : memref<!tpu.dma_semaphore, #tpu.memory_space<semaphore_mem>>)
            } else {
            }
            %dma_wait3A_371 = arith.constant 0 : i32
            %dma_wait3A_372 = arith.constant 0 : i32
            %dma_wait3A_373 = tpu.memref_slice %arg5[%dma_wait3A_371, %dma_wait3A_372] : memref<204800x16xf32, #tpu.memory_space<hbm>> -> memref<204800x16xf32, #tpu.memory_space<hbm>>
            tpu.wait_indirect_dma semaphore(%arg35 : memref<!tpu.dma_semaphore, #tpu.memory_space<semaphore_mem>>) src(%dma_wait3A_373 : memref<204800x16xf32, #tpu.memory_space<hbm>>) dst(%arg24 : memref<128x16xf32, #tpu.memory_space<vmem>>)
            %dma_start3A_374 = arith.constant 0 : i32
            %dma_start3A_375 = arith.constant 0 : i32
            %dma_start3A_376 = tpu.memref_slice %arg30[%dma_start3A_374, %dma_start3A_375] : memref<51200x16xf32, #tpu.memory_space<vmem_shared>> -> memref<51200x16xf32, #tpu.memory_space<vmem_shared>>
            tpu.enqueue_indirect_dma source(%arg24 : memref<128x16xf32, #tpu.memory_space<vmem>>) target(%dma_start3A_376 : memref<51200x16xf32, #tpu.memory_space<vmem_shared>>) offsets(%arg12 : memref<128xi32, #tpu.memory_space<vmem>>) semaphore(%arg35 : memref<!tpu.dma_semaphore, #tpu.memory_space<semaphore_mem>>) {add = true}
            %mul3A_377 = arith.constant 6 : i32
            %mul3A_378 = arith.muli %mul3A_377, %scan3A_277 : i32
            %add3A_379 = arith.constant 5 : i32
            %add3A_380 = arith.addi %mul3A_378, %add3A_379 : i32
            %ge3A_381 = arith.constant 4 : i32
            %ge3A_382 = arith.cmpi sge, %add3A_380, %ge3A_381 : i32
            %convert_element_type3A_383 = arith.extui %ge3A_382 : i1 to i32
            %cond3A_384 = arith.constant 0 : i32
            %cond3A_385 = arith.cmpi ne, %convert_element_type3A_383, %cond3A_384 : i32
            scf.if %cond3A_385 {
              %dma_wait3A_398 = arith.constant 0 : i32
              %dma_wait3A_399 = arith.constant 0 : i32
              %dma_wait3A_400 = tpu.memref_slice %arg30[%dma_wait3A_398, %dma_wait3A_399] : memref<51200x16xf32, #tpu.memory_space<vmem_shared>> -> memref<51200x16xf32, #tpu.memory_space<vmem_shared>>
              tpu.wait_indirect_dma semaphore(%arg32 : memref<!tpu.dma_semaphore, #tpu.memory_space<semaphore_mem>>) src(%arg21 : memref<128x16xf32, #tpu.memory_space<vmem>>) dst(%dma_wait3A_400 : memref<51200x16xf32, #tpu.memory_space<vmem_shared>>)
            } else {
            }
            %le3A_386 = arith.constant 393 : i32
            %le3A_387 = arith.cmpi sle, %add3A_380, %le3A_386 : i32
            %convert_element_type3A_388 = arith.extui %le3A_387 : i1 to i32
            %cond3A_389 = arith.constant 0 : i32
            %cond3A_390 = arith.cmpi ne, %convert_element_type3A_388, %cond3A_389 : i32
            scf.if %cond3A_390 {
              %add3A_398 = arith.constant 2 : i32
              %add3A_399 = arith.addi %add3A_380, %add3A_398 : i32
              %add3A_400 = arith.addi %mul3A_5, %add3A_399 : i32
              %mul3A_401 = arith.constant 256 : i32
              %mul3A_402 = arith.muli %add3A_400, %mul3A_401 : i32
              "tpu.region"() ({
                %run_scoped3A = tpu.sem_alloc : memref<!tpu.dma_semaphore, #tpu.memory_space<semaphore_mem>>
                %dma_start3A_478 = tpu.memref_slice %arg2[%mul3A_402] : memref<1622016xi32, #tpu.memory_space<hbm>> -> memref<256xi32, #tpu.memory_space<hbm>>
                %dma_start3A_479 = tpu.memref_slice %arg2[%mul3A_402] : memref<1622016xi32, #tpu.memory_space<hbm>> -> memref<256xi32, #tpu.memory_space<hbm>>
                tpu.enqueue_dma source(%dma_start3A_479 : memref<256xi32, #tpu.memory_space<hbm>>) target(%arg7 : memref<256xi32, #tpu.memory_space<vmem>>) target_semaphore(%run_scoped3A : memref<!tpu.dma_semaphore, #tpu.memory_space<semaphore_mem>>)
                %dma_wait3A_480 = tpu.memref_slice %arg2[%mul3A_402] : memref<1622016xi32, #tpu.memory_space<hbm>> -> memref<256xi32, #tpu.memory_space<hbm>>
                %dma_wait3A_481 = tpu.memref_slice %arg2[%mul3A_402] : memref<1622016xi32, #tpu.memory_space<hbm>> -> memref<256xi32, #tpu.memory_space<hbm>>
                tpu.wait_dma2 semaphore(%run_scoped3A : memref<!tpu.dma_semaphore, #tpu.memory_space<semaphore_mem>>) src(%dma_wait3A_481 : memref<256xi32, #tpu.memory_space<hbm>>) dst(%arg7 : memref<256xi32, #tpu.memory_space<vmem>>)
                tpu.yield
              }) : () -> ()
              %get3A_403 = arith.constant 0 : index
              %get3A_404 = tpu.vector_load %arg7[%get3A_403] {strides = array<i32>} : memref<256xi32, #tpu.memory_space<vmem>>, vector<16xi32>,
              %add3A_405 = arith.addi %get3A_404, %broadcast_in_dim3A_82 : vector<16xi32>
              %swap3A_406 = arith.constant 0 : index
              %swap3A_407 = tpu.vector_load %arg15[%swap3A_406] {strides = array<i32>} : memref<128xi32, #tpu.memory_space<vmem>>, vector<16xi32>,
              tpu.vector_store %arg15[%swap3A_406], %add3A_405 {strides = array<i32>} : memref<128xi32, #tpu.memory_space<vmem>>, vector<16xi32>,
              %get3A_408 = arith.constant 128 : index
              %get3A_409 = tpu.vector_load %arg7[%get3A_408] {strides = array<i32>} : memref<256xi32, #tpu.memory_space<vmem>>, vector<16xi32>,
              %swap3A_410 = arith.constant 0 : index
              %swap3A_411 = tpu.vector_load %arg9[%swap3A_410] {strides = array<i32>} : memref<128xi32, #tpu.memory_space<vmem>>, vector<16xi32>,
              tpu.vector_store %arg9[%swap3A_410], %get3A_409 {strides = array<i32>} : memref<128xi32, #tpu.memory_space<vmem>>, vector<16xi32>,
              %get3A_412 = arith.constant 16 : index
              %get3A_413 = tpu.vector_load %arg7[%get3A_412] {strides = array<i32>} : memref<256xi32, #tpu.memory_space<vmem>>, vector<16xi32>,
              %add3A_414 = arith.addi %get3A_413, %broadcast_in_dim3A_82 : vector<16xi32>
              %swap3A_415 = arith.constant 16 : index
              %swap3A_416 = tpu.vector_load %arg15[%swap3A_415] {strides = array<i32>} : memref<128xi32, #tpu.memory_space<vmem>>, vector<16xi32>,
              tpu.vector_store %arg15[%swap3A_415], %add3A_414 {strides = array<i32>} : memref<128xi32, #tpu.memory_space<vmem>>, vector<16xi32>,
              %get3A_417 = arith.constant 144 : index
              %get3A_418 = tpu.vector_load %arg7[%get3A_417] {strides = array<i32>} : memref<256xi32, #tpu.memory_space<vmem>>, vector<16xi32>,
              %swap3A_419 = arith.constant 16 : index
              %swap3A_420 = tpu.vector_load %arg9[%swap3A_419] {strides = array<i32>} : memref<128xi32, #tpu.memory_space<vmem>>, vector<16xi32>,
              tpu.vector_store %arg9[%swap3A_419], %get3A_418 {strides = array<i32>} : memref<128xi32, #tpu.memory_space<vmem>>, vector<16xi32>,
              %get3A_421 = arith.constant 32 : index
              %get3A_422 = tpu.vector_load %arg7[%get3A_421] {strides = array<i32>} : memref<256xi32, #tpu.memory_space<vmem>>, vector<16xi32>,
              %add3A_423 = arith.addi %get3A_422, %broadcast_in_dim3A_82 : vector<16xi32>
              %swap3A_424 = arith.constant 32 : index
              %swap3A_425 = tpu.vector_load %arg15[%swap3A_424] {strides = array<i32>} : memref<128xi32, #tpu.memory_space<vmem>>, vector<16xi32>,
              tpu.vector_store %arg15[%swap3A_424], %add3A_423 {strides = array<i32>} : memref<128xi32, #tpu.memory_space<vmem>>, vector<16xi32>,
              %get3A_426 = arith.constant 160 : index
              %get3A_427 = tpu.vector_load %arg7[%get3A_426] {strides = array<i32>} : memref<256xi32, #tpu.memory_space<vmem>>, vector<16xi32>,
              %swap3A_428 = arith.constant 32 : index
              %swap3A_429 = tpu.vector_load %arg9[%swap3A_428] {strides = array<i32>} : memref<128xi32, #tpu.memory_space<vmem>>, vector<16xi32>,
              tpu.vector_store %arg9[%swap3A_428], %get3A_427 {strides = array<i32>} : memref<128xi32, #tpu.memory_space<vmem>>, vector<16xi32>,
              %get3A_430 = arith.constant 48 : index
              %get3A_431 = tpu.vector_load %arg7[%get3A_430] {strides = array<i32>} : memref<256xi32, #tpu.memory_space<vmem>>, vector<16xi32>,
              %add3A_432 = arith.addi %get3A_431, %broadcast_in_dim3A_82 : vector<16xi32>
              %swap3A_433 = arith.constant 48 : index
              %swap3A_434 = tpu.vector_load %arg15[%swap3A_433] {strides = array<i32>} : memref<128xi32, #tpu.memory_space<vmem>>, vector<16xi32>,
              tpu.vector_store %arg15[%swap3A_433], %add3A_432 {strides = array<i32>} : memref<128xi32, #tpu.memory_space<vmem>>, vector<16xi32>,
              %get3A_435 = arith.constant 176 : index
              %get3A_436 = tpu.vector_load %arg7[%get3A_435] {strides = array<i32>} : memref<256xi32, #tpu.memory_space<vmem>>, vector<16xi32>,
              %swap3A_437 = arith.constant 48 : index
              %swap3A_438 = tpu.vector_load %arg9[%swap3A_437] {strides = array<i32>} : memref<128xi32, #tpu.memory_space<vmem>>, vector<16xi32>,
              tpu.vector_store %arg9[%swap3A_437], %get3A_436 {strides = array<i32>} : memref<128xi32, #tpu.memory_space<vmem>>, vector<16xi32>,
              %get3A_439 = arith.constant 64 : index
              %get3A_440 = tpu.vector_load %arg7[%get3A_439] {strides = array<i32>} : memref<256xi32, #tpu.memory_space<vmem>>, vector<16xi32>,
              %add3A_441 = arith.addi %get3A_440, %broadcast_in_dim3A_82 : vector<16xi32>
              %swap3A_442 = arith.constant 64 : index
              %swap3A_443 = tpu.vector_load %arg15[%swap3A_442] {strides = array<i32>} : memref<128xi32, #tpu.memory_space<vmem>>, vector<16xi32>,
              tpu.vector_store %arg15[%swap3A_442], %add3A_441 {strides = array<i32>} : memref<128xi32, #tpu.memory_space<vmem>>, vector<16xi32>,
              %get3A_444 = arith.constant 192 : index
              %get3A_445 = tpu.vector_load %arg7[%get3A_444] {strides = array<i32>} : memref<256xi32, #tpu.memory_space<vmem>>, vector<16xi32>,
              %swap3A_446 = arith.constant 64 : index
              %swap3A_447 = tpu.vector_load %arg9[%swap3A_446] {strides = array<i32>} : memref<128xi32, #tpu.memory_space<vmem>>, vector<16xi32>,
              tpu.vector_store %arg9[%swap3A_446], %get3A_445 {strides = array<i32>} : memref<128xi32, #tpu.memory_space<vmem>>, vector<16xi32>,
              %get3A_448 = arith.constant 80 : index
              %get3A_449 = tpu.vector_load %arg7[%get3A_448] {strides = array<i32>} : memref<256xi32, #tpu.memory_space<vmem>>, vector<16xi32>,
              %add3A_450 = arith.addi %get3A_449, %broadcast_in_dim3A_82 : vector<16xi32>
              %swap3A_451 = arith.constant 80 : index
              %swap3A_452 = tpu.vector_load %arg15[%swap3A_451] {strides = array<i32>} : memref<128xi32, #tpu.memory_space<vmem>>, vector<16xi32>,
              tpu.vector_store %arg15[%swap3A_451], %add3A_450 {strides = array<i32>} : memref<128xi32, #tpu.memory_space<vmem>>, vector<16xi32>,
              %get3A_453 = arith.constant 208 : index
              %get3A_454 = tpu.vector_load %arg7[%get3A_453] {strides = array<i32>} : memref<256xi32, #tpu.memory_space<vmem>>, vector<16xi32>,
              %swap3A_455 = arith.constant 80 : index
              %swap3A_456 = tpu.vector_load %arg9[%swap3A_455] {strides = array<i32>} : memref<128xi32, #tpu.memory_space<vmem>>, vector<16xi32>,
              tpu.vector_store %arg9[%swap3A_455], %get3A_454 {strides = array<i32>} : memref<128xi32, #tpu.memory_space<vmem>>, vector<16xi32>,
              %get3A_457 = arith.constant 96 : index
              %get3A_458 = tpu.vector_load %arg7[%get3A_457] {strides = array<i32>} : memref<256xi32, #tpu.memory_space<vmem>>, vector<16xi32>,
              %add3A_459 = arith.addi %get3A_458, %broadcast_in_dim3A_82 : vector<16xi32>
              %swap3A_460 = arith.constant 96 : index
              %swap3A_461 = tpu.vector_load %arg15[%swap3A_460] {strides = array<i32>} : memref<128xi32, #tpu.memory_space<vmem>>, vector<16xi32>,
              tpu.vector_store %arg15[%swap3A_460], %add3A_459 {strides = array<i32>} : memref<128xi32, #tpu.memory_space<vmem>>, vector<16xi32>,
              %get3A_462 = arith.constant 224 : index
              %get3A_463 = tpu.vector_load %arg7[%get3A_462] {strides = array<i32>} : memref<256xi32, #tpu.memory_space<vmem>>, vector<16xi32>,
              %swap3A_464 = arith.constant 96 : index
              %swap3A_465 = tpu.vector_load %arg9[%swap3A_464] {strides = array<i32>} : memref<128xi32, #tpu.memory_space<vmem>>, vector<16xi32>,
              tpu.vector_store %arg9[%swap3A_464], %get3A_463 {strides = array<i32>} : memref<128xi32, #tpu.memory_space<vmem>>, vector<16xi32>,
              %get3A_466 = arith.constant 112 : index
              %get3A_467 = tpu.vector_load %arg7[%get3A_466] {strides = array<i32>} : memref<256xi32, #tpu.memory_space<vmem>>, vector<16xi32>,
              %add3A_468 = arith.addi %get3A_467, %broadcast_in_dim3A_82 : vector<16xi32>
              %swap3A_469 = arith.constant 112 : index
              %swap3A_470 = tpu.vector_load %arg15[%swap3A_469] {strides = array<i32>} : memref<128xi32, #tpu.memory_space<vmem>>, vector<16xi32>,
              tpu.vector_store %arg15[%swap3A_469], %add3A_468 {strides = array<i32>} : memref<128xi32, #tpu.memory_space<vmem>>, vector<16xi32>,
              %get3A_471 = arith.constant 240 : index
              %get3A_472 = tpu.vector_load %arg7[%get3A_471] {strides = array<i32>} : memref<256xi32, #tpu.memory_space<vmem>>, vector<16xi32>,
              %swap3A_473 = arith.constant 112 : index
              %swap3A_474 = tpu.vector_load %arg9[%swap3A_473] {strides = array<i32>} : memref<128xi32, #tpu.memory_space<vmem>>, vector<16xi32>,
              tpu.vector_store %arg9[%swap3A_473], %get3A_472 {strides = array<i32>} : memref<128xi32, #tpu.memory_space<vmem>>, vector<16xi32>,
              %dma_start3A_475 = arith.constant 0 : i32
              %dma_start3A_476 = arith.constant 0 : i32
              %dma_start3A_477 = tpu.memref_slice %arg5[%dma_start3A_475, %dma_start3A_476] : memref<204800x16xf32, #tpu.memory_space<hbm>> -> memref<204800x16xf32, #tpu.memory_space<hbm>>
              tpu.enqueue_indirect_dma source(%dma_start3A_477 : memref<204800x16xf32, #tpu.memory_space<hbm>>) target(%arg21 : memref<128x16xf32, #tpu.memory_space<vmem>>) offsets(%arg15 : memref<128xi32, #tpu.memory_space<vmem>>) semaphore(%arg32 : memref<!tpu.dma_semaphore, #tpu.memory_space<semaphore_mem>>)
            } else {
            }
            %dma_wait3A_391 = arith.constant 0 : i32
            %dma_wait3A_392 = arith.constant 0 : i32
            %dma_wait3A_393 = tpu.memref_slice %arg5[%dma_wait3A_391, %dma_wait3A_392] : memref<204800x16xf32, #tpu.memory_space<hbm>> -> memref<204800x16xf32, #tpu.memory_space<hbm>>
            tpu.wait_indirect_dma semaphore(%arg36 : memref<!tpu.dma_semaphore, #tpu.memory_space<semaphore_mem>>) src(%dma_wait3A_393 : memref<204800x16xf32, #tpu.memory_space<hbm>>) dst(%arg25 : memref<128x16xf32, #tpu.memory_space<vmem>>)
            %dma_start3A_394 = arith.constant 0 : i32
            %dma_start3A_395 = arith.constant 0 : i32
            %dma_start3A_396 = tpu.memref_slice %arg30[%dma_start3A_394, %dma_start3A_395] : memref<51200x16xf32, #tpu.memory_space<vmem_shared>> -> memref<51200x16xf32, #tpu.memory_space<vmem_shared>>
            tpu.enqueue_indirect_dma source(%arg25 : memref<128x16xf32, #tpu.memory_space<vmem>>) target(%dma_start3A_396 : memref<51200x16xf32, #tpu.memory_space<vmem_shared>>) offsets(%arg13 : memref<128xi32, #tpu.memory_space<vmem>>) semaphore(%arg36 : memref<!tpu.dma_semaphore, #tpu.memory_space<semaphore_mem>>) {add = true}
            %scan3A_397 = arith.constant 0 : i32
            scf.yield %scan3A_397 : i32
          }
          %scan3A_263 = arith.constant 66 : i32
          %dma_wait3A_264 = arith.constant 0 : i32
          %dma_wait3A_265 = arith.constant 0 : i32
          %dma_wait3A_266 = tpu.memref_slice %arg30[%dma_wait3A_264, %dma_wait3A_265] : memref<51200x16xf32, #tpu.memory_space<vmem_shared>> -> memref<51200x16xf32, #tpu.memory_space<vmem_shared>>
          tpu.wait_indirect_dma semaphore(%arg33 : memref<!tpu.dma_semaphore, #tpu.memory_space<semaphore_mem>>) src(%arg22 : memref<128x16xf32, #tpu.memory_space<vmem>>) dst(%dma_wait3A_266 : memref<51200x16xf32, #tpu.memory_space<vmem_shared>>)
          %dma_wait3A_267 = arith.constant 0 : i32
          %dma_wait3A_268 = arith.constant 0 : i32
          %dma_wait3A_269 = tpu.memref_slice %arg30[%dma_wait3A_267, %dma_wait3A_268] : memref<51200x16xf32, #tpu.memory_space<vmem_shared>> -> memref<51200x16xf32, #tpu.memory_space<vmem_shared>>
          tpu.wait_indirect_dma semaphore(%arg34 : memref<!tpu.dma_semaphore, #tpu.memory_space<semaphore_mem>>) src(%arg23 : memref<128x16xf32, #tpu.memory_space<vmem>>) dst(%dma_wait3A_269 : memref<51200x16xf32, #tpu.memory_space<vmem_shared>>)
          %dma_wait3A_270 = arith.constant 0 : i32
          %dma_wait3A_271 = arith.constant 0 : i32
          %dma_wait3A_272 = tpu.memref_slice %arg30[%dma_wait3A_270, %dma_wait3A_271] : memref<51200x16xf32, #tpu.memory_space<vmem_shared>> -> memref<51200x16xf32, #tpu.memory_space<vmem_shared>>
          tpu.wait_indirect_dma semaphore(%arg35 : memref<!tpu.dma_semaphore, #tpu.memory_space<semaphore_mem>>) src(%arg24 : memref<128x16xf32, #tpu.memory_space<vmem>>) dst(%dma_wait3A_272 : memref<51200x16xf32, #tpu.memory_space<vmem_shared>>)
          %dma_wait3A_273 = arith.constant 0 : i32
          %dma_wait3A_274 = arith.constant 0 : i32
          %dma_wait3A_275 = tpu.memref_slice %arg30[%dma_wait3A_273, %dma_wait3A_274] : memref<51200x16xf32, #tpu.memory_space<vmem_shared>> -> memref<51200x16xf32, #tpu.memory_space<vmem_shared>>
          tpu.wait_indirect_dma semaphore(%arg36 : memref<!tpu.dma_semaphore, #tpu.memory_space<semaphore_mem>>) src(%arg25 : memref<128x16xf32, #tpu.memory_space<vmem>>) dst(%dma_wait3A_275 : memref<51200x16xf32, #tpu.memory_space<vmem_shared>>)
          %barrier3A_276 = arith.constant 0 : index
          tpu.barrier barrier_id(%barrier3A_276)
        } else {
        }
        %broadcast_in_dim3A_84 = vector.broadcast %gt3A_67 : i1 to vector<16xi1>
        %select_n3A = arith.select %broadcast_in_dim3A_84, %broadcast_in_dim3A_2, %broadcast_in_dim3A_0 : vector<16xi1>, vector<16xf32>
        %scan3A_85 = arith.constant 0 : i32
        %scan3A_86 = arith.constant 0 : i32
        %scan3A_87 = arith.constant 8 : i32
        %scan3A_88 = arith.addi %scan3A_86, %scan3A_87 : i32
        %scan3A_89 = arith.constant 1 : i32
        %scan3A_90 = scf.for %scan3A_94 = %scan3A_86 to %scan3A_88 step %scan3A_89 iter_args(%scan3A_95 = %scan3A_85) -> (i32)  : i32 {
          %mul3A_96 = arith.constant 400 : i32
          %mul3A_97 = arith.muli %scan3A_94, %mul3A_96 : i32
          %add3A_98 = arith.addi %mul3A_3, %mul3A_97 : i32
          %add3A_99 = arith.addi %mul3A_81, %add3A_98 : i32
          %convert_element_type3A_100 = arith.extui %gt3A_67 : i1 to i32
          %cond3A_101 = arith.constant 0 : i32
          %cond3A_102 = arith.cmpi ne, %convert_element_type3A_100, %cond3A_101 : i32
          scf.if %cond3A_102 {
            "tpu.region"() ({
              %run_scoped3A = tpu.sem_alloc : memref<!tpu.dma_semaphore, #tpu.memory_space<semaphore_mem>>
              %dma_start3A = arith.constant 0 : i32
              %dma_start3A_124 = tpu.memref_slice %arg30[%add3A_98, %dma_start3A] : memref<51200x16xf32, #tpu.memory_space<vmem_shared>> -> memref<400x16xf32, #tpu.memory_space<vmem_shared>>
              %dma_start3A_125 = arith.constant 0 : i32
              %dma_start3A_126 = tpu.memref_slice %arg30[%add3A_98, %dma_start3A_125] : memref<51200x16xf32, #tpu.memory_space<vmem_shared>> -> memref<400x16xf32, #tpu.memory_space<vmem_shared>>
              tpu.enqueue_dma source(%dma_start3A_126 : memref<400x16xf32, #tpu.memory_space<vmem_shared>>) target(%arg29 : memref<400x16xf32, #tpu.memory_space<vmem>>) target_semaphore(%run_scoped3A : memref<!tpu.dma_semaphore, #tpu.memory_space<semaphore_mem>>)
              %dma_wait3A_127 = arith.constant 0 : i32
              %dma_wait3A_128 = tpu.memref_slice %arg30[%add3A_98, %dma_wait3A_127] : memref<51200x16xf32, #tpu.memory_space<vmem_shared>> -> memref<400x16xf32, #tpu.memory_space<vmem_shared>>
              %dma_wait3A_129 = arith.constant 0 : i32
              %dma_wait3A_130 = tpu.memref_slice %arg30[%add3A_98, %dma_wait3A_129] : memref<51200x16xf32, #tpu.memory_space<vmem_shared>> -> memref<400x16xf32, #tpu.memory_space<vmem_shared>>
              tpu.wait_dma2 semaphore(%run_scoped3A : memref<!tpu.dma_semaphore, #tpu.memory_space<semaphore_mem>>) src(%dma_wait3A_130 : memref<400x16xf32, #tpu.memory_space<vmem_shared>>) dst(%arg29 : memref<400x16xf32, #tpu.memory_space<vmem>>)
              tpu.yield
            }) : () -> ()
          } else {
          }
          %not3A = arith.constant true
          %not3A_103 = arith.xori %gt3A_67, %not3A : i1
          %convert_element_type3A_104 = arith.extui %not3A_103 : i1 to i32
          %cond3A_105 = arith.constant 0 : i32
          %cond3A_106 = arith.cmpi ne, %convert_element_type3A_104, %cond3A_105 : i32
          scf.if %cond3A_106 {
            "tpu.region"() ({
              %run_scoped3A = tpu.sem_alloc : memref<!tpu.dma_semaphore, #tpu.memory_space<semaphore_mem>>
              %dma_start3A = arith.constant 0 : i32
              %dma_start3A_124 = tpu.memref_slice %arg3[%add3A_99, %dma_start3A] : memref<204800x16xf32, #tpu.memory_space<hbm>> -> memref<400x16xf32, #tpu.memory_space<hbm>>
              %dma_start3A_125 = arith.constant 0 : i32
              %dma_start3A_126 = tpu.memref_slice %arg3[%add3A_99, %dma_start3A_125] : memref<204800x16xf32, #tpu.memory_space<hbm>> -> memref<400x16xf32, #tpu.memory_space<hbm>>
              tpu.enqueue_dma source(%dma_start3A_126 : memref<400x16xf32, #tpu.memory_space<hbm>>) target(%arg29 : memref<400x16xf32, #tpu.memory_space<vmem>>) target_semaphore(%run_scoped3A : memref<!tpu.dma_semaphore, #tpu.memory_space<semaphore_mem>>)
              %dma_wait3A_127 = arith.constant 0 : i32
              %dma_wait3A_128 = tpu.memref_slice %arg3[%add3A_99, %dma_wait3A_127] : memref<204800x16xf32, #tpu.memory_space<hbm>> -> memref<400x16xf32, #tpu.memory_space<hbm>>
              %dma_wait3A_129 = arith.constant 0 : i32
              %dma_wait3A_130 = tpu.memref_slice %arg3[%add3A_99, %dma_wait3A_129] : memref<204800x16xf32, #tpu.memory_space<hbm>> -> memref<400x16xf32, #tpu.memory_space<hbm>>
              tpu.wait_dma2 semaphore(%run_scoped3A : memref<!tpu.dma_semaphore, #tpu.memory_space<semaphore_mem>>) src(%dma_wait3A_130 : memref<400x16xf32, #tpu.memory_space<hbm>>) dst(%arg29 : memref<400x16xf32, #tpu.memory_space<vmem>>)
              tpu.yield
            }) : () -> ()
          } else {
          }
          %scan3A_107 = arith.constant 0 : i32
          %scan3A_108 = arith.constant 0 : i32
          %scan3A_109 = arith.constant 400 : i32
          %scan3A_110 = arith.addi %scan3A_108, %scan3A_109 : i32
          %scan3A_111 = arith.constant 1 : i32
          %scan3A_112 = scf.for %scan3A_124 = %scan3A_108 to %scan3A_110 step %scan3A_111 iter_args(%scan3A_125 = %scan3A_107) -> (i32)  : i32 {
            %mul3A_126 = arith.constant 400 : i32
            %mul3A_127 = arith.muli %scan3A_94, %mul3A_126 : i32
            %add3A_128 = arith.addi %mul3A_127, %scan3A_124 : i32
            %broadcast_in_dim3A_129 = vector.broadcast %add3A_128 : i32 to vector<16xi32>
            %gather3A = tpu.vector_load_idx %arg6[%broadcast_in_dim3A_129] : memref<3200xf32, #tpu.memory_space<vmem>>[vector<16xi32>], vector<16xf32>,
            %mul3A_130 = arith.mulf %gather3A, %select_n3A : vector<16xf32>
            %sub3A = arith.subf %broadcast_in_dim3A_2, %select_n3A : vector<16xf32>
            %add3A_131 = arith.addf %mul3A_130, %sub3A : vector<16xf32>
            %get3A = arith.index_cast %scan3A_124 : i32 to index
            %get3A_132 = arith.constant 0 : index
            %get3A_133 = tpu.vector_load %arg29[%get3A, %get3A_132] {strides = array<i32>} : memref<400x16xf32, #tpu.memory_space<vmem>>, vector<16xf32>,
            %mul3A_134 = arith.mulf %get3A_133, %add3A_131 : vector<16xf32>
            %swap3A = arith.index_cast %scan3A_124 : i32 to index
            %swap3A_135 = arith.constant 0 : index
            %swap3A_136 = tpu.vector_load %arg29[%swap3A, %swap3A_135] {strides = array<i32>} : memref<400x16xf32, #tpu.memory_space<vmem>>, vector<16xf32>,
            tpu.vector_store %arg29[%swap3A, %swap3A_135], %mul3A_134 {strides = array<i32>} : memref<400x16xf32, #tpu.memory_space<vmem>>, vector<16xf32>,
            %mul3A_137 = arith.mulf %mul3A_134, %gather3A : vector<16xf32>
            %swap3A_138 = arith.index_cast %scan3A_124 : i32 to index
            %swap3A_139 = arith.constant 0 : index
            %swap3A_140 = tpu.vector_load %arg28[%swap3A_138, %swap3A_139] {strides = array<i32>} : memref<400x16xf32, #tpu.memory_space<vmem>>, vector<16xf32>,
            tpu.vector_store %arg28[%swap3A_138, %swap3A_139], %mul3A_137 {strides = array<i32>} : memref<400x16xf32, #tpu.memory_space<vmem>>, vector<16xf32>,
            %scan3A_141 = arith.constant 0 : i32
            scf.yield %scan3A_141 : i32
          }
          %scan3A_113 = arith.constant 400 : i32
          %mul3A_114 = arith.constant 4 : i32
          %mul3A_115 = arith.muli %scan3A_65, %mul3A_114 : i32
          %mul3A_116 = arith.constant 51200 : i32
          %mul3A_117 = arith.muli %mul3A_115, %mul3A_116 : i32
          %add3A_118 = arith.addi %mul3A_117, %add3A_99 : i32
          "tpu.region"() ({
            %run_scoped3A = tpu.sem_alloc : memref<!tpu.dma_semaphore, #tpu.memory_space<semaphore_mem>>
            %dma_start3A = arith.constant 0 : i32
            %dma_start3A_124 = tpu.memref_slice %arg4[%add3A_118, %dma_start3A] : memref<819200x16xf32, #tpu.memory_space<hbm>> -> memref<400x16xf32, #tpu.memory_space<hbm>>
            %dma_start3A_125 = arith.constant 0 : i32
            %dma_start3A_126 = tpu.memref_slice %arg4[%add3A_118, %dma_start3A_125] : memref<819200x16xf32, #tpu.memory_space<hbm>> -> memref<400x16xf32, #tpu.memory_space<hbm>>
            tpu.enqueue_dma source(%arg29 : memref<400x16xf32, #tpu.memory_space<vmem>>) target(%dma_start3A_126 : memref<400x16xf32, #tpu.memory_space<hbm>>) target_semaphore(%run_scoped3A : memref<!tpu.dma_semaphore, #tpu.memory_space<semaphore_mem>>)
            %dma_wait3A_127 = arith.constant 0 : i32
            %dma_wait3A_128 = tpu.memref_slice %arg4[%add3A_118, %dma_wait3A_127] : memref<819200x16xf32, #tpu.memory_space<hbm>> -> memref<400x16xf32, #tpu.memory_space<hbm>>
            %dma_wait3A_129 = arith.constant 0 : i32
            %dma_wait3A_130 = tpu.memref_slice %arg4[%add3A_118, %dma_wait3A_129] : memref<819200x16xf32, #tpu.memory_space<hbm>> -> memref<400x16xf32, #tpu.memory_space<hbm>>
            tpu.wait_dma2 semaphore(%run_scoped3A : memref<!tpu.dma_semaphore, #tpu.memory_space<semaphore_mem>>) src(%arg29 : memref<400x16xf32, #tpu.memory_space<vmem>>) dst(%dma_wait3A_130 : memref<400x16xf32, #tpu.memory_space<hbm>>)
            tpu.yield
          }) : () -> ()
          %lt3A = arith.constant 3 : i32
          %lt3A_119 = arith.cmpi slt, %scan3A_65, %lt3A : i32
          %convert_element_type3A_120 = arith.extui %lt3A_119 : i1 to i32
          %cond3A_121 = arith.constant 0 : i32
          %cond3A_122 = arith.cmpi ne, %convert_element_type3A_120, %cond3A_121 : i32
          scf.if %cond3A_122 {
            "tpu.region"() ({
              %run_scoped3A = tpu.sem_alloc : memref<!tpu.dma_semaphore, #tpu.memory_space<semaphore_mem>>
              %dma_start3A = arith.constant 0 : i32
              %dma_start3A_124 = tpu.memref_slice %arg5[%add3A_99, %dma_start3A] : memref<204800x16xf32, #tpu.memory_space<hbm>> -> memref<400x16xf32, #tpu.memory_space<hbm>>
              %dma_start3A_125 = arith.constant 0 : i32
              %dma_start3A_126 = tpu.memref_slice %arg5[%add3A_99, %dma_start3A_125] : memref<204800x16xf32, #tpu.memory_space<hbm>> -> memref<400x16xf32, #tpu.memory_space<hbm>>
              tpu.enqueue_dma source(%arg28 : memref<400x16xf32, #tpu.memory_space<vmem>>) target(%dma_start3A_126 : memref<400x16xf32, #tpu.memory_space<hbm>>) target_semaphore(%run_scoped3A : memref<!tpu.dma_semaphore, #tpu.memory_space<semaphore_mem>>)
              %dma_wait3A_127 = arith.constant 0 : i32
              %dma_wait3A_128 = tpu.memref_slice %arg5[%add3A_99, %dma_wait3A_127] : memref<204800x16xf32, #tpu.memory_space<hbm>> -> memref<400x16xf32, #tpu.memory_space<hbm>>
              %dma_wait3A_129 = arith.constant 0 : i32
              %dma_wait3A_130 = tpu.memref_slice %arg5[%add3A_99, %dma_wait3A_129] : memref<204800x16xf32, #tpu.memory_space<hbm>> -> memref<400x16xf32, #tpu.memory_space<hbm>>
              tpu.wait_dma2 semaphore(%run_scoped3A : memref<!tpu.dma_semaphore, #tpu.memory_space<semaphore_mem>>) src(%arg28 : memref<400x16xf32, #tpu.memory_space<vmem>>) dst(%dma_wait3A_130 : memref<400x16xf32, #tpu.memory_space<hbm>>)
              tpu.yield
            }) : () -> ()
          } else {
          }
          %scan3A_123 = arith.constant 0 : i32
          scf.yield %scan3A_123 : i32
        }
        %scan3A_91 = arith.constant 8 : i32
        %barrier3A_92 = arith.constant 0 : index
        tpu.barrier barrier_id(%barrier3A_92)
        %scan3A_93 = arith.constant 0 : i32
        scf.yield %scan3A_93 : i32
      }
      %scan3A_74 = arith.constant 2 : i32
      %scan3A_75 = arith.constant 0 : i32
      scf.yield %scan3A_75 : i32
    }
    %scan3A_64 = arith.constant 4 : i32
    return
  }
}

module attributes {stable_mosaic.version = 14 : i64} {
  func.func @_mean_body(%arg0: i32, %arg1: memref<256x128xf32, #tpu.memory_space<vmem>>, %arg2: memref<256x128xf32, #tpu.memory_space<vmem>>, %arg3: memref<256x128xf32, #tpu.memory_space<vmem>>, %arg4: memref<256x128xf32, #tpu.memory_space<vmem>>, %arg5: memref<256x128xf32, #tpu.memory_space<vmem>>) attributes {dimension_semantics = [#tpu.dimension_semantics<arbitrary>], iteration_bounds = array<i64: 100>, scalar_prefetch = 0 : i64, scratch_operands = 0 : i64, tpu.core_type = #tpu.core_type<tc>, window_params = [{transform_indices = @transform_0, window_bounds = array<i64: 256, 128>}, {transform_indices = @transform_1, window_bounds = array<i64: 256, 128>}, {transform_indices = @transform_2, window_bounds = array<i64: 256, 128>}, {transform_indices = @transform_3, window_bounds = array<i64: 256, 128>}, {transform_indices = @transform_4, window_bounds = array<i64: 256, 128>}]} {
    %get3A = arith.constant 0 : index
    %get3A_0 = arith.constant 0 : index
    %get3A_1 = vector.load %arg1[%get3A, %get3A_0] : memref<256x128xf32, #tpu.memory_space<vmem>>, vector<256x128xf32>
    %get3A_2 = arith.constant 0 : index
    %get3A_3 = arith.constant 0 : index
    %get3A_4 = vector.load %arg2[%get3A_2, %get3A_3] : memref<256x128xf32, #tpu.memory_space<vmem>>, vector<256x128xf32>
    %add3A = arith.addf %get3A_1, %get3A_4 : vector<256x128xf32>
    %get3A_5 = arith.constant 0 : index
    %get3A_6 = arith.constant 0 : index
    %get3A_7 = vector.load %arg3[%get3A_5, %get3A_6] : memref<256x128xf32, #tpu.memory_space<vmem>>, vector<256x128xf32>
    %add3A_8 = arith.addf %add3A, %get3A_7 : vector<256x128xf32>
    %get3A_9 = arith.constant 0 : index
    %get3A_10 = arith.constant 0 : index
    %get3A_11 = vector.load %arg4[%get3A_9, %get3A_10] : memref<256x128xf32, #tpu.memory_space<vmem>>, vector<256x128xf32>
    %add3A_12 = arith.addf %add3A_8, %get3A_11 : vector<256x128xf32>
    %mul3A = arith.constant 2.500000e-01 : f32
    %mul3A_13 = vector.broadcast %mul3A : f32 to vector<256x128xf32>
    %mul3A_14 = arith.mulf %mul3A_13, %add3A_12 : vector<256x128xf32>
    %swap3A = arith.constant 0 : index
    %swap3A_15 = arith.constant 0 : index
    %swap3A_16 = vector.load %arg5[%swap3A, %swap3A_15] : memref<256x128xf32, #tpu.memory_space<vmem>>, vector<256x128xf32>
    tpu.vector_store %arg5[%swap3A, %swap3A_15], %mul3A_14 {strides = array<i32>} : memref<256x128xf32, #tpu.memory_space<vmem>>, vector<256x128xf32>,
    return
  }
  func.func @transform_0(%arg0: i32) -> (i32, i32) {
    %add3A = arith.constant 0 : i32
    %add3A_0 = arith.addi %add3A, %arg0 : i32
    %c0_i32 = arith.constant 0 : i32
    %c0_i32_1 = arith.constant 0 : i32
    return %add3A_0, %c0_i32 : i32, i32
  }
  func.func @transform_1(%arg0: i32) -> (i32, i32) {
    %add3A = arith.constant 100 : i32
    %add3A_0 = arith.addi %add3A, %arg0 : i32
    %c0_i32 = arith.constant 0 : i32
    %c0_i32_1 = arith.constant 0 : i32
    return %add3A_0, %c0_i32 : i32, i32
  }
  func.func @transform_2(%arg0: i32) -> (i32, i32) {
    %add3A = arith.constant 200 : i32
    %add3A_0 = arith.addi %add3A, %arg0 : i32
    %c0_i32 = arith.constant 0 : i32
    %c0_i32_1 = arith.constant 0 : i32
    return %add3A_0, %c0_i32 : i32, i32
  }
  func.func @transform_3(%arg0: i32) -> (i32, i32) {
    %add3A = arith.constant 300 : i32
    %add3A_0 = arith.addi %add3A, %arg0 : i32
    %c0_i32 = arith.constant 0 : i32
    %c0_i32_1 = arith.constant 0 : i32
    return %add3A_0, %c0_i32 : i32, i32
  }
  func.func @transform_4(%arg0: i32) -> (i32, i32) {
    %c0_i32 = arith.constant 0 : i32
    %c0_i32_0 = arith.constant 0 : i32
    return %arg0, %c0_i32 : i32, i32
  }
}

</mosaic_0001>

<sc_bundles>
// kernel: _gcn.4.cloned.1.call-start
scs
__scs_entry_jumppad:
0x0: {  	(pc) =	sbr.rel $0x88, $3  }
0x1: {  	(tag) =	ssettag $0x0;
	lr =	simm.s32 $0x1  }
0x2: {  	[smem:$0x3F9F] =	sst lr;
	_ =	strace $0xD0000000  }
0x3: {  	_ = 	snop  }
0x4: {  	_ = 	snop  }
0x5: {  	_ = 	snop  }
0x6: {  	_ = 	snop  }
0x7: {  	_ = 	snop  }
__scs_overlays_trampoline_lowered:
0x8: {  	[smem:$0x3FAE] =	sst s0  }
0x9: {  	[smem:$0x3FAF] =	sst s1  }
0xa: {  	[smem:$0x3FB0] =	sst s2  }
0xb: {  	[smem:$0x3FB1] =	sst s3  }
0xc: {  	[smem:$0x3FB2] =	sst s4  }
0xd: {  	[smem:$0x3FB3] =	sst s5  }
0xe: {  	[smem:$0x3FB4] =	sst s6  }
0xf: {  	[smem:$0x3FB5] =	sst s7  }
0x10: {  	[smem:$0x3FB6] =	sst s8  }
0x11: {  	[smem:$0x3FB7] =	sst s9;
	s0 =	simm.s32 @!p0 $0x0  }
0x12: {  	s1 =	sld [smem:$0x3F9D];
	s0 =	simm.s32 @p0 $0x1  }
0x13: {  	[smem:$0x3FB8] =	sst s0;
	s0 =	simm.s32 @!p1 $0x0  }
0x14: {  	s2 =	sld [smem:$0x3F9C];
	s0 =	simm.s32 @p1 $0x1  }
0x15: {  	[smem:$0x3FB9] =	sst s0;
	s0 =	simm.s32 @!p2 $0x0  }
0x16: {  	s3 =	sld [smem:$0x3FDB];
	s0 =	simm.s32 @p2 $0x1  }
0x17: {  	s4 =	simm.s32 $0x1BF5;
	[smem:$0x3FBB] =	sst s0  }
0x18: {  	s0 =	sld [smem:$0x3F9E];
	_ =	swait.ge [sflag:s4], $0x0  }
0x19: {  	s7 =	sld [smem:$0x3F9F]  }
0x1a: {  	s8 =	sadd.s32 $0xFFFFE003, lr  }
0x1b: {  	s9 =	sadd.s32 $0xFFFFFEF7, lr;
	s5 =	simm.s32 $0xFFFFFFFF;
	p2 =	slt.u32 s8, $0xFFFFF086  }
0x1c: {  	p1 =	slt.u32 s9, $0xF7A;
	s5 =	simm.s32 @!p2 $0x0  }
0x1d: {  	s5 =	simm.s32 @p1 $0x1;
	p0 =	seq.s32 s7, s2  }
0x1e: {  	s7 =	smul.u32 @!p0 $0xF7A, s2;
	p2 =	seq.s32 @!p0 s5, $0x0  }
0x1f: {  	s9 =	smul.u32 $0xF7A, s1;
	s8 =	simm.s32 @!p0 $0x1BF5;
	p2 =	por !p2, p0  }
0x20: {  	[sflag:s8] =	ssyncset.s32 @!p0 $0xFFFFF086;
	s6 =	sadd.s32 @!p0 s3, s7;
	s7 =	simm.s32 @!p0 $0x108  }
0x21: {  	s3 =	sadd.s32 s3, s9;
	s6 =	sadd.s32 @!p0 $0x88, s6;
	s7 =	simm.s32 @p2 $0x1082  }
0x22: {  	[simem:s7], [sflag:s8] =	dma.local @!p0 [hbm:s6], $0xF7A  }
0x23: {  	s9 =	sor.u32 $0xD0000000, s2;
	s6 =	simm.s32 $0x108;
	_ =	swait.ge @!p0 [sflag:s8], $0x0  }
0x24: {  	s3 =	sadd.s32 $0x88, s3;
	s6 =	simm.s32 @!p1 $0x1082;
	[sflag:s4] =	ssyncset.s32 $0xFFFFF086  }
0x25: {  	[simem:s6], [sflag:s4] =	dma.local [hbm:s3], $0xF7A  }
0x26: {  	[smem:$0x3F9F] =	sst s1;
	(tag) =	ssettag s2;
	_ =	strace s9  }
0x27: {  	s1 =	sld [smem:$0x3FAF]  }
0x28: {  	s2 =	sld [smem:$0x3FB0]  }
0x29: {  	s4 =	sld [smem:$0x3FB2]  }
0x2a: {  	p0 =	seq.s32 s5, $0x0;
	s5 =	sld [smem:$0x3FB3]  }
0x2b: {  	s6 =	sld [smem:$0x3FB4]  }
0x2c: {  	s7 =	sld [smem:$0x3FB5]  }
0x2d: {  	s3 =	simm.s32 $0x108;
	s8 =	sld [smem:$0x3FB6]  }
0x2e: {  	s3 =	simm.s32 @!p0 $0x1082;
	s9 =	sld [smem:$0x3FB7]  }
0x2f: {  	lr =	sadd.s32 s0, s3;
	s0 =	sld [smem:$0x3FAE]  }
0x30: {  	s3 =	sld [smem:$0x3FB1]  }
0x31: {  	[smem:$0x3FBA] =	sst s10  }
0x32: {  	s10 =	sld [smem:$0x3FB8];
	_ =	sdelay $0x3  }
0x33: {  	p0 =	seq.s32 s10, $0x1;
	s10 =	sld [smem:$0x3FBA];
	_ =	sdelay $0x3  }
0x34: {  	[smem:$0x3FBA] =	sst s10  }
0x35: {  	s10 =	sld [smem:$0x3FB9];
	_ =	sdelay $0x3  }
0x36: {  	p1 =	seq.s32 s10, $0x1;
	s10 =	sld [smem:$0x3FBA];
	_ =	sdelay $0x3  }
0x37: {  	[smem:$0x3FBA] =	sst s10  }
0x38: {  	s10 =	sld [smem:$0x3FBB]  }
0x39: {  	_ = 	snop;
	(pc) =	sbr.ind lr, $3  }
0x3a: {  	_ = 	snop  }
0x3b: {  	_ = 	snop  }
0x3c: {  	p2 =	seq.s32 s10, $0x1;
	s10 =	sld [smem:$0x3FBA]  }
0x3d: {  	_ =	shalt  }
0x3e: {  	_ =	shalt  }
0x3f: {  	_ =	shalt  }
0x40: {  	_ =	shalt  }
0x41: {  	_ =	shalt  }
0x42: {  	_ =	shalt  }
0x43: {  	_ =	shalt  }
0x44: {  	_ =	shalt  }
0x45: {  	_ =	shalt  }
0x46: {  	_ =	shalt  }
0x47: {  	_ =	shalt  }
0x48: {  	_ =	shalt  }
0x49: {  	_ =	shalt  }
0x4a: {  	_ =	shalt  }
0x4b: {  	_ =	shalt  }
0x4c: {  	_ =	shalt  }
0x4d: {  	_ =	shalt  }
0x4e: {  	_ =	shalt  }
0x4f: {  	_ =	shalt  }
0x50: {  	_ =	shalt  }
0x51: {  	_ =	shalt  }
0x52: {  	_ =	shalt  }
0x53: {  	_ =	shalt  }
0x54: {  	_ =	shalt  }
0x55: {  	_ =	shalt  }
0x56: {  	_ =	shalt  }
0x57: {  	_ =	shalt  }
0x58: {  	_ =	shalt  }
0x59: {  	_ =	shalt  }
0x5a: {  	_ =	shalt  }
0x5b: {  	_ =	shalt  }
0x5c: {  	_ =	shalt  }
0x5d: {  	_ =	shalt  }
0x5e: {  	_ =	shalt  }
0x5f: {  	_ =	shalt  }
0x60: {  	_ =	shalt  }
0x61: {  	_ =	shalt  }
0x62: {  	_ =	shalt  }
0x63: {  	_ =	shalt  }
0x64: {  	_ =	shalt  }
0x65: {  	_ =	shalt  }
0x66: {  	_ =	shalt  }
0x67: {  	_ =	shalt  }
0x68: {  	_ =	shalt  }
0x69: {  	_ =	shalt  }
0x6a: {  	_ =	shalt  }
0x6b: {  	_ =	shalt  }
0x6c: {  	_ =	shalt  }
0x6d: {  	_ =	shalt  }
0x6e: {  	_ =	shalt  }
0x6f: {  	_ =	shalt  }
0x70: {  	_ =	shalt  }
0x71: {  	_ =	shalt  }
0x72: {  	_ =	shalt  }
0x73: {  	_ =	shalt  }
0x74: {  	_ =	shalt  }
0x75: {  	_ =	shalt  }
0x76: {  	_ =	shalt  }
0x77: {  	_ =	shalt  }
0x78: {  	_ =	shalt  }
0x79: {  	_ =	shalt  }
0x7a: {  	_ =	shalt  }
0x7b: {  	_ =	shalt  }
0x7c: {  	_ =	shalt  }
0x7d: {  	_ =	shalt  }
0x7e: {  	_ =	shalt  }
0x7f: {  	_ =	shalt  }
0x80: {  	_ =	shalt  }
0x81: {  	_ =	shalt  }
0x82: {  	_ =	shalt  }
0x83: {  	_ =	shalt  }
0x84: {  	_ =	shalt  }
0x85: {  	_ =	shalt  }
0x86: {  	_ =	shalt  }
0x87: {  	_ =	shalt  }
.Lfunc_end0:
.L_simem_size_0:
called_computation_lowered:
.L_overlay_start_0:
0x88: {  	s2 =	sld [smem:$0x3FD9]  }
0x89: {  	s3 =	sld [smem:$0x3FFE];
	_ =	sdelay $0x1  }
0x8a: {  	s1 =	srdreg.scid  }
0x8b: {  	s0 =	sand.u32 $0x1, s1  }
0x8c: {  	s17 =	sshll.u32 s0, $0xA;
	s2 =	sadd.s32 s3, s2  }
0x8d: {  	s2 =	sadd.s32 s2, s17  }
0x8e: {  	[smem:$0x3FC6] =	sst s2  }
0x8f: {  	_ = 	snop  }
0x90: {  	s2 =	sld [smem:$0x3FC9]  }
0x91: {  	s18 =	sld [smem:$0x3FD0];
	(tm) =	ssettm $0x1  }
0x92: {  	s4 =	sld [smem:$0x3FFB];
	_ =	sdelay $0x3  }
0x93: {  	_ =	strace s4  }
0x94: {  	s4 =	sld [smem:$0x3FFC];
	_ =	sdelay $0x3  }
0x95: {  	_ =	strace s4  }
0x96: {  	s4 =	sld [smem:$0x3FFD];
	_ =	sdelay $0x3  }
0x97: {  	_ =	strace s4  }
0x98: {  	_ =	strace $0x8FFFFFFF  }
0x99: {  	s19 =	sld [smem:$0x3FDB];
	_ =	sdelay $0x1  }
0x9a: {  	s5 =	simm.s32 $_scs_section_size  }
0x9b: {  	s6 =	simm.s32 $_size__tile_overlayer_lowered;
	s7 =	simm.s32 $_tile_overlayer_lowered  }
0x9c: {  	s22 =	simm.s32 $0x1BFF;
	s21 =	sshll.u32 s7, $0x1;
	s4 =	sadd.s32 s5, s19  }
0x9d: {  	s8 =	simm.s32 $0x0;
	s20 =	sshll.u32 s6, $0x1;
	s6 =	sadd.s32 s21, s4  }
0x9e: {  	[timem:s8], [sflag:s22] =	dma.local [hbm:s6], s20  }
0x9f: {  	_ =	swait.ge [sflag:s22], s20  }
0xa0: {  	s5 =	ssub.s32 $0x0, s20;
	[sflag:s22] =	ssyncset.done $0x0  }
0xa1: {  	[sflag:s22] =	ssyncadd.s32 s5;
	_ =	sdelay $0x1  }
0xa2: {  	s23 =	simm.s32 $0x1B8B  }
0xa3: {  	_ =	swait.ge [sflag:s23], $0x1  }
0xa4: {  	[sflag:s23] =	ssyncset.done $0x0  }
0xa5: {  	s25 =	simm.s32 $0x1B8E;
	s24 =	sld [smem:$0x3FFE];
	[sflag:s23] =	ssyncadd.s32 $0xFFFFFFFF  }
0xa6: {  	s26 =	simm.s32 $execute0_lowered;
	[smem:$0x3FD2] =	sst s25  }
0xa7: {  	s6 =	sshll.u32 s26, $0x1;
	_ =	strace $0x80000046;
	[dreg:$0x1] =	wrdreg $0xFFFFFFFF  }
0xa8: {  	s28 =	simm.s32 $_size_execute0_lowered;
	s4 =	sadd.s32 s4, s6;
	[dreg:$0x0] =	wrdreg $0x0  }
0xa9: {  	s6 =	sshll.u32 s28, $0x1;
	[dreg:$0x2] =	wrdreg s4  }
0xaa: {  	[dreg:$0x3] =	wrdreg s6  }
0xab: {  	[dreg:$0x4] =	wrdreg $0xC0  }
0xac: {  	_ =	task [dreg:s8], $0x5FFFF  }
0xad: {  	[dreg:$0x1] =	wrdreg $0xFFFFFFFF  }
0xae: {  	[dreg:$0x0] =	wrdreg $0x60  }
0xaf: {  	[dreg:$0x2] =	wrdreg s2  }
0xb0: {  	[dreg:$0x3] =	wrdreg s18  }
0xb1: {  	[dreg:$0x4] =	wrdreg s24  }
0xb2: {  	[dreg:$0x5] =	wrdreg $0x96800  }
0xb3: {  	[dreg:$0x6] =	wrdreg $0x9  }
0xb4: {  	_ =	task.clear_ibuf [dreg:s8], $0x7FFFF;
	_ =	strace $0x90000046  }
0xb5: {  	s29 =	simm.s32 $0x9;
	_ =	strace $0x80000048  }
0xb6: {  	_ =	swait.ge [sflag:s29], $0x1  }
0xb7: {  	[sflag:s29] =	ssyncadd.s32 $0xFFFFFFFF  }
0xb8: {  	_ =	strace $0x90000048  }
0xb9: {  	_ =	sfence  }
0xba: {  	s30 =	sld [smem:$0x0];
	_ =	sdelay $0x2  }
0xbb: {  	s31 =	sshll.u32 s1, $0xD;
	s1 =	sshrl.u32 s1, $0x2  }
0xbc: {  	s3 =	sand.u32 $0x4000, s31;
	s1 =	sadd.s32 s1, s30  }
0xbd: {  	s0 =	sor.u32 s3, s0;
	s1 =	sshll.u32 s1, $0x11  }
0xbe: {  	s0 =	sor.u32 s1, s0  }
0xbf: {  	s0 =	sadd.s32 $0x8F2B, s0  }
0xc0: {  	[sflag:s0] =	ssyncadd.remote.s32 $0x1  }
0xc1: {  	_ =	sfence.sel $0xFFFF  }
0xc2: {  	[dreg:$0x0] =	wrdreg $0xFFFFFFFF;
	(pc) =	sbr.abs _section_cstart, $3  }
0xc3: {  	[dreg:$0x1] =	wrdreg $0xFFFFFFFF  }
0xc4: {  	_ =	task.clear_ibuf [dreg:s8], $0x2FFFF;
	_ =	strace $0x9FFFFFFF  }
0xc5: {  	(tm) =	ssettm $0x7FFFFFFF  }
tec
execute0_lowered:
.L_overlay_start_1:
0x0: {  	(tag) =	ssettag $0x1  }
0x1: {  	s0 =	rddreg [dreg:$0x0]  }
0x2: {  	s1 =	rddreg [dreg:$0x2]  }
0x3: {  	s2 =	rddreg [dreg:$0x3]  }
0x4: {  	s4 =	simm.s32 $0x0;
	s3 =	srdreg.scid;
	s10 =	stileid.u32  }
0x5: {  	s28 =	simm.s32 $0x80;
	[smem:$0x7FF] =	sst s4;
	s9 =	smul.u32 $0x3180, s10  }
0x6: {  	s3 =	sand.u32 $0x1, s3;
	s8 =	smul.u32 $0x32000, s10;
	_ =	strace $0x80000047  }
0x7: {  	s7 =	ssub.s32 $0x2, s3;
	s3 =	sshll.u32 s3, $0x1;
	s18 =	sadd.s32 s0, s9  }
0x8: {  	s8 =	sshrl.u32 s8, $0x2;
	[dreg:$0x5] =	wrdreg s3;
	s16 =	sadd.s32 $0x20, s18  }
0x9: {  	s31 =	simm.s32 $0xE00;
	s15 =	sadd.s32 s8, s2;
	[dreg:$0x7] =	wrdreg s16  }
0xa: {  	s5 =	sadd.s32 $0x64800, s1;
	s24 =	sadd.s32 $0x10, s18;
	[dreg:$0x6] =	wrdreg s15  }
0xb: {  	s6 =	sadd.s32 $0x800, s1;
	s25 =	sadd.s32 $0x30, s18;
	[dreg:$0x10] =	wrdreg s24  }
0xc: {  	s14 =	sshrl.u32 s7, $0x1;
	s26 =	sadd.s32 $0x50, s18;
	[dreg:$0x11] =	wrdreg s25  }
0xd: {  	s1 =	ssub.s32 s7, s14;
	s29 =	sadd.s32 $0x70, s18;
	[dreg:$0x12] =	wrdreg s26  }
0xe: {  	s30 =	simm.s32 $0xE80;
	s1 =	smax.u32 s1, $0x1;
	[dreg:$0x13] =	wrdreg s29  }
0xf: {  	s12 =	simm.s32 $0x2;
	s17 =	sadd.s32 $0x1900, s15;
	[dreg:$0x8] =	wrdreg s1  }
0x10: {  	s11 =	simm.s32 $0x5;
	s19 =	sadd.s32 $0x3200, s15;
	[dreg:$0x9] =	wrdreg s17  }
0x11: {  	s3 =	simm.s32 $0x1;
	s20 =	sadd.s32 $0x4B00, s15;
	[dreg:$0xa] =	wrdreg s19  }
0x12: {  	s7 =	smul.u32 $0xC80, s10;
	s21 =	sadd.s32 $0x6400, s15;
	[dreg:$0xb] =	wrdreg s20  }
0x13: {  	s8 =	simm.s32 $0x0;
	s22 =	sadd.s32 $0x7D00, s15;
	[dreg:$0xc] =	wrdreg s21  }
0x14: {  	s23 =	sadd.s32 $0x9600, s15;
	s0 =	sadd.s32 $0xAF00, s15;
	[dreg:$0xd] =	wrdreg s22  }
0x15: {  	s25 =	simm.s32 $0x7;
	s24 =	simm.s32 $0xD80;
	[dreg:$0xe] =	wrdreg s23  }
0x16: {  	s16 =	simm.s32 $0x1B80;
	s15 =	simm.s32 $0x6;
	[dreg:$0xf] =	wrdreg s0  }
0x17: {  	v2 =	vlaneseq.u32;
	s17 =	simm.s32 $0x4380;
	s20 =	simm.s32 $0x3;
	s21 =	simm.s32 $0x4  }
0x18: {  	v0 =	vimm.f32 $0.0e+00;
	v1 =	vimm.f32 $1.000000000e+00;
	v2 =	vmul.u32 $0x10, v2;
	s22 =	simm.s32 $0x7D80;
	s23 =	simm.s32 $0xC80;
	s19 =	simm.s32 $0x8  }
.LBB2_1:
0x19: {  	s0 =	simm.s32 $0x0  }
.LBB2_2:
0x1a: {  	p0 =	sne.s32 s0, $0x63C0  }
.Ltmp0:
0x1b: {  	_ = 	snop;
	(pc) =	sbr.rel @p0 .LBB2_2-.Ltmp0, $3  }
0x1c: {  	_ =	sdelay $0x1  }
0x1d: {  	s1 =	sshra.s32 s0, $0x2  }
0x1e: {  	s0 =	sadd.s32 $0x40, s0;
	[tilespmem:s1+$0x4B80] =	vst v0  }
0x1f: {  	s14 =	simm.s32 $0x1380;
	s0 =	simm.s32 $0x40;
	s1 =	simm.s32 $0x0  }
.LBB2_4:
0x20: {  	p0 =	sne.s32 s0, $0x1FC0;
	[tilespmem:s1+$0x4380] =	vst v1;
	s1 =	smov.u32 s0;
	s0 =	sadd.s32 $0x40, s0  }
.Ltmp1:
0x21: {  	(pc) =	sbr.rel @p0 .LBB2_4-.Ltmp1, $2  }
0x22: {  	_ =	sdelay $0x2  }
0x23: {  	s1 =	sshra.s32 s1, $0x2  }
0x24: {  	[tilespmem:s1+$0x4380] =	vst v1;
	s0 =	rddreg [dreg:$0x6];
	s1 =	simm.s32 $0x4B80  }
0x25: {  	[spmem:s0] =	stream.linear.scatter [tilespmem:s1], [sflag:$0x7], $0x1900, $0x38;
	[tilespmem:$0x15E80] =	vst v63  }
0x26: {  	_ =	swait.ge [sflag:s25], $0x1900  }
0x27: {  	[sflag:s25] =	ssyncset.done $0x0  }
0x28: {  	s9 =	rddreg [dreg:$0x9];
	[sflag:s25] =	ssyncadd.s32 $0xFFFFE700  }
0x29: {  	[spmem:s9] =	stream.linear.scatter [tilespmem:s1], [sflag:$0x7], $0x1900, $0x38;
	[tilespmem:$0x15E80] =	vst v63  }
0x2a: {  	_ =	swait.ge [sflag:s25], $0x1900  }
0x2b: {  	[sflag:s25] =	ssyncset.done $0x0  }
0x2c: {  	s10 =	rddreg [dreg:$0xa];
	[sflag:s25] =	ssyncadd.s32 $0xFFFFE700  }
0x2d: {  	[spmem:s10] =	stream.linear.scatter [tilespmem:s1], [sflag:$0x7], $0x1900, $0x38;
	[tilespmem:$0x15E80] =	vst v63  }
0x2e: {  	_ =	swait.ge [sflag:s25], $0x1900  }
0x2f: {  	[sflag:s25] =	ssyncset.done $0x0  }
0x30: {  	s13 =	rddreg [dreg:$0xb];
	[sflag:s25] =	ssyncadd.s32 $0xFFFFE700  }
0x31: {  	[spmem:s13] =	stream.linear.scatter [tilespmem:s1], [sflag:$0x7], $0x1900, $0x38;
	[tilespmem:$0x15E80] =	vst v63  }
0x32: {  	_ =	swait.ge [sflag:s25], $0x1900  }
0x33: {  	[sflag:s25] =	ssyncset.done $0x0  }
0x34: {  	s26 =	rddreg [dreg:$0xc];
	[sflag:s25] =	ssyncadd.s32 $0xFFFFE700  }
0x35: {  	[spmem:s26] =	stream.linear.scatter [tilespmem:s1], [sflag:$0x7], $0x1900, $0x38;
	[tilespmem:$0x15E80] =	vst v63  }
0x36: {  	_ =	swait.ge [sflag:s25], $0x1900  }
0x37: {  	[sflag:s25] =	ssyncset.done $0x0  }
0x38: {  	s29 =	rddreg [dreg:$0xd];
	[sflag:s25] =	ssyncadd.s32 $0xFFFFE700  }
0x39: {  	[spmem:s29] =	stream.linear.scatter [tilespmem:s1], [sflag:$0x7], $0x1900, $0x38;
	[tilespmem:$0x15E80] =	vst v63  }
0x3a: {  	_ =	swait.ge [sflag:s25], $0x1900  }
0x3b: {  	[sflag:s25] =	ssyncset.done $0x0  }
0x3c: {  	s9 =	rddreg [dreg:$0xe];
	[sflag:s25] =	ssyncadd.s32 $0xFFFFE700  }
0x3d: {  	[spmem:s9] =	stream.linear.scatter [tilespmem:s1], [sflag:$0x7], $0x1900, $0x38;
	[tilespmem:$0x15E80] =	vst v63  }
0x3e: {  	_ =	swait.ge [sflag:s25], $0x1900  }
0x3f: {  	[sflag:s25] =	ssyncset.done $0x0  }
0x40: {  	s10 =	rddreg [dreg:$0xf];
	[sflag:s25] =	ssyncadd.s32 $0xFFFFE700  }
0x41: {  	[spmem:s10] =	stream.linear.scatter [tilespmem:s1], [sflag:$0x7], $0x1900, $0x38;
	[tilespmem:$0x15E80] =	vst v63  }
0x42: {  	_ =	swait.ge [sflag:s25], $0x1900  }
0x43: {  	[sflag:s25] =	ssyncset.done $0x0  }
0x44: {  	[sflag:s25] =	ssyncadd.s32 $0xFFFFE700  }
0x45: {  	[bflag:$0x0] =	sbarrier.arrive $0xFFFF  }
0x46: {  	s13 =	rddreg [dreg:$0x10]  }
0x47: {  	[tilespmem:s24], [sflag:$0x7] =	stream.linear.gather [hbm4b:s13+s4], $0x80, $0x38;
	[tilespmem:$0x15E80] =	vst v63  }
0x48: {  	_ =	swait.ge [sflag:s25], $0x80  }
0x49: {  	[sflag:s25] =	ssyncset.done $0x0  }
0x4a: {  	[sflag:s25] =	ssyncadd.s32 $0xFFFFFF80  }
0x4b: {  	[spmem:s2] =	stream.indirect.scatter.add.f32 [tilespmem:s17], [sflag:$0x1], $0x10, s24, s28, $0xb8;
	[tilespmem:$0x15E80] =	vst v63  }
0x4c: {  	s26 =	rddreg [dreg:$0x11]  }
0x4d: {  	[tilespmem:s31], [sflag:$0x7] =	stream.linear.gather [hbm4b:s26+s4], $0x80, $0x38;
	[tilespmem:$0x15E80] =	vst v63  }
0x4e: {  	_ =	swait.ge [sflag:s25], $0x80  }
0x4f: {  	[sflag:s25] =	ssyncset.done $0x0  }
0x50: {  	[sflag:s25] =	ssyncadd.s32 $0xFFFFFF80  }
0x51: {  	[spmem:s2] =	stream.indirect.scatter.add.f32 [tilespmem:s17], [sflag:$0x2], $0x10, s31, s28, $0xb8;
	[tilespmem:$0x15E80] =	vst v63  }
0x52: {  	s29 =	rddreg [dreg:$0x12]  }
0x53: {  	[tilespmem:s30], [sflag:$0x7] =	stream.linear.gather [hbm4b:s29+s4], $0x80, $0x38;
	[tilespmem:$0x15E80] =	vst v63  }
0x54: {  	_ =	swait.ge [sflag:s25], $0x80  }
0x55: {  	[sflag:s25] =	ssyncset.done $0x0  }
0x56: {  	[sflag:s25] =	ssyncadd.s32 $0xFFFFFF80  }
0x57: {  	[spmem:s2] =	stream.indirect.scatter.add.f32 [tilespmem:s17], [sflag:$0x3], $0x10, s30, s28, $0xb8;
	[tilespmem:$0x15E80] =	vst v63  }
0x58: {  	s9 =	simm.s32 $0xF00;
	s1 =	rddreg [dreg:$0x13]  }
0x59: {  	[tilespmem:s9], [sflag:$0x7] =	stream.linear.gather [hbm4b:s1+s4], $0x80, $0x38;
	[tilespmem:$0x15E80] =	vst v63  }
0x5a: {  	_ =	swait.ge [sflag:s25], $0x80  }
0x5b: {  	[sflag:s25] =	ssyncset.done $0x0  }
0x5c: {  	[sflag:s25] =	ssyncadd.s32 $0xFFFFFF80  }
0x5d: {  	[spmem:s2] =	stream.indirect.scatter.add.f32 [tilespmem:s17], [sflag:$0x4], $0x10, s9, s28, $0xb8;
	[tilespmem:$0x15E80] =	vst v63  }
0x5e: {  	_ =	swait.ge [sflag:s3], $0x800  }
0x5f: {  	s10 =	sadd.s32 $0xFFFFCF00, s18;
	[sflag:s3] =	ssyncset.done $0x0  }
0x60: {  	s13 =	sadd.s32 $0x3190, s10;
	[sflag:s3] =	ssyncadd.s32 $0xFFFFF800  }
0x61: {  	[tilespmem:s24], [sflag:$0x7] =	stream.linear.gather [hbm4b:s13+s4], $0x80, $0x38;
	[tilespmem:$0x15E80] =	vst v63  }
0x62: {  	_ =	swait.ge [sflag:s25], $0x80  }
0x63: {  	[sflag:s25] =	ssyncset.done $0x0  }
0x64: {  	[sflag:s25] =	ssyncadd.s32 $0xFFFFFF80  }
0x65: {  	[spmem:s2] =	stream.indirect.scatter.add.f32 [tilespmem:s17], [sflag:$0x1], $0x10, s24, s28, $0xb8;
	[tilespmem:$0x15E80] =	vst v63  }
0x66: {  	_ =	swait.ge [sflag:s12], $0x800  }
0x67: {  	[sflag:s12] =	ssyncset.done $0x0  }
0x68: {  	s26 =	sadd.s32 $0x31B0, s10;
	[sflag:s12] =	ssyncadd.s32 $0xFFFFF800  }
0x69: {  	[tilespmem:s31], [sflag:$0x7] =	stream.linear.gather [hbm4b:s26+s4], $0x80, $0x38;
	[tilespmem:$0x15E80] =	vst v63  }
0x6a: {  	_ =	swait.ge [sflag:s25], $0x80  }
0x6b: {  	[sflag:s25] =	ssyncset.done $0x0  }
0x6c: {  	[sflag:s25] =	ssyncadd.s32 $0xFFFFFF80  }
0x6d: {  	[spmem:s2] =	stream.indirect.scatter.add.f32 [tilespmem:s17], [sflag:$0x2], $0x10, s31, s28, $0xb8;
	[tilespmem:$0x15E80] =	vst v63  }
0x6e: {  	_ =	swait.ge [sflag:s20], $0x800  }
0x6f: {  	[sflag:s20] =	ssyncset.done $0x0  }
0x70: {  	s29 =	sadd.s32 $0x31D0, s10;
	[sflag:s20] =	ssyncadd.s32 $0xFFFFF800  }
0x71: {  	[tilespmem:s30], [sflag:$0x7] =	stream.linear.gather [hbm4b:s29+s4], $0x80, $0x38;
	[tilespmem:$0x15E80] =	vst v63  }
0x72: {  	_ =	swait.ge [sflag:s25], $0x80  }
0x73: {  	[sflag:s25] =	ssyncset.done $0x0  }
0x74: {  	[sflag:s25] =	ssyncadd.s32 $0xFFFFFF80  }
0x75: {  	[spmem:s2] =	stream.indirect.scatter.add.f32 [tilespmem:s17], [sflag:$0x3], $0x10, s30, s28, $0xb8;
	[tilespmem:$0x15E80] =	vst v63  }
0x76: {  	_ =	swait.ge [sflag:s21], $0x800  }
0x77: {  	[sflag:s21] =	ssyncset.done $0x0  }
0x78: {  	s0 =	sadd.s32 $0x31F0, s10;
	s1 =	simm.s32 $0xF00;
	[sflag:s21] =	ssyncadd.s32 $0xFFFFF800  }
0x79: {  	[tilespmem:s1], [sflag:$0x7] =	stream.linear.gather [hbm4b:s0+s4], $0x80, $0x38;
	[tilespmem:$0x15E80] =	vst v63  }
0x7a: {  	_ =	swait.ge [sflag:s25], $0x80  }
0x7b: {  	[sflag:s25] =	ssyncset.done $0x0  }
0x7c: {  	s13 =	simm.s32 $0xFFFFCF80;
	[sflag:s25] =	ssyncadd.s32 $0xFFFFFF80  }
.LBB2_6:
0x7d: {  	[spmem:s2] =	stream.indirect.scatter.add.f32 [tilespmem:s17], [sflag:$0x4], $0x10, s1, s28, $0xb8;
	[tilespmem:$0x15E80] =	vst v63  }
0x7e: {  	s0 =	smov.u32 s13  }
0x7f: {  	p0 =	sne.s32 s13, $0xFFFFFF80;
	s13 =	sadd.s32 $0x80, s13;
	_ =	swait.ge [sflag:s3], $0x800  }
0x80: {  	s0 =	sadd.s32 s0, s18;
	[sflag:s3] =	ssyncset.done $0x0  }
0x81: {  	s1 =	sadd.s32 $0x3190, s0;
	[sflag:s3] =	ssyncadd.s32 $0xFFFFF800  }
0x82: {  	[tilespmem:s24], [sflag:$0x7] =	stream.linear.gather [hbm4b:s1+s4], $0x80, $0x38;
	[tilespmem:$0x15E80] =	vst v63  }
0x83: {  	_ =	swait.ge [sflag:s25], $0x80  }
0x84: {  	[sflag:s25] =	ssyncset.done $0x0  }
0x85: {  	[sflag:s25] =	ssyncadd.s32 $0xFFFFFF80  }
0x86: {  	[spmem:s2] =	stream.indirect.scatter.add.f32 [tilespmem:s17], [sflag:$0x1], $0x10, s24, s28, $0xb8;
	[tilespmem:$0x15E80] =	vst v63  }
0x87: {  	_ =	swait.ge [sflag:s12], $0x800  }
0x88: {  	[sflag:s12] =	ssyncset.done $0x0  }
0x89: {  	s1 =	sadd.s32 $0x31B0, s0;
	[sflag:s12] =	ssyncadd.s32 $0xFFFFF800  }
0x8a: {  	[tilespmem:s31], [sflag:$0x7] =	stream.linear.gather [hbm4b:s1+s4], $0x80, $0x38;
	[tilespmem:$0x15E80] =	vst v63  }
0x8b: {  	_ =	swait.ge [sflag:s25], $0x80  }
0x8c: {  	[sflag:s25] =	ssyncset.done $0x0  }
0x8d: {  	[sflag:s25] =	ssyncadd.s32 $0xFFFFFF80  }
0x8e: {  	[spmem:s2] =	stream.indirect.scatter.add.f32 [tilespmem:s17], [sflag:$0x2], $0x10, s31, s28, $0xb8;
	[tilespmem:$0x15E80] =	vst v63  }
0x8f: {  	_ =	swait.ge [sflag:s20], $0x800  }
0x90: {  	[sflag:s20] =	ssyncset.done $0x0  }
0x91: {  	s1 =	sadd.s32 $0x31D0, s0;
	[sflag:s20] =	ssyncadd.s32 $0xFFFFF800  }
0x92: {  	[tilespmem:s30], [sflag:$0x7] =	stream.linear.gather [hbm4b:s1+s4], $0x80, $0x38;
	[tilespmem:$0x15E80] =	vst v63  }
0x93: {  	s1 =	simm.s32 $0xF00  }
0x94: {  	_ =	swait.ge [sflag:s25], $0x80  }
0x95: {  	[sflag:s25] =	ssyncset.done $0x0  }
0x96: {  	[sflag:s25] =	ssyncadd.s32 $0xFFFFFF80  }
0x97: {  	[spmem:s2] =	stream.indirect.scatter.add.f32 [tilespmem:s17], [sflag:$0x3], $0x10, s30, s28, $0xb8;
	[tilespmem:$0x15E80] =	vst v63  }
0x98: {  	_ =	swait.ge [sflag:s21], $0x800  }
0x99: {  	[sflag:s21] =	ssyncset.done $0x0  }
.Ltmp2:
0x9a: {  	s0 =	sadd.s32 $0x31F0, s0;
	[sflag:s21] =	ssyncadd.s32 $0xFFFFF800;
	(pc) =	sbr.rel @p0 .LBB2_6-.Ltmp2, $4  }
0x9b: {  	[tilespmem:s1], [sflag:$0x7] =	stream.linear.gather [hbm4b:s0+s4], $0x80, $0x38;
	[tilespmem:$0x15E80] =	vst v63  }
0x9c: {  	_ =	swait.ge [sflag:s25], $0x80  }
0x9d: {  	[sflag:s25] =	ssyncset.done $0x0  }
0x9e: {  	[sflag:s25] =	ssyncadd.s32 $0xFFFFFF80  }
0x9f: {  	[spmem:s2] =	stream.indirect.scatter.add.f32 [tilespmem:s17], [sflag:$0x4], $0x10, s1, s28, $0xb8;
	[tilespmem:$0x15E80] =	vst v63  }
0xa0: {  	_ =	swait.ge [sflag:s3], $0x800  }
0xa1: {  	[sflag:s3] =	ssyncset.done $0x0  }
0xa2: {  	[sflag:s3] =	ssyncadd.s32 $0xFFFFF800  }
0xa3: {  	_ =	swait.ge [sflag:s12], $0x800  }
0xa4: {  	[sflag:s12] =	ssyncset.done $0x0  }
0xa5: {  	[sflag:s12] =	ssyncadd.s32 $0xFFFFF800  }
0xa6: {  	_ =	swait.ge [sflag:s20], $0x800  }
0xa7: {  	[sflag:s20] =	ssyncset.done $0x0  }
0xa8: {  	[sflag:s20] =	ssyncadd.s32 $0xFFFFF800  }
0xa9: {  	_ =	swait.ge [sflag:s21], $0x800  }
0xaa: {  	[sflag:s21] =	ssyncset.done $0x0  }
0xab: {  	s13 =	simm.s32 $0x0;
	[sflag:s21] =	ssyncadd.s32 $0xFFFFF800  }
0xac: {  	s17 =	simm.s32 $0x0;
	s26 =	simm.s32 $0x0;
	[bflag:$0x0] =	sbarrier.arrive $0xFFFF  }
.LBB2_8:
0xad: {  	s0 =	smul.u32 $0x190, s26;
	_ =	sdelay $0x1  }
0xae: {  	s0 =	sadd.s32 s7, s0  }
0xaf: {  	v3 =	vmov s13;
	s0 =	sshll.u32 s0, $0x4  }
0xb0: {  	v3 =	vshll.u32 v3, $0x4;
	s0 =	sand.u32 $0x3FFFFFF0, s0  }
0xb1: {  	v3 =	vor.u32 v2, v3;
	s0 =	sadd.s32 s0, s2  }
0xb2: {  	[tilespmem:s22], [sflag:$0x7] =	stream.linear.gather [spmem:s0], $0x1900, $0x38;
	[tilespmem:$0x15E80] =	vst v63  }
0xb3: {  	_ =	swait.ge [sflag:s25], $0x1900  }
0xb4: {  	[sflag:s25] =	ssyncset.done $0x0  }
0xb5: {  	[sflag:s25] =	ssyncadd.s32 $0xFFFFE700  }
0xb6: {  	v3 =	vld.idx.msk [tilespmem:v3+s22+$0x0], $0xffff;
	_ =	sdelay $0x4  }
0xb7: {  	v4 =	vshrl.u32 v3, $0x1;
	v5 =	vmul.f32 $5.000000000e-01, v3  }
0xb8: {  	v4 =	vsub.s32 $0x5F3759DF, v4  }
0xb9: {  	v6 =	vmul.f32 v4, v5;
	_ =	sdelay $0x1  }
0xba: {  	v6 =	vmul.f32 v4, v6;
	_ =	sdelay $0x1  }
0xbb: {  	v6 =	vsub.f32 $1.500000000e+00, v6;
	_ =	sdelay $0x1  }
0xbc: {  	v4 =	vmul.f32 v4, v6;
	_ =	sdelay $0x1  }
0xbd: {  	v6 =	vmul.f32 v4, v5;
	_ =	sdelay $0x1  }
0xbe: {  	v6 =	vmul.f32 v6, v4;
	_ =	sdelay $0x1  }
0xbf: {  	v6 =	vsub.f32 $1.500000000e+00, v6;
	_ =	sdelay $0x1  }
0xc0: {  	v4 =	vmul.f32 v6, v4;
	_ =	sdelay $0x1  }
0xc1: {  	v5 =	vmul.f32 v4, v5;
	_ =	sdelay $0x1  }
0xc2: {  	s9 =	simm.s32 $0x10;
	v5 =	vmul.f32 v5, v4  }
0xc3: {  	v6 =	vmov s9  }
0xc4: {  	v6 =	vshll.u32 v6, $0x4;
	v5 =	vsub.f32 $1.500000000e+00, v5  }
0xc5: {  	v6 =	vor.u32 v2, v6  }
0xc6: {  	v4 =	vmul.f32 v5, v4  }
0xc7: {  	vm0 =	vgt.f32 v3, $5.000000000e-01  }
0xc8: {  	v3 =	vnsel vm0, $0x0, v4  }
0xc9: {  	[tilespmem:s17+$0x0] =	vst v3  }
0xca: {  	v3 =	vld.idx.msk [tilespmem:v6+s22+$0x0], $0xffff;
	_ =	sdelay $0x4  }
0xcb: {  	v4 =	vshrl.u32 v3, $0x1;
	v5 =	vmul.f32 $5.000000000e-01, v3  }
0xcc: {  	v4 =	vsub.s32 $0x5F3759DF, v4  }
0xcd: {  	v6 =	vmul.f32 v4, v5;
	_ =	sdelay $0x1  }
0xce: {  	v6 =	vmul.f32 v4, v6;
	_ =	sdelay $0x1  }
0xcf: {  	v6 =	vsub.f32 $1.500000000e+00, v6;
	_ =	sdelay $0x1  }
0xd0: {  	v4 =	vmul.f32 v4, v6;
	_ =	sdelay $0x1  }
0xd1: {  	v6 =	vmul.f32 v4, v5;
	_ =	sdelay $0x1  }
0xd2: {  	v6 =	vmul.f32 v6, v4;
	_ =	sdelay $0x1  }
0xd3: {  	v6 =	vsub.f32 $1.500000000e+00, v6;
	_ =	sdelay $0x1  }
0xd4: {  	v4 =	vmul.f32 v6, v4;
	_ =	sdelay $0x1  }
0xd5: {  	v5 =	vmul.f32 v4, v5;
	_ =	sdelay $0x1  }
0xd6: {  	s10 =	simm.s32 $0x20;
	v5 =	vmul.f32 v5, v4  }
0xd7: {  	s30 =	simm.s32 $0x30;
	s29 =	smov.u32 s17;
	v6 =	vmov s10  }
.LBB2_9:
0xd8: {  	p0 =	sne.s32 s30, $0x180;
	v6 =	vshll.u32 v6, $0x4;
	v5 =	vsub.f32 $1.500000000e+00, v5  }
0xd9: {  	v6 =	vor.u32 v2, v6  }
0xda: {  	v4 =	vmul.f32 v5, v4  }
0xdb: {  	vm0 =	vgt.f32 v3, $5.000000000e-01  }
0xdc: {  	s29 =	sadd.s32 $0x10, s29;
	v3 =	vnsel vm0, $0x0, v4  }
0xdd: {  	[tilespmem:s29+$0x0] =	vst v3  }
0xde: {  	v3 =	vld.idx.msk [tilespmem:v6+s22+$0x0], $0xffff;
	_ =	sdelay $0x5  }
0xdf: {  	v4 =	vshrl.u32 v3, $0x1;
	v5 =	vmul.f32 $5.000000000e-01, v3  }
0xe0: {  	v4 =	vsub.s32 $0x5F3759DF, v4  }
0xe1: {  	v6 =	vmul.f32 v4, v5;
	_ =	sdelay $0x1  }
0xe2: {  	v6 =	vmul.f32 v4, v6;
	_ =	sdelay $0x1  }
0xe3: {  	v6 =	vsub.f32 $1.500000000e+00, v6;
	_ =	sdelay $0x1  }
0xe4: {  	v4 =	vmul.f32 v4, v6;
	_ =	sdelay $0x1  }
0xe5: {  	v6 =	vmul.f32 v4, v5;
	_ =	sdelay $0x1  }
0xe6: {  	v6 =	vmul.f32 v6, v4;
	_ =	sdelay $0x1  }
0xe7: {  	v6 =	vsub.f32 $1.500000000e+00, v6;
	_ =	sdelay $0x1  }
0xe8: {  	v4 =	vmul.f32 v6, v4  }
.Ltmp3:
0xe9: {  	(pc) =	sbr.rel @p0 .LBB2_9-.Ltmp3, $3  }
0xea: {  	v5 =	vmul.f32 v4, v5;
	_ =	sdelay $0x1  }
0xeb: {  	v5 =	vmul.f32 v5, v4  }
0xec: {  	v6 =	vmov s30;
	s30 =	sadd.s32 $0x10, s30  }
0xed: {  	v6 =	vshll.u32 v6, $0x4;
	v5 =	vsub.f32 $1.500000000e+00, v5  }
0xee: {  	v6 =	vor.u32 v2, v6  }
0xef: {  	v4 =	vmul.f32 v5, v4  }
0xf0: {  	vm0 =	vgt.f32 v3, $5.000000000e-01  }
0xf1: {  	s0 =	sadd.s32 $0x10, s29;
	v3 =	vnsel vm0, $0x0, v4  }
0xf2: {  	[tilespmem:s0+$0x0] =	vst v3  }
0xf3: {  	v3 =	vld.idx.msk [tilespmem:v6+s22+$0x0], $0xffff;
	_ =	sdelay $0x4  }
0xf4: {  	v61 =	vshrl.u32 v3, $0x1;
	v62 =	vmul.f32 $5.000000000e-01, v3  }
0xf5: {  	v4 =	vsub.s32 $0x5F3759DF, v61  }
0xf6: {  	v63 =	vmul.f32 v4, v62;
	_ =	sdelay $0x1  }
0xf7: {  	v6 =	vmul.f32 v4, v63;
	_ =	sdelay $0x1  }
0xf8: {  	v6 =	vsub.f32 $1.500000000e+00, v6;
	_ =	sdelay $0x1  }
0xf9: {  	v4 =	vmul.f32 v4, v6;
	_ =	sdelay $0x1  }
0xfa: {  	v6 =	vmul.f32 v4, v62;
	_ =	sdelay $0x1  }
0xfb: {  	v6 =	vmul.f32 v6, v4;
	_ =	sdelay $0x1  }
0xfc: {  	v6 =	vsub.f32 $1.500000000e+00, v6;
	_ =	sdelay $0x1  }
0xfd: {  	v4 =	vmul.f32 v6, v4;
	_ =	sdelay $0x1  }
0xfe: {  	v5 =	vmul.f32 v4, v62;
	_ =	sdelay $0x1  }
0xff: {  	v5 =	vmul.f32 v5, v4  }
0x100: {  	s26 =	sadd.s32 $0x1, s26  }
0x101: {  	p0 =	sne.s32 s26, $0x8;
	v5 =	vsub.f32 $1.500000000e+00, v5  }
.Ltmp4:
0x102: {  	_ = 	snop;
	(pc) =	sbr.rel @p0 .LBB2_8-.Ltmp4, $4  }
0x103: {  	v4 =	vmul.f32 v5, v4  }
0x104: {  	vm15 =	vgt.f32 v3, $5.000000000e-01  }
0x105: {  	s0 =	sadd.s32 $0x10, s0;
	v3 =	vnsel vm15, $0x0, v4  }
0x106: {  	s17 =	sadd.s32 $0x190, s17;
	[tilespmem:s0+$0x0] =	vst v3;
	s0 =	simm.s32 $0x0  }
0x107: {  	[dreg:$0x14] =	wrdreg s8;
	s30 =	simm.s32 $0xE80  }
.LBB2_12:
0x108: {  	p0 =	sne.s32 s0, $0x0  }
0x109: {  	s29 =	smul.u32 $0x32000, s0;
	p3 =	por $0x1, $0x1;
	[dreg:$0x15] =	wrdreg s0;
	v3 =	vpsel !p0, $0x0, v1  }
0x10a: {  	p1 =	seq.s32 s0, $0x3;
	p0 =	seq.s32 s0, $0x0;
	s0 =	simm.s32 $0x0;
	v4 =	vsub.f32 $1.000000000e+00, v3  }
.LBB2_13:
.Ltmp5:
0x10b: {  	(pc) =	sbr.rel @p0 .LBB2_20-.Ltmp5, $4  }
0x10c: {  	_ = 	snop  }
0x10d: {  	s1 =	rddreg [dreg:$0x5]  }
0x10e: {  	s0 =	sor.u32 s1, s0  }
0x10f: {  	p2 =	por p3, p3;
	s13 =	smul.u32 $0xC800, s0  }
0x110: {  	s0 =	rddreg [dreg:$0x6];
	s1 =	simm.s32 $0x4B80  }
0x111: {  	[spmem:s0] =	stream.linear.scatter [tilespmem:s1], [sflag:$0x7], $0x1900, $0x38;
	[tilespmem:$0x15E80] =	vst v63  }
0x112: {  	_ =	swait.ge [sflag:s25], $0x1900  }
0x113: {  	[sflag:s25] =	ssyncset.done $0x0  }
0x114: {  	s8 =	rddreg [dreg:$0x9];
	[sflag:s25] =	ssyncadd.s32 $0xFFFFE700  }
0x115: {  	[spmem:s8] =	stream.linear.scatter [tilespmem:s1], [sflag:$0x7], $0x1900, $0x38;
	[tilespmem:$0x15E80] =	vst v63  }
0x116: {  	_ =	swait.ge [sflag:s25], $0x1900  }
0x117: {  	[sflag:s25] =	ssyncset.done $0x0  }
0x118: {  	s9 =	rddreg [dreg:$0xa];
	[sflag:s25] =	ssyncadd.s32 $0xFFFFE700  }
0x119: {  	[spmem:s9] =	stream.linear.scatter [tilespmem:s1], [sflag:$0x7], $0x1900, $0x38;
	[tilespmem:$0x15E80] =	vst v63  }
0x11a: {  	_ =	swait.ge [sflag:s25], $0x1900  }
0x11b: {  	[sflag:s25] =	ssyncset.done $0x0  }
0x11c: {  	s10 =	rddreg [dreg:$0xb];
	[sflag:s25] =	ssyncadd.s32 $0xFFFFE700  }
0x11d: {  	[spmem:s10] =	stream.linear.scatter [tilespmem:s1], [sflag:$0x7], $0x1900, $0x38;
	[tilespmem:$0x15E80] =	vst v63  }
0x11e: {  	_ =	swait.ge [sflag:s25], $0x1900  }
0x11f: {  	[sflag:s25] =	ssyncset.done $0x0  }
0x120: {  	s17 =	rddreg [dreg:$0xc];
	[sflag:s25] =	ssyncadd.s32 $0xFFFFE700  }
0x121: {  	[spmem:s17] =	stream.linear.scatter [tilespmem:s1], [sflag:$0x7], $0x1900, $0x38;
	[tilespmem:$0x15E80] =	vst v63  }
0x122: {  	_ =	swait.ge [sflag:s25], $0x1900  }
0x123: {  	[sflag:s25] =	ssyncset.done $0x0  }
0x124: {  	s26 =	rddreg [dreg:$0xd];
	[sflag:s25] =	ssyncadd.s32 $0xFFFFE700  }
0x125: {  	[spmem:s26] =	stream.linear.scatter [tilespmem:s1], [sflag:$0x7], $0x1900, $0x38;
	[tilespmem:$0x15E80] =	vst v63  }
0x126: {  	_ =	swait.ge [sflag:s25], $0x1900  }
0x127: {  	[sflag:s25] =	ssyncset.done $0x0  }
0x128: {  	s8 =	rddreg [dreg:$0xe];
	[sflag:s25] =	ssyncadd.s32 $0xFFFFE700  }
0x129: {  	[spmem:s8] =	stream.linear.scatter [tilespmem:s1], [sflag:$0x7], $0x1900, $0x38;
	[tilespmem:$0x15E80] =	vst v63  }
0x12a: {  	_ =	swait.ge [sflag:s25], $0x1900  }
0x12b: {  	[sflag:s25] =	ssyncset.done $0x0  }
0x12c: {  	s9 =	rddreg [dreg:$0xf];
	[sflag:s25] =	ssyncadd.s32 $0xFFFFE700  }
0x12d: {  	[spmem:s9] =	stream.linear.scatter [tilespmem:s1], [sflag:$0x7], $0x1900, $0x38;
	[tilespmem:$0x15E80] =	vst v63  }
0x12e: {  	_ =	swait.ge [sflag:s25], $0x1900  }
0x12f: {  	[sflag:s25] =	ssyncset.done $0x0  }
0x130: {  	[sflag:s25] =	ssyncadd.s32 $0xFFFFE700  }
0x131: {  	s17 =	simm.s32 $0x0;
	[bflag:$0x0] =	sbarrier.arrive $0xFFFF  }
0x132: {  	[tilespmem:s23], [sflag:$0x7] =	stream.linear.gather [hbm4b:s18+s17], $0x100, $0x38;
	[tilespmem:$0x15E80] =	vst v63  }
0x133: {  	_ =	swait.ge [sflag:s25], $0x100  }
0x134: {  	[sflag:s25] =	ssyncset.done $0x0  }
0x135: {  	[sflag:s25] =	ssyncadd.s32 $0xFFFFFF00  }
0x136: {  	v6 =	vld [tilespmem:$0xC80]  }
0x137: {  	v7 =	vld [tilespmem:$0xD00]  }
0x138: {  	v9 =	vld [tilespmem:$0xD10]  }
0x139: {  	v8 =	vld [tilespmem:$0xC90]  }
0x13a: {  	v11 =	vld [tilespmem:$0xD20]  }
0x13b: {  	v46 =	vld [tilespmem:$0xD30]  }
0x13c: {  	v5 =	vmov s13;
	v48 =	vld [tilespmem:$0xD40];
	[tilespmem:$0xD80] =	vst v7  }
0x13d: {  	v50 =	vld [tilespmem:$0xD50];
	v6 =	vadd.s32 v5, v6;
	[tilespmem:$0xD90] =	vst v9  }
0x13e: {  	v7 =	vadd.s32 v5, v8;
	[tilespmem:$0x1080] =	vst v6;
	v6 =	vld [tilespmem:$0xCB0]  }
0x13f: {  	[tilespmem:$0x1090] =	vst v7;
	v7 =	vld [tilespmem:$0xCC0]  }
0x140: {  	v10 =	vld [tilespmem:$0xCA0];
	[tilespmem:$0xDA0] =	vst v11  }
0x141: {  	v51 =	vld [tilespmem:$0xD60];
	[tilespmem:$0xDB0] =	vst v46  }
0x142: {  	v52 =	vld [tilespmem:$0xD70];
	[tilespmem:$0xDC0] =	vst v48  }
0x143: {  	v49 =	vld [tilespmem:$0xCD0];
	[tilespmem:$0xDD0] =	vst v50;
	v6 =	vadd.s32 v5, v6  }
0x144: {  	v7 =	vadd.s32 v5, v7;
	[tilespmem:$0x10B0] =	vst v6;
	v6 =	vld [tilespmem:$0xCE0]  }
0x145: {  	[tilespmem:$0x10C0] =	vst v7;
	v7 =	vld [tilespmem:$0xCF0]  }
0x146: {  	[tilespmem:$0xDE0] =	vst v51  }
0x147: {  	v47 =	vadd.s32 v5, v10;
	[tilespmem:$0xDF0] =	vst v52  }
0x148: {  	v9 =	vadd.s32 v5, v49;
	[tilespmem:$0x10A0] =	vst v47  }
0x149: {  	[tilespmem:$0x10D0] =	vst v9;
	v6 =	vadd.s32 v5, v6  }
0x14a: {  	[tilespmem:$0x10E0] =	vst v6;
	v6 =	vadd.s32 v5, v7  }
0x14b: {  	s10 =	simm.s32 $0x1080;
	[tilespmem:$0x10F0] =	vst v6  }
0x14c: {  	[tilespmem:s14], [sflag:$0x1] =	stream.indirect.gather [hbm4b:s6+s28], $0x10, s10, s28, $0xb8;
	[tilespmem:$0x15E80] =	vst v63  }
0x14d: {  	s14 =	rddreg [dreg:$0x7]  }
0x14e: {  	[tilespmem:s23], [sflag:$0x7] =	stream.linear.gather [hbm4b:s14+s17], $0x100, $0x38;
	[tilespmem:$0x15E80] =	vst v63  }
0x14f: {  	_ =	swait.ge [sflag:s25], $0x100  }
0x150: {  	[sflag:s25] =	ssyncset.done $0x0  }
0x151: {  	[sflag:s25] =	ssyncadd.s32 $0xFFFFFF00  }
0x152: {  	v6 =	vld [tilespmem:$0xC80]  }
0x153: {  	v7 =	vld [tilespmem:$0xD00]  }
0x154: {  	v54 =	vld [tilespmem:$0xD10]  }
0x155: {  	v53 =	vld [tilespmem:$0xC90]  }
0x156: {  	v56 =	vld [tilespmem:$0xD20]  }
0x157: {  	v57 =	vld [tilespmem:$0xD30]  }
0x158: {  	v59 =	vld [tilespmem:$0xD40];
	[tilespmem:$0xE00] =	vst v7  }
0x159: {  	v61 =	vld [tilespmem:$0xD50];
	v6 =	vadd.s32 v5, v6;
	[tilespmem:$0xE10] =	vst v54  }
0x15a: {  	v7 =	vadd.s32 v5, v53;
	[tilespmem:$0x1100] =	vst v6;
	v6 =	vld [tilespmem:$0xCB0]  }
0x15b: {  	[tilespmem:$0x1110] =	vst v7;
	v7 =	vld [tilespmem:$0xCC0]  }
0x15c: {  	v55 =	vld [tilespmem:$0xCA0];
	[tilespmem:$0xE20] =	vst v56  }
0x15d: {  	v62 =	vld [tilespmem:$0xD60];
	[tilespmem:$0xE30] =	vst v57  }
0x15e: {  	v63 =	vld [tilespmem:$0xD70];
	[tilespmem:$0xE40] =	vst v59  }
0x15f: {  	v60 =	vld [tilespmem:$0xCD0];
	[tilespmem:$0xE50] =	vst v61;
	v6 =	vadd.s32 v5, v6  }
0x160: {  	v7 =	vadd.s32 v5, v7;
	[tilespmem:$0x1130] =	vst v6;
	v6 =	vld [tilespmem:$0xCE0]  }
0x161: {  	[tilespmem:$0x1140] =	vst v7;
	v7 =	vld [tilespmem:$0xCF0]  }
0x162: {  	[tilespmem:$0xE60] =	vst v62  }
0x163: {  	v58 =	vadd.s32 v5, v55;
	[tilespmem:$0xE70] =	vst v63  }
.Ltmp6:
0x164: {  	v9 =	vadd.s32 v5, v60;
	[tilespmem:$0x1120] =	vst v58;
	(pc) =	sbr.rel .LBB2_15-.Ltmp6, $4  }
0x165: {  	[tilespmem:$0x1150] =	vst v9;
	v6 =	vadd.s32 v5, v6  }
0x166: {  	[tilespmem:$0x1160] =	vst v6;
	v6 =	vadd.s32 v5, v7  }
0x167: {  	s26 =	simm.s32 $0x1100;
	s1 =	simm.s32 $0xF00;
	s9 =	simm.s32 $0x3B80;
	[tilespmem:$0x1170] =	vst v6  }
0x168: {  	[tilespmem:s16], [sflag:$0x2] =	stream.indirect.gather [hbm4b:s6+s28], $0x10, s26, s28, $0xb8;
	[tilespmem:$0x15E80] =	vst v63  }
.LBB2_17:
0x169: {  	_ =	swait.ge [sflag:s11], $0x800  }
0x16a: {  	[sflag:s11] =	ssyncset.done $0x0  }
0x16b: {  	s8 =	simm.s32 $0xF80;
	[sflag:s11] =	ssyncadd.s32 $0xFFFFF800  }
0x16c: {  	[spmem:s2] =	stream.indirect.scatter.add.f32 [tilespmem:s24], [sflag:$0x5], $0x10, s8, s28, $0xb8;
	[tilespmem:$0x15E80] =	vst v63  }
0x16d: {  	_ =	swait.ge [sflag:s12], $0x800  }
0x16e: {  	[sflag:s12] =	ssyncset.done $0x0  }
0x16f: {  	s14 =	simm.s32 $0x1380;
	[sflag:s12] =	ssyncadd.s32 $0xFFFFF800  }
.LBB2_18:
0x170: {  	s17 =	sadd.s32 $0xC0, s17  }
0x171: {  	p3 =	sne.s32 s17, $0x3180  }
.Ltmp7:
0x172: {  	_ = 	snop;
	(pc) =	sbr.rel @!p3 .LBB2_19-.Ltmp7, $4  }
0x173: {  	_ =	swait.ge [sflag:s15], $0x800  }
0x174: {  	s8 =	simm.s32 $0x1000;
	s9 =	simm.s32 $0x3B80;
	[sflag:s15] =	ssyncset.done $0x0  }
0x175: {  	s18 =	smov.u32 s10;
	s24 =	simm.s32 $0xD80;
	[sflag:s15] =	ssyncadd.s32 $0xFFFFF800  }
0x176: {  	[spmem:s2] =	stream.indirect.scatter.add.f32 [tilespmem:s0], [sflag:$0x6], $0x10, s8, s28, $0xb8;
	[tilespmem:$0x15E80] =	vst v63  }
.LBB2_15:
0x177: {  	p3 =	seq.s32 s17, $0x0  }
0x178: {  	s0 =	simm.s32 @!p3 $0x3  }
0x179: {  	_ =	swait.ge @!p3 [sflag:s0], $0x800  }
0x17a: {  	s26 =	sadd.s32 s17, s18;
	[sflag:s0] =	ssyncset.done @!p3 $0x0  }
0x17b: {  	s16 =	sadd.s32 $0x40, s26;
	[sflag:s0] =	ssyncadd.s32 @!p3 $0xFFFFF800  }
0x17c: {  	[tilespmem:s23], [sflag:$0x7] =	stream.linear.gather [hbm4b:s16+s4], $0x100, $0x38;
	[tilespmem:$0x15E80] =	vst v63  }
0x17d: {  	_ =	swait.ge [sflag:s25], $0x100  }
0x17e: {  	[sflag:s25] =	ssyncset.done $0x0  }
0x17f: {  	[sflag:s25] =	ssyncadd.s32 $0xFFFFFF00  }
0x180: {  	v6 =	vld [tilespmem:$0xC80]  }
0x181: {  	v7 =	vld [tilespmem:$0xD00]  }
0x182: {  	v9 =	vld [tilespmem:$0xD10]  }
0x183: {  	v8 =	vld [tilespmem:$0xC90]  }
0x184: {  	v11 =	vld [tilespmem:$0xD20]  }
0x185: {  	v24 =	vld [tilespmem:$0xD30]  }
0x186: {  	v26 =	vld [tilespmem:$0xD40];
	[tilespmem:$0xE80] =	vst v7  }
0x187: {  	v28 =	vld [tilespmem:$0xD50];
	v6 =	vadd.s32 v5, v6;
	[tilespmem:$0xE90] =	vst v9  }
0x188: {  	v7 =	vadd.s32 v5, v8;
	[tilespmem:$0x1180] =	vst v6;
	v6 =	vld [tilespmem:$0xCB0]  }
0x189: {  	[tilespmem:$0x1190] =	vst v7;
	v7 =	vld [tilespmem:$0xCC0]  }
0x18a: {  	v10 =	vld [tilespmem:$0xCA0];
	[tilespmem:$0xEA0] =	vst v11  }
0x18b: {  	v29 =	vld [tilespmem:$0xD60];
	[tilespmem:$0xEB0] =	vst v24  }
0x18c: {  	v30 =	vld [tilespmem:$0xD70];
	[tilespmem:$0xEC0] =	vst v26  }
0x18d: {  	v27 =	vld [tilespmem:$0xCD0];
	[tilespmem:$0xED0] =	vst v28;
	v6 =	vadd.s32 v5, v6  }
0x18e: {  	v7 =	vadd.s32 v5, v7;
	[tilespmem:$0x11B0] =	vst v6;
	v6 =	vld [tilespmem:$0xCE0]  }
0x18f: {  	[tilespmem:$0x11C0] =	vst v7;
	v7 =	vld [tilespmem:$0xCF0]  }
0x190: {  	[tilespmem:$0xEE0] =	vst v29  }
0x191: {  	v25 =	vadd.s32 v5, v10;
	[tilespmem:$0xEF0] =	vst v30  }
0x192: {  	v9 =	vadd.s32 v5, v27;
	[tilespmem:$0x11A0] =	vst v25  }
0x193: {  	[tilespmem:$0x11D0] =	vst v9;
	v6 =	vadd.s32 v5, v6  }
0x194: {  	[tilespmem:$0x11E0] =	vst v6;
	v6 =	vadd.s32 v5, v7  }
0x195: {  	s10 =	smov.u32 s18;
	s18 =	simm.s32 $0x1180;
	s14 =	simm.s32 $0x2380;
	[tilespmem:$0x11F0] =	vst v6  }
0x196: {  	[tilespmem:s14], [sflag:$0x3] =	stream.indirect.gather [hbm4b:s6+s28], $0x10, s18, s28, $0xb8;
	[tilespmem:$0x15E80] =	vst v63  }
0x197: {  	_ =	swait.ge [sflag:s3], $0x800  }
0x198: {  	[sflag:s3] =	ssyncset.done $0x0  }
0x199: {  	s0 =	simm.s32 @!p3 $0x4;
	s16 =	simm.s32 $0x1380;
	[sflag:s3] =	ssyncadd.s32 $0xFFFFF800  }
0x19a: {  	[spmem:s2] =	stream.indirect.scatter.add.f32 [tilespmem:s16], [sflag:$0x1], $0x10, s24, s28, $0xb8;
	[tilespmem:$0x15E80] =	vst v63  }
0x19b: {  	_ =	swait.ge @!p3 [sflag:s0], $0x800  }
0x19c: {  	[sflag:s0] =	ssyncset.done @!p3 $0x0  }
0x19d: {  	s8 =	sadd.s32 $0x60, s26;
	[sflag:s0] =	ssyncadd.s32 @!p3 $0xFFFFF800  }
0x19e: {  	[tilespmem:s23], [sflag:$0x7] =	stream.linear.gather [hbm4b:s8+s4], $0x100, $0x38;
	[tilespmem:$0x15E80] =	vst v63  }
0x19f: {  	_ =	swait.ge [sflag:s25], $0x100  }
0x1a0: {  	[sflag:s25] =	ssyncset.done $0x0  }
0x1a1: {  	[sflag:s25] =	ssyncadd.s32 $0xFFFFFF00  }
0x1a2: {  	v6 =	vld [tilespmem:$0xC80]  }
0x1a3: {  	v7 =	vld [tilespmem:$0xD00]  }
0x1a4: {  	v32 =	vld [tilespmem:$0xD10]  }
0x1a5: {  	v31 =	vld [tilespmem:$0xC90]  }
0x1a6: {  	v34 =	vld [tilespmem:$0xD20]  }
0x1a7: {  	v35 =	vld [tilespmem:$0xD30]  }
0x1a8: {  	v37 =	vld [tilespmem:$0xD40];
	[tilespmem:$0xF00] =	vst v7  }
0x1a9: {  	v39 =	vld [tilespmem:$0xD50];
	v6 =	vadd.s32 v5, v6;
	[tilespmem:$0xF10] =	vst v32  }
0x1aa: {  	v7 =	vadd.s32 v5, v31;
	[tilespmem:$0x1200] =	vst v6;
	v6 =	vld [tilespmem:$0xCB0]  }
0x1ab: {  	[tilespmem:$0x1210] =	vst v7;
	v7 =	vld [tilespmem:$0xCC0]  }
0x1ac: {  	v33 =	vld [tilespmem:$0xCA0];
	[tilespmem:$0xF20] =	vst v34  }
0x1ad: {  	v40 =	vld [tilespmem:$0xD60];
	[tilespmem:$0xF30] =	vst v35  }
0x1ae: {  	v41 =	vld [tilespmem:$0xD70];
	[tilespmem:$0xF40] =	vst v37  }
0x1af: {  	v38 =	vld [tilespmem:$0xCD0];
	[tilespmem:$0xF50] =	vst v39;
	v6 =	vadd.s32 v5, v6  }
0x1b0: {  	v7 =	vadd.s32 v5, v7;
	[tilespmem:$0x1230] =	vst v6;
	v6 =	vld [tilespmem:$0xCE0]  }
0x1b1: {  	[tilespmem:$0x1240] =	vst v7;
	v7 =	vld [tilespmem:$0xCF0]  }
0x1b2: {  	[tilespmem:$0xF60] =	vst v40  }
0x1b3: {  	v36 =	vadd.s32 v5, v33;
	[tilespmem:$0xF70] =	vst v41  }
0x1b4: {  	v9 =	vadd.s32 v5, v38;
	[tilespmem:$0x1220] =	vst v36  }
0x1b5: {  	[tilespmem:$0x1250] =	vst v9;
	v6 =	vadd.s32 v5, v6  }
0x1b6: {  	[tilespmem:$0x1260] =	vst v6;
	v6 =	vadd.s32 v5, v7  }
0x1b7: {  	s18 =	simm.s32 $0x1200;
	s8 =	simm.s32 $0x2B80;
	[tilespmem:$0x1270] =	vst v6  }
0x1b8: {  	[tilespmem:s8], [sflag:$0x4] =	stream.indirect.gather [hbm4b:s6+s28], $0x10, s18, s28, $0xb8;
	[tilespmem:$0x15E80] =	vst v63  }
0x1b9: {  	_ =	swait.ge [sflag:s12], $0x800  }
0x1ba: {  	[sflag:s12] =	ssyncset.done $0x0  }
0x1bb: {  	s0 =	simm.s32 @!p3 $0x5;
	s18 =	simm.s32 $0x1B80;
	[sflag:s12] =	ssyncadd.s32 $0xFFFFF800  }
0x1bc: {  	[spmem:s2] =	stream.indirect.scatter.add.f32 [tilespmem:s18], [sflag:$0x2], $0x10, s31, s28, $0xb8;
	[tilespmem:$0x15E80] =	vst v63  }
0x1bd: {  	_ =	swait.ge @!p3 [sflag:s0], $0x800  }
0x1be: {  	[sflag:s0] =	ssyncset.done @!p3 $0x0  }
0x1bf: {  	s24 =	sadd.s32 $0x80, s26;
	[sflag:s0] =	ssyncadd.s32 @!p3 $0xFFFFF800  }
0x1c0: {  	[tilespmem:s23], [sflag:$0x7] =	stream.linear.gather [hbm4b:s24+s4], $0x100, $0x38;
	[tilespmem:$0x15E80] =	vst v63  }
0x1c1: {  	_ =	swait.ge [sflag:s25], $0x100  }
0x1c2: {  	[sflag:s25] =	ssyncset.done $0x0  }
0x1c3: {  	[sflag:s25] =	ssyncadd.s32 $0xFFFFFF00  }
0x1c4: {  	v6 =	vld [tilespmem:$0xC80]  }
0x1c5: {  	v7 =	vld [tilespmem:$0xD00]  }
0x1c6: {  	v43 =	vld [tilespmem:$0xD10]  }
0x1c7: {  	v42 =	vld [tilespmem:$0xC90]  }
0x1c8: {  	v45 =	vld [tilespmem:$0xD20]  }
0x1c9: {  	v46 =	vld [tilespmem:$0xD30]  }
0x1ca: {  	v48 =	vld [tilespmem:$0xD40];
	[tilespmem:$0xF80] =	vst v7  }
0x1cb: {  	v50 =	vld [tilespmem:$0xD50];
	v6 =	vadd.s32 v5, v6;
	[tilespmem:$0xF90] =	vst v43  }
0x1cc: {  	v7 =	vadd.s32 v5, v42;
	[tilespmem:$0x1280] =	vst v6;
	v6 =	vld [tilespmem:$0xCB0]  }
0x1cd: {  	[tilespmem:$0x1290] =	vst v7;
	v7 =	vld [tilespmem:$0xCC0]  }
0x1ce: {  	v44 =	vld [tilespmem:$0xCA0];
	[tilespmem:$0xFA0] =	vst v45  }
0x1cf: {  	v51 =	vld [tilespmem:$0xD60];
	[tilespmem:$0xFB0] =	vst v46  }
0x1d0: {  	v52 =	vld [tilespmem:$0xD70];
	[tilespmem:$0xFC0] =	vst v48  }
0x1d1: {  	v49 =	vld [tilespmem:$0xCD0];
	[tilespmem:$0xFD0] =	vst v50;
	v6 =	vadd.s32 v5, v6  }
0x1d2: {  	v7 =	vadd.s32 v5, v7;
	[tilespmem:$0x12B0] =	vst v6;
	v6 =	vld [tilespmem:$0xCE0]  }
0x1d3: {  	[tilespmem:$0x12C0] =	vst v7;
	v7 =	vld [tilespmem:$0xCF0]  }
0x1d4: {  	[tilespmem:$0xFE0] =	vst v51  }
0x1d5: {  	v47 =	vadd.s32 v5, v44;
	[tilespmem:$0xFF0] =	vst v52  }
0x1d6: {  	v9 =	vadd.s32 v5, v49;
	[tilespmem:$0x12A0] =	vst v47  }
0x1d7: {  	[tilespmem:$0x12D0] =	vst v9;
	v6 =	vadd.s32 v5, v6  }
0x1d8: {  	[tilespmem:$0x12E0] =	vst v6;
	v6 =	vadd.s32 v5, v7  }
0x1d9: {  	s0 =	simm.s32 $0x1280;
	s24 =	simm.s32 $0x3380;
	[tilespmem:$0x12F0] =	vst v6  }
0x1da: {  	[tilespmem:s24], [sflag:$0x5] =	stream.indirect.gather [hbm4b:s6+s28], $0x10, s0, s28, $0xb8;
	[tilespmem:$0x15E80] =	vst v63  }
0x1db: {  	_ =	swait.ge [sflag:s20], $0x800  }
0x1dc: {  	[sflag:s20] =	ssyncset.done $0x0  }
0x1dd: {  	s0 =	simm.s32 @!p3 $0x6;
	[sflag:s20] =	ssyncadd.s32 $0xFFFFF800  }
0x1de: {  	[spmem:s2] =	stream.indirect.scatter.add.f32 [tilespmem:s14], [sflag:$0x3], $0x10, s30, s28, $0xb8;
	[tilespmem:$0x15E80] =	vst v63  }
0x1df: {  	_ =	swait.ge @!p3 [sflag:s0], $0x800  }
0x1e0: {  	[sflag:s0] =	ssyncset.done @!p3 $0x0  }
0x1e1: {  	s14 =	sadd.s32 $0xA0, s26;
	[sflag:s0] =	ssyncadd.s32 @!p3 $0xFFFFF800  }
0x1e2: {  	[tilespmem:s23], [sflag:$0x7] =	stream.linear.gather [hbm4b:s14+s4], $0x100, $0x38;
	[tilespmem:$0x15E80] =	vst v63  }
0x1e3: {  	_ =	swait.ge [sflag:s25], $0x100  }
0x1e4: {  	[sflag:s25] =	ssyncset.done $0x0  }
0x1e5: {  	[sflag:s25] =	ssyncadd.s32 $0xFFFFFF00  }
0x1e6: {  	v6 =	vld [tilespmem:$0xC80]  }
0x1e7: {  	v7 =	vld [tilespmem:$0xD00]  }
0x1e8: {  	v54 =	vld [tilespmem:$0xD10]  }
0x1e9: {  	v53 =	vld [tilespmem:$0xC90]  }
0x1ea: {  	v56 =	vld [tilespmem:$0xD20]  }
0x1eb: {  	v57 =	vld [tilespmem:$0xD30]  }
0x1ec: {  	v59 =	vld [tilespmem:$0xD40];
	[tilespmem:$0x1000] =	vst v7  }
0x1ed: {  	v61 =	vld [tilespmem:$0xD50];
	v6 =	vadd.s32 v5, v6;
	[tilespmem:$0x1010] =	vst v54  }
0x1ee: {  	v7 =	vadd.s32 v5, v53;
	[tilespmem:$0x1300] =	vst v6;
	v6 =	vld [tilespmem:$0xCB0]  }
0x1ef: {  	[tilespmem:$0x1310] =	vst v7;
	v7 =	vld [tilespmem:$0xCC0]  }
0x1f0: {  	v55 =	vld [tilespmem:$0xCA0];
	[tilespmem:$0x1020] =	vst v56  }
0x1f1: {  	v62 =	vld [tilespmem:$0xD60];
	[tilespmem:$0x1030] =	vst v57  }
0x1f2: {  	v63 =	vld [tilespmem:$0xD70];
	[tilespmem:$0x1040] =	vst v59  }
0x1f3: {  	v60 =	vld [tilespmem:$0xCD0];
	[tilespmem:$0x1050] =	vst v61;
	v6 =	vadd.s32 v5, v6  }
0x1f4: {  	v7 =	vadd.s32 v5, v7;
	[tilespmem:$0x1330] =	vst v6;
	v6 =	vld [tilespmem:$0xCE0]  }
0x1f5: {  	[tilespmem:$0x1340] =	vst v7;
	v7 =	vld [tilespmem:$0xCF0]  }
0x1f6: {  	[tilespmem:$0x1060] =	vst v62  }
0x1f7: {  	v58 =	vadd.s32 v5, v55;
	[tilespmem:$0x1070] =	vst v63  }
0x1f8: {  	v9 =	vadd.s32 v5, v60;
	[tilespmem:$0x1320] =	vst v58  }
0x1f9: {  	[tilespmem:$0x1350] =	vst v9;
	v6 =	vadd.s32 v5, v6  }
0x1fa: {  	[tilespmem:$0x1360] =	vst v6;
	v6 =	vadd.s32 v5, v7  }
0x1fb: {  	s14 =	simm.s32 $0x1300;
	[tilespmem:$0x1370] =	vst v6  }
0x1fc: {  	[tilespmem:s9], [sflag:$0x6] =	stream.indirect.gather [hbm4b:s6+s28], $0x10, s14, s28, $0xb8;
	[tilespmem:$0x15E80] =	vst v63  }
0x1fd: {  	_ =	swait.ge [sflag:s21], $0x800  }
0x1fe: {  	p3 =	seq.s32 s17, $0x30C0;
	[sflag:s21] =	ssyncset.done $0x0  }
.Ltmp8:
0x1ff: {  	[sflag:s21] =	ssyncadd.s32 $0xFFFFF800;
	(pc) =	sbr.rel @p3 .LBB2_17-.Ltmp8, $4  }
0x200: {  	[spmem:s2] =	stream.indirect.scatter.add.f32 [tilespmem:s8], [sflag:$0x4], $0x10, s1, s28, $0xb8;
	[tilespmem:$0x15E80] =	vst v63  }
0x201: {  	_ =	swait.ge [sflag:s3], $0x800  }
0x202: {  	[sflag:s3] =	ssyncset.done $0x0  }
0x203: {  	s0 =	simm.s32 $0x3B80;
	[sflag:s3] =	ssyncadd.s32 $0xFFFFF800  }
0x204: {  	s0 =	sadd.s32 $0xC0, s26  }
0x205: {  	[tilespmem:s23], [sflag:$0x7] =	stream.linear.gather [hbm4b:s0+s4], $0x100, $0x38;
	[tilespmem:$0x15E80] =	vst v63  }
0x206: {  	_ =	swait.ge [sflag:s25], $0x100  }
0x207: {  	[sflag:s25] =	ssyncset.done $0x0  }
0x208: {  	[sflag:s25] =	ssyncadd.s32 $0xFFFFFF00  }
0x209: {  	v6 =	vld [tilespmem:$0xC80]  }
0x20a: {  	v7 =	vld [tilespmem:$0xD00]  }
0x20b: {  	v9 =	vld [tilespmem:$0xD10]  }
0x20c: {  	v8 =	vld [tilespmem:$0xC90]  }
0x20d: {  	v11 =	vld [tilespmem:$0xD20]  }
0x20e: {  	v46 =	vld [tilespmem:$0xD30]  }
0x20f: {  	v48 =	vld [tilespmem:$0xD40];
	[tilespmem:$0xD80] =	vst v7  }
0x210: {  	v50 =	vld [tilespmem:$0xD50];
	v6 =	vadd.s32 v5, v6;
	[tilespmem:$0xD90] =	vst v9  }
0x211: {  	v7 =	vadd.s32 v5, v8;
	[tilespmem:$0x1080] =	vst v6;
	v6 =	vld [tilespmem:$0xCB0]  }
0x212: {  	[tilespmem:$0x1090] =	vst v7;
	v7 =	vld [tilespmem:$0xCC0]  }
0x213: {  	v10 =	vld [tilespmem:$0xCA0];
	[tilespmem:$0xDA0] =	vst v11  }
0x214: {  	v51 =	vld [tilespmem:$0xD60];
	[tilespmem:$0xDB0] =	vst v46  }
0x215: {  	v52 =	vld [tilespmem:$0xD70];
	[tilespmem:$0xDC0] =	vst v48  }
0x216: {  	v49 =	vld [tilespmem:$0xCD0];
	[tilespmem:$0xDD0] =	vst v50;
	v6 =	vadd.s32 v5, v6  }
0x217: {  	v7 =	vadd.s32 v5, v7;
	[tilespmem:$0x10B0] =	vst v6;
	v6 =	vld [tilespmem:$0xCE0]  }
0x218: {  	[tilespmem:$0x10C0] =	vst v7;
	v7 =	vld [tilespmem:$0xCF0]  }
0x219: {  	[tilespmem:$0xDE0] =	vst v51  }
0x21a: {  	v47 =	vadd.s32 v5, v10;
	[tilespmem:$0xDF0] =	vst v52  }
0x21b: {  	v9 =	vadd.s32 v5, v49;
	[tilespmem:$0x10A0] =	vst v47  }
0x21c: {  	[tilespmem:$0x10D0] =	vst v9;
	v6 =	vadd.s32 v5, v6  }
0x21d: {  	[tilespmem:$0x10E0] =	vst v6;
	v6 =	vadd.s32 v5, v7  }
0x21e: {  	s9 =	simm.s32 $0x1080;
	[tilespmem:$0x10F0] =	vst v6  }
0x21f: {  	[tilespmem:s16], [sflag:$0x1] =	stream.indirect.gather [hbm4b:s6+s28], $0x10, s9, s28, $0xb8;
	[tilespmem:$0x15E80] =	vst v63  }
0x220: {  	_ =	swait.ge [sflag:s11], $0x800  }
0x221: {  	[sflag:s11] =	ssyncset.done $0x0  }
0x222: {  	s16 =	simm.s32 $0xF80;
	[sflag:s11] =	ssyncadd.s32 $0xFFFFF800  }
0x223: {  	[spmem:s2] =	stream.indirect.scatter.add.f32 [tilespmem:s24], [sflag:$0x5], $0x10, s16, s28, $0xb8;
	[tilespmem:$0x15E80] =	vst v63  }
0x224: {  	_ =	swait.ge [sflag:s12], $0x800  }
0x225: {  	[sflag:s12] =	ssyncset.done $0x0  }
0x226: {  	s24 =	sadd.s32 $0xE0, s26;
	[sflag:s12] =	ssyncadd.s32 $0xFFFFF800  }
0x227: {  	[tilespmem:s23], [sflag:$0x7] =	stream.linear.gather [hbm4b:s24+s4], $0x100, $0x38;
	[tilespmem:$0x15E80] =	vst v63  }
0x228: {  	_ =	swait.ge [sflag:s25], $0x100  }
0x229: {  	[sflag:s25] =	ssyncset.done $0x0  }
0x22a: {  	[sflag:s25] =	ssyncadd.s32 $0xFFFFFF00  }
0x22b: {  	v6 =	vld [tilespmem:$0xC80]  }
0x22c: {  	v7 =	vld [tilespmem:$0xD00]  }
0x22d: {  	v54 =	vld [tilespmem:$0xD10]  }
0x22e: {  	v53 =	vld [tilespmem:$0xC90]  }
0x22f: {  	v56 =	vld [tilespmem:$0xD20]  }
0x230: {  	v57 =	vld [tilespmem:$0xD30]  }
0x231: {  	v59 =	vld [tilespmem:$0xD40];
	[tilespmem:$0xE00] =	vst v7  }
0x232: {  	v61 =	vld [tilespmem:$0xD50];
	v6 =	vadd.s32 v5, v6;
	[tilespmem:$0xE10] =	vst v54  }
0x233: {  	v7 =	vadd.s32 v5, v53;
	[tilespmem:$0x1100] =	vst v6;
	v6 =	vld [tilespmem:$0xCB0]  }
0x234: {  	[tilespmem:$0x1110] =	vst v7;
	v7 =	vld [tilespmem:$0xCC0]  }
0x235: {  	v55 =	vld [tilespmem:$0xCA0];
	[tilespmem:$0xE20] =	vst v56  }
0x236: {  	v62 =	vld [tilespmem:$0xD60];
	[tilespmem:$0xE30] =	vst v57  }
0x237: {  	v63 =	vld [tilespmem:$0xD70];
	[tilespmem:$0xE40] =	vst v59  }
0x238: {  	v60 =	vld [tilespmem:$0xCD0];
	[tilespmem:$0xE50] =	vst v61;
	v6 =	vadd.s32 v5, v6  }
0x239: {  	v7 =	vadd.s32 v5, v7;
	[tilespmem:$0x1130] =	vst v6;
	v6 =	vld [tilespmem:$0xCE0]  }
0x23a: {  	[tilespmem:$0x1140] =	vst v7;
	v7 =	vld [tilespmem:$0xCF0]  }
0x23b: {  	[tilespmem:$0xE60] =	vst v62  }
0x23c: {  	v58 =	vadd.s32 v5, v55;
	[tilespmem:$0xE70] =	vst v63  }
.Ltmp9:
0x23d: {  	v9 =	vadd.s32 v5, v60;
	[tilespmem:$0x1120] =	vst v58;
	(pc) =	sbr.rel .LBB2_18-.Ltmp9, $4  }
0x23e: {  	[tilespmem:$0x1150] =	vst v9;
	v6 =	vadd.s32 v5, v6  }
0x23f: {  	[tilespmem:$0x1160] =	vst v6;
	v6 =	vadd.s32 v5, v7  }
0x240: {  	s14 =	simm.s32 $0x1380;
	s0 =	simm.s32 $0x3B80;
	s26 =	simm.s32 $0x1100;
	[tilespmem:$0x1170] =	vst v6  }
0x241: {  	[tilespmem:s18], [sflag:$0x2] =	stream.indirect.gather [hbm4b:s6+s28], $0x10, s26, s28, $0xb8;
	[tilespmem:$0x15E80] =	vst v63  }
.LBB2_19:
0x242: {  	_ =	swait.ge [sflag:s20], $0x800  }
0x243: {  	[sflag:s20] =	ssyncset.done $0x0  }
0x244: {  	[sflag:s20] =	ssyncadd.s32 $0xFFFFF800  }
0x245: {  	_ =	swait.ge [sflag:s21], $0x800  }
0x246: {  	[sflag:s21] =	ssyncset.done $0x0  }
0x247: {  	[sflag:s21] =	ssyncadd.s32 $0xFFFFF800  }
0x248: {  	_ =	swait.ge [sflag:s11], $0x800  }
0x249: {  	[sflag:s11] =	ssyncset.done $0x0  }
0x24a: {  	[sflag:s11] =	ssyncadd.s32 $0xFFFFF800  }
0x24b: {  	_ =	swait.ge [sflag:s15], $0x800  }
0x24c: {  	[sflag:s15] =	ssyncset.done $0x0  }
0x24d: {  	[sflag:s15] =	ssyncadd.s32 $0xFFFFF800  }
0x24e: {  	s16 =	simm.s32 $0x1B80;
	[bflag:$0x0] =	sbarrier.arrive $0xFFFF  }
.LBB2_20:
0x24f: {  	s17 =	simm.s32 $0x0;
	s26 =	simm.s32 $0x0  }
.LBB2_21:
0x250: {  	s0 =	smul.u32 $0x190, s26;
	_ =	sdelay $0x1  }
0x251: {  	s0 =	sadd.s32 s7, s0  }
0x252: {  	s10 =	rddreg [dreg:$0x1];
	s30 =	sadd.s32 s13, s0  }
0x253: {  	s31 =	simm.s32 @p0 $0x7D80;
	s0 =	sshll.u32 @!p0 s0, $0x4;
	s1 =	sshll.u32 @p0 s30, $0x1  }
0x254: {  	s0 =	sand.u32 @!p0 $0x3FFFFFF0, s0;
	s1 =	sadd.s32 @p0 s10, s1;
	s10 =	simm.s32 @p0 $0x0  }
0x255: {  	[tilespmem:s31], [sflag:$0x8] =	stream.linear.gather @p0 [hbm4b:s1+s10], $0x1900, $0x38;
	[tilespmem:$0x15E80] =	vst v63  }
0x256: {  	v5 =	vmov s17;
	s0 =	sadd.s32 @!p0 s0, s2;
	s1 =	simm.s32 @!p0 $0x7D80  }
0x257: {  	[tilespmem:s1], [sflag:$0x8] =	stream.linear.gather @!p0 [spmem:s0], $0x1900, $0x38;
	[tilespmem:$0x15E80] =	vst v63  }
0x258: {  	_ =	swait.ge [sflag:s19], $0x1900  }
0x259: {  	[sflag:s19] =	ssyncset.done $0x0  }
0x25a: {  	[sflag:s19] =	ssyncadd.s32 $0xFFFFE700  }
0x25b: {  	v5 =	vld.idx.msk [tilespmem:v5+s4+$0x0], $0xffff;
	_ =	sdelay $0x2  }
0x25c: {  	s0 =	simm.s32 $0x0  }
0x25d: {  	v7 =	vld [tilespmem:s0+$0x7D80]  }
0x25e: {  	v6 =	vmul.f32 v5, v3;
	_ =	sdelay $0x1  }
0x25f: {  	v8 =	vadd.f32 v6, v4  }
0x260: {  	s1 =	sadd.s32 $0x1, s17  }
0x261: {  	s31 =	simm.s32 $0x40;
	s10 =	simm.s32 $0x80;
	v6 =	vmov s1;
	v7 =	vmul.f32 v8, v7  }
.LBB2_22:
0x262: {  	p3 =	sne.s32 s10, $0x63C0  }
0x263: {  	[tilespmem:s0+$0x7D80] =	vst v7;
	v5 =	vmul.f32 v7, v5;
	_ =	sdelay $0x1  }
0x264: {  	[tilespmem:s0+$0x6480] =	vst v5  }
0x265: {  	v5 =	vld.idx.msk [tilespmem:v6+s4+$0x0], $0xffff;
	_ =	sdelay $0x3  }
0x266: {  	s0 =	sshra.s32 s31, $0x2;
	s31 =	smov.u32 s10  }
0x267: {  	v7 =	vld [tilespmem:s0+$0x7D80]  }
.Ltmp10:
0x268: {  	v6 =	vmul.f32 v5, v3;
	(pc) =	sbr.rel @p3 .LBB2_22-.Ltmp10, $4  }
0x269: {  	_ = 	snop  }
0x26a: {  	v8 =	vadd.f32 v6, v4  }
0x26b: {  	s1 =	sadd.s32 $0x1, s1  }
0x26c: {  	s10 =	sadd.s32 $0x40, s10;
	v6 =	vmov s1;
	v7 =	vmul.f32 v8, v7  }
0x26d: {  	_ = 	snop  }
0x26e: {  	v5 =	vmul.f32 v7, v5  }
0x26f: {  	[tilespmem:s0+$0x7D80] =	vst v7  }
0x270: {  	[tilespmem:s0+$0x6480] =	vst v5  }
0x271: {  	v5 =	vld.idx.msk [tilespmem:v6+s4+$0x0], $0xffff;
	_ =	sdelay $0x2  }
0x272: {  	s24 =	sshra.s32 s31, $0x2  }
0x273: {  	v6 =	vld [tilespmem:s24+$0x7D80]  }
0x274: {  	v7 =	vmul.f32 v5, v3;
	_ =	sdelay $0x1  }
0x275: {  	v7 =	vadd.f32 v7, v4;
	_ =	sdelay $0x1  }
0x276: {  	v6 =	vmul.f32 v7, v6;
	_ =	sdelay $0x1  }
0x277: {  	s1 =	sadd.s32 s29, s30;
	v5 =	vmul.f32 v6, v5  }
0x278: {  	s1 =	sshll.u32 s1, $0x1;
	[tilespmem:s24+$0x7D80] =	vst v6  }
0x279: {  	s31 =	sadd.s32 s5, s1;
	[tilespmem:s24+$0x6480] =	vst v5  }
0x27a: {  	[hbm4b:s31+s4] =	stream.linear.scatter [tilespmem:s22], [sflag:$0x8], $0x1900, $0x38;
	[tilespmem:$0x15E80] =	vst v63  }
0x27b: {  	s10 =	simm.s32 @!p1 $0x6480;
	s26 =	sadd.s32 $0x1, s26;
	_ =	swait.ge [sflag:s19], $0x1900  }
0x27c: {  	p3 =	sne.s32 s26, $0x8;
	s0 =	sshll.u32 @!p1 s30, $0x1;
	[sflag:s19] =	ssyncset.done $0x0  }
0x27d: {  	s1 =	simm.s32 @!p1 $0x0;
	s0 =	sadd.s32 @!p1 s6, s0;
	[sflag:s19] =	ssyncadd.s32 $0xFFFFE700  }
0x27e: {  	[hbm4b:s0+s1] =	stream.linear.scatter @!p1 [tilespmem:s10], [sflag:$0x7], $0x1900, $0x38;
	[tilespmem:$0x15E80] =	vst v63  }
.Ltmp11:
0x27f: {  	_ = 	snop;
	(pc) =	sbr.rel @p3 .LBB2_21-.Ltmp11, $4  }
0x280: {  	s0 =	simm.s32 @!p1 $0x7  }
0x281: {  	_ =	swait.ge @!p1 [sflag:s0], $0x1900  }
0x282: {  	[sflag:s0] =	ssyncset.done @!p1 $0x0  }
0x283: {  	s17 =	sadd.s32 $0x190, s17;
	[sflag:s0] =	ssyncadd.s32 @!p1 $0xFFFFE700  }
.Ltmp12:
0x284: {  	(pc) =	sbr.rel @p2 .LBB2_13-.Ltmp12, $3  }
0x285: {  	_ =	sdelay $0x1  }
0x286: {  	[bflag:$0x0] =	sbarrier.arrive $0xFFFF;
	s0 =	simm.s32 $0x1;
	p3 =	por $0x0, $0x0  }
0x287: {  	s24 =	simm.s32 $0xD80;
	s31 =	simm.s32 $0xE00;
	s30 =	simm.s32 $0xE80  }
0x288: {  	s0 =	rddreg [dreg:$0x15]  }
0x289: {  	s0 =	sadd.s32 $0x1, s0  }
0x28a: {  	p0 =	sne.s32 s0, $0x4  }
.Ltmp13:
0x28b: {  	_ = 	snop;
	(pc) =	sbr.rel @p0 .LBB2_12-.Ltmp13, $1  }
0x28c: {  	_ =	sdelay $0x3  }
0x28d: {  	s8 =	rddreg [dreg:$0x14]  }
0x28e: {  	s0 =	rddreg [dreg:$0x8];
	s8 =	sadd.s32 $0x1, s8  }
0x28f: {  	p0 =	sne.s32 s8, s0  }
.Ltmp14:
0x290: {  	_ = 	snop;
	(pc) =	sbr.rel @p0 .LBB2_1-.Ltmp14, $2  }
0x291: {  	_ =	sdelay $0x2  }
0x292: {  	s17 =	simm.s32 $0x4380  }
0x293: {  	_ =	sfence.sel $0x180000  }
0x294: {  	[bflag:$0x0] =	sbarrier.arrive $0xFFFF  }
0x295: {  	_ =	strace $0x90000047  }
0x296: {  	s0 =	stileid.u32;
	[bflag:$0x2] =	sbarrier.arrive $0xFFFF  }
0x297: {  	p0 =	sne.s32 s0, $0x0;
	s0 =	rddreg [dreg:$0x4]  }
0x298: {  	s0 =	sadd.s32 @!p0 $0x100000, s0  }
0x299: {  	[sflag:s0] =	ssyncadd.tile.s32 @!p0 $0x1;
	_ =	shalt  }
.Lfunc_end2:
_tile_overlayer_lowered:
.L_overlay_start_2:
0x29a: {  	(tag) =	ssettag $0x2  }
0x29b: {  	s0 =	rddreg [dreg:$0x0];
	s2 =	stileid.u32  }
0x29c: {  	s1 =	rddreg [dreg:$0x1];
	p0 =	sne.s32 s2, $0x0  }
0x29d: {  	s3 =	rddreg [dreg:$0x2];
	[bflag:$0x3] =	sbarrier.arrive $0xFFFF;
	s2 =	simm.s32 @!p0 $0x1C07  }
0x29e: {  	[timem:s3], [sflag:s2] =	dma.local @!p0 [hbm:s0], s1  }
0x29f: {  	s0 =	simm.s32 @!p0 $0x7  }
0x2a0: {  	_ =	swait.ge @!p0 [sflag:s0], s1  }
0x2a1: {  	s1 =	ssub.s32 @!p0 $0x0, s1;
	[sflag:s0] =	ssyncset.done @!p0 $0x0  }
0x2a2: {  	[sflag:s0] =	ssyncadd.s32 @!p0 s1  }
0x2a3: {  	[bflag:$0x3] =	sbarrier.arrive $0xFFFF  }
0x2a4: {  	_ =	shalt  }

</sc_bundles>
